<compile_context>
chip_gen: v7x
topology: tpu7x:2x2x1
jax: 0.10.2.dev20260603
libtpu: 0.0.44.dev20260713+nightly
codegen_flags: <defaults>
</compile_context>

<pallas_src>
import functools

import jax
import jax.numpy as jnp
from jax import lax
from jax.experimental import pallas as pl
from jax.experimental.pallas import tpu as pltpu
from jax.experimental.pallas import tpu_sc as plsc

_E = 320000
_N = 10000
_H = 16
_NC = 2
_NS = 16
_NW = _NC * _NS
_IR = _E // 128
_RW = 78
_TL = _IR - _NW * _RW
_GR = 13
_NG = _RW // _GR
_GE = _GR * 128
_GP = _GE // 8
_WR = 1000
_EP = _E // 8


@functools.lru_cache(maxsize=None)
def _sc_kernels():
    mesh = plsc.VectorSubcoreMesh(core_axis_name="c", subcore_axis_name="s")

    def _pack(rows_e, rows_p, nrows):
        def body(r, carry):
            for l in range(8):
                v = rows_e[8 * r + l, :]
                rows_p[r, pl.ds(l * _H, _H)] = v
            return carry
        lax.fori_loop(0, nrows, body, 0)

    def _unpack(rows_p, rows_e, nrows):
        def body(r, carry):
            for l in range(8):
                v = rows_p[r, pl.ds(l * _H, _H)]
                rows_e[8 * r + l, :] = v
            return carry
        lax.fori_loop(0, nrows, body, 0)

    @functools.partial(
        pl.kernel,
        mesh=mesh,
        out_type=jax.ShapeDtypeStruct((_EP, 128), jnp.float32),
        scratch_types=[
            pltpu.VMEM((_RW * 128,), jnp.int32),
            pltpu.VMEM((128,), jnp.int32),
            pltpu.VMEM((_GE, _H), jnp.float32),
            pltpu.VMEM((_GP, 128), jnp.float32),
            pltpu.SemaphoreType.DMA,
        ],
        compiler_params=pltpu.CompilerParams(use_tc_tiling_on_sc=False),
    )
    def _sc_gather(node_hbm, idx_hbm, x_hbm, idx_v, idx_t, rows_e, rows_p, sem):
        wid = lax.axis_index("s") * _NC + lax.axis_index("c")
        r0 = wid * _RW
        p0 = r0 * _H
        pltpu.sync_copy(idx_hbm.at[pl.ds(r0 * 128, _RW * 128)], idx_v)

        def body(g, carry):
            descs = [
                pltpu.async_copy(
                    node_hbm.at[idx_v.at[pl.ds((g * _GR + k) * 128, 128)]],
                    rows_e.at[pl.ds(k * 128, 128)], sem)
                for k in range(_GR)
            ]
            for d in descs:
                d.wait()
            _pack(rows_e, rows_p, _GP)
            pltpu.sync_copy(rows_p, x_hbm.at[pl.ds(p0 + g * _GP, _GP)])
            return carry

        lax.fori_loop(0, _NG, body, 0)

        @pl.when(wid < _TL)
        def _():
            tr = _NW * _RW + wid
            pltpu.sync_copy(idx_hbm.at[pl.ds(tr * 128, 128)], idx_t)
            pltpu.async_copy(node_hbm.at[idx_t],
                             rows_e.at[pl.ds(0, 128)], sem).wait()
            _pack(rows_e, rows_p, _H)
            pltpu.sync_copy(rows_p.at[pl.ds(0, _H)],
                            x_hbm.at[pl.ds(tr * _H, _H)])

    @functools.partial(
        pl.kernel,
        mesh=mesh,
        out_type=jax.ShapeDtypeStruct((_NC, _N // 8, 128), jnp.float32),
        scratch_types=[
            pltpu.VMEM_SHARED((_N, _H), jnp.float32),
            pltpu.VMEM((_RW * 128,), jnp.int32),
            pltpu.VMEM((128,), jnp.int32),
            pltpu.VMEM((_GE, _H), jnp.float32),
            pltpu.VMEM((_GP, 128), jnp.float32),
        ],
        compiler_params=pltpu.CompilerParams(use_tc_tiling_on_sc=False),
    )
    def _sc_scatter(msg_hbm, dom_hbm, part_hbm, acc, idx_v, idx_t, rows_e,
                    rows_p):
        cid = lax.axis_index("c")
        sid = lax.axis_index("s")
        wid = sid * _NC + cid
        r0 = wid * _RW
        p0 = r0 * _H

        def zbody(i, carry):
            rows_e[i, :] = jnp.zeros((_H,), jnp.float32)
            return carry

        lax.fori_loop(0, _WR, zbody, 0)

        @pl.when(sid < _N // _WR)
        def _():
            pltpu.sync_copy(rows_e.at[pl.ds(0, _WR)],
                            acc.at[pl.ds(sid * _WR, _WR)])

        plsc.subcore_barrier()
        pltpu.sync_copy(dom_hbm.at[pl.ds(r0 * 128, _RW * 128)], idx_v)

        def body(g, carry):
            pltpu.sync_copy(msg_hbm.at[pl.ds(p0 + g * _GP, _GP)], rows_p)
            _unpack(rows_p, rows_e, _GP)
            for k in range(_GR):
                pltpu.sync_copy(
                    rows_e.at[pl.ds(k * 128, 128)],
                    acc.at[idx_v.at[pl.ds((g * _GR + k) * 128, 128)]],
                    add=True)
            return carry

        lax.fori_loop(0, _NG, body, 0)

        @pl.when(wid < _TL)
        def _():
            tr = _NW * _RW + wid
            pltpu.sync_copy(dom_hbm.at[pl.ds(tr * 128, 128)], idx_t)
            pltpu.sync_copy(msg_hbm.at[pl.ds(tr * _H, _H)],
                            rows_p.at[pl.ds(0, _H)])
            _unpack(rows_p, rows_e, _H)
            pltpu.sync_copy(rows_e.at[pl.ds(0, 128)],
                            acc.at[idx_t], add=True)

        plsc.subcore_barrier()

        @pl.when(sid < _N // _WR)
        def _():
            pltpu.sync_copy(acc.at[pl.ds(sid * _WR, _WR)],
                            rows_e.at[pl.ds(0, _WR)])
            _pack(rows_e, rows_p, _WR // 8)
            pltpu.sync_copy(rows_p.at[pl.ds(0, _WR // 8)],
                            part_hbm.at[cid, pl.ds(sid * (_WR // 8),
                                                   _WR // 8)])

    return _sc_gather, _sc_scatter


_TE = 6400


def _dense_body(ef_ref, xs_ref, wm_ref, b_ref, v_ref, s_ref, o_ref):
    bf = jnp.bfloat16
    f32 = jnp.float32
    mlp8 = jnp.maximum(
        jnp.dot(ef_ref[...].astype(bf), wm_ref[...],
                preferred_element_type=f32) + b_ref[...], 0.0)
    mlpb = mlp8.astype(bf)
    x8b = xs_ref[...].astype(bf)
    acc = jnp.dot(mlpb, s_ref[0], preferred_element_type=f32) * \
        jnp.dot(x8b, v_ref[0], preferred_element_type=f32)
    for k in range(1, _H):
        mk = jnp.dot(mlpb, s_ref[k], preferred_element_type=f32)
        gk = jnp.dot(x8b, v_ref[k], preferred_element_type=f32)
        acc = acc + mk * gk
    o_ref[...] = acc


def _tc_dense(ef8, xs8, Wbd, b8, V, S, interpret=False):
    tp = _TE // 8
    return pl.pallas_call(
        _dense_body,
        grid=(_E // _TE,),
        in_specs=[
            pl.BlockSpec((tp, 128), lambda i: (i, 0)),
            pl.BlockSpec((tp, 128), lambda i: (i, 0)),
            pl.BlockSpec((128, 128), lambda i: (0, 0)),
            pl.BlockSpec((1, 128), lambda i: (0, 0)),
            pl.BlockSpec((_H, 128, 128), lambda i: (0, 0, 0)),
            pl.BlockSpec((_H, 128, 128), lambda i: (0, 0, 0)),
        ],
        out_specs=pl.BlockSpec((tp, 128), lambda i: (i, 0)),
        out_shape=jax.ShapeDtypeStruct((_EP, 128), jnp.float32),
        interpret=interpret,
    )(ef8, xs8, Wbd, b8, V, S)


def _combine_body(p_ref, o_ref):
    o_ref[...] = p_ref[0] + p_ref[1]


def _tc_combine(parts, interpret=False):
    return pl.pallas_call(
        _combine_body,
        out_shape=jax.ShapeDtypeStruct((_N // 8, 128), jnp.float32),
        interpret=interpret,
    )(parts)


def kernel(node_features, edge_features, edge_domain, edge_range, W_mlp, b_mlp, W_E):
    f32 = jnp.float32
    eye8 = jnp.eye(8, dtype=f32)
    eye = jnp.eye(_H, dtype=f32)
    bf = jnp.bfloat16
    Wbd = jnp.kron(eye8, W_mlp.T).astype(bf)
    b8 = jnp.tile(b_mlp, (8,)).reshape(1, 128)
    WE = W_E.reshape(_H, _H, _H)
    V = jnp.stack([jnp.kron(eye8, WE[k].T) for k in range(_H)]).astype(bf)
    S = jnp.stack([
        jnp.kron(eye8, jnp.zeros((_H, _H), f32).at[k].set(1.0))
        for k in range(_H)
    ]).astype(bf)

    sc_gather, sc_scatter = _sc_kernels()
    x8 = sc_gather(node_features, edge_range)
    ef8 = edge_features.reshape(_EP, 128)
    msg8 = _tc_dense(ef8, x8, Wbd, b8, V, S)
    parts = sc_scatter(msg8, edge_domain)
    return _tc_combine(parts).reshape(_N, _H)

# --- scband reference (transcript-rebuilt; emitter-appended) ---
"""Pipeline reference for scband-edge-network-18880676233591 (READ-ONLY COPY).

The authoritative reference and input builder live on the scoring server;
editing this copy changes nothing except your own understanding.
"""

import jax, jax.numpy as jnp
import numpy as np

N_NODES = 10000
N_EDGES = 320000
N_HIDDEN = 16
N_FEATURES = 16


def setup_inputs(seed: int = 0) -> dict:
    key = jax.random.key(seed)
    k1, k2, k3, k4, k5, k6, k7 = jax.random.split(key, 7)
    node_features = jax.random.normal(k1, (N_NODES, N_HIDDEN), dtype=jnp.float32)
    edge_features = jax.random.normal(k2, (N_EDGES, N_FEATURES), dtype=jnp.float32)
    edge_domain = jax.random.randint(k3, (N_EDGES,), 0, N_NODES, dtype=jnp.int32)
    edge_range = jax.random.randint(k4, (N_EDGES,), 0, N_NODES, dtype=jnp.int32)
    # Parameters: E_mlp = Linear(n_features, n_hidden) + ReLU; E = Linear(n_hidden*n_hidden, n_hidden, bias=False)
    # torch Linear weight layout: [out_features, in_features]
    W_mlp = jax.random.normal(k5, (N_HIDDEN, N_FEATURES), dtype=jnp.float32) * (1.0 / np.sqrt(N_FEATURES))
    b_mlp = jax.random.normal(k6, (N_HIDDEN,), dtype=jnp.float32) * 0.01
    W_E = jax.random.normal(k7, (N_HIDDEN, N_HIDDEN * N_HIDDEN), dtype=jnp.float32) * (1.0 / np.sqrt(N_HIDDEN))
    return {
        "node_features": node_features,
        "edge_features": edge_features,
        "edge_domain": edge_domain,
        "edge_range": edge_range,
        "W_mlp": W_mlp,
        "b_mlp": b_mlp,
        "W_E": W_E,
    }


def reference(node_features, edge_features, edge_domain, edge_range, W_mlp, b_mlp, W_E):
    n_nodes = node_features.shape[0]
    # E_mlp: Linear + ReLU  (torch: x @ W.T + b)
    mlp_features = jax.nn.relu(edge_features @ W_mlp.T + b_mlp)
    # A = torch.mm(mlp_features, self.E.weight)  -> [E, n_hidden*n_hidden]
    A = mlp_features @ W_E
    A = A.reshape((-1, N_HIDDEN, N_HIDDEN))
    # gather source node features per edge
    range_node = jnp.take(node_features, edge_range, axis=0)[:, :, None]
    # bmm: [E, H, H] @ [E, H, 1] -> [E, H]
    edge_message = jnp.squeeze(jnp.matmul(A, range_node), axis=2)
    # scatter-add into destination nodes
    out = jnp.zeros((n_nodes, N_HIDDEN), dtype=edge_message.dtype).at[edge_domain].add(edge_message)
    return out

if __name__ == "__main__":
    import jax
    _d = setup_inputs()
    print(jax.jit(kernel)(*tuple(_d.values())))

</pallas_src>

<mosaic_0001>
#map = affine_map<(d0, d1) -> (0, 0)>
#map1 = affine_map<(d0, d1) -> (0)>
module attributes {stable_mosaic.version = 14 : i64} {
  func.func @_sc_gather(%arg0: i32, %arg1: i32, %arg2: memref<10000x16xf32, #tpu.memory_space<hbm>>, %arg3: memref<320000xi32, #tpu.memory_space<hbm>>, %arg4: memref<40000x128xf32, #tpu.memory_space<hbm>>, %arg5: memref<9984xi32, #tpu.memory_space<vmem>>, %arg6: memref<128xi32, #tpu.memory_space<vmem>>, %arg7: memref<1664x16xf32, #tpu.memory_space<vmem>>, %arg8: memref<208x128xf32, #tpu.memory_space<vmem>>, %arg9: memref<!tpu.dma_semaphore, #tpu.memory_space<semaphore_mem>>) attributes {dimension_semantics = [#tpu.dimension_semantics<core_parallel>, #tpu.dimension_semantics<subcore_parallel>], iteration_bounds = array<i64: 2, 16>, scalar_prefetch = 0 : i64, scratch_operands = 5 : i64, tpu.core_type = #tpu.core_type<sc_vector_subcore>, window_params = [{transform_indices = #map}, {transform_indices = #map1}, {transform_indices = #map}]} {
    %mul3A = arith.constant 2 : i32
    %mul3A_0 = arith.muli %arg1, %mul3A : i32
    %add3A = arith.addi %mul3A_0, %arg0 : i32
    %mul3A_1 = arith.constant 78 : i32
    %mul3A_2 = arith.muli %add3A, %mul3A_1 : i32
    %mul3A_3 = arith.constant 16 : i32
    %mul3A_4 = arith.muli %mul3A_2, %mul3A_3 : i32
    %mul3A_5 = arith.constant 128 : i32
    %mul3A_6 = arith.muli %mul3A_2, %mul3A_5 : i32
    "tpu.region"() ({
      %run_scoped3A = tpu.sem_alloc : memref<!tpu.dma_semaphore, #tpu.memory_space<semaphore_mem>>
      %dma_start3A = tpu.memref_slice %arg3[%mul3A_6] : memref<320000xi32, #tpu.memory_space<hbm>> -> memref<9984xi32, #tpu.memory_space<hbm>>
      %dma_start3A_14 = tpu.memref_slice %arg3[%mul3A_6] : memref<320000xi32, #tpu.memory_space<hbm>> -> memref<9984xi32, #tpu.memory_space<hbm>>
      tpu.enqueue_dma source(%dma_start3A_14 : memref<9984xi32, #tpu.memory_space<hbm>>) target(%arg5 : memref<9984xi32, #tpu.memory_space<vmem>>) target_semaphore(%run_scoped3A : memref<!tpu.dma_semaphore, #tpu.memory_space<semaphore_mem>>)
      %dma_wait3A = tpu.memref_slice %arg3[%mul3A_6] : memref<320000xi32, #tpu.memory_space<hbm>> -> memref<9984xi32, #tpu.memory_space<hbm>>
      %dma_wait3A_15 = tpu.memref_slice %arg3[%mul3A_6] : memref<320000xi32, #tpu.memory_space<hbm>> -> memref<9984xi32, #tpu.memory_space<hbm>>
      tpu.wait_dma2 semaphore(%run_scoped3A : memref<!tpu.dma_semaphore, #tpu.memory_space<semaphore_mem>>) src(%dma_wait3A_15 : memref<9984xi32, #tpu.memory_space<hbm>>) dst(%arg5 : memref<9984xi32, #tpu.memory_space<vmem>>)
      tpu.yield
    }) : () -> ()
    %scan3A = arith.constant 0 : i32
    %scan3A_7 = arith.constant 0 : i32
    %scan3A_8 = arith.constant 6 : i32
    %scan3A_9 = arith.addi %scan3A_7, %scan3A_8 : i32
    %scan3A_10 = arith.constant 1 : i32
    scf.for %scan3A_14 = %scan3A_7 to %scan3A_9 step %scan3A_10  : i32 {
      %mul3A_15 = arith.constant 13 : i32
      %mul3A_16 = arith.muli %scan3A_14, %mul3A_15 : i32
      %add3A_17 = arith.constant 0 : i32
      %add3A_18 = arith.addi %mul3A_16, %add3A_17 : i32
      %mul3A_19 = arith.constant 128 : i32
      %mul3A_20 = arith.muli %add3A_18, %mul3A_19 : i32
      %dma_start3A = arith.constant 0 : i32
      %dma_start3A_21 = arith.constant 0 : i32
      %dma_start3A_22 = tpu.memref_slice %arg7[%dma_start3A, %dma_start3A_21] : memref<1664x16xf32, #tpu.memory_space<vmem>> -> memref<128x16xf32, #tpu.memory_space<vmem>>
      %dma_start3A_23 = tpu.memref_slice %arg5[%mul3A_20] : memref<9984xi32, #tpu.memory_space<vmem>> -> memref<128xi32, #tpu.memory_space<vmem>>
      %dma_start3A_24 = arith.constant 0 : i32
      %dma_start3A_25 = arith.constant 0 : i32
      %dma_start3A_26 = tpu.memref_slice %arg2[%dma_start3A_24, %dma_start3A_25] : memref<10000x16xf32, #tpu.memory_space<hbm>> -> memref<10000x16xf32, #tpu.memory_space<hbm>>
      tpu.enqueue_indirect_dma source(%dma_start3A_26 : memref<10000x16xf32, #tpu.memory_space<hbm>>) target(%dma_start3A_22 : memref<128x16xf32, #tpu.memory_space<vmem>>) offsets(%dma_start3A_23 : memref<128xi32, #tpu.memory_space<vmem>>) semaphore(%arg9 : memref<!tpu.dma_semaphore, #tpu.memory_space<semaphore_mem>>)
      %mul3A_27 = arith.constant 13 : i32
      %mul3A_28 = arith.muli %scan3A_14, %mul3A_27 : i32
      %add3A_29 = arith.constant 1 : i32
      %add3A_30 = arith.addi %mul3A_28, %add3A_29 : i32
      %mul3A_31 = arith.constant 128 : i32
      %mul3A_32 = arith.muli %add3A_30, %mul3A_31 : i32
      %dma_start3A_33 = arith.constant 128 : i32
      %dma_start3A_34 = arith.constant 0 : i32
      %dma_start3A_35 = tpu.memref_slice %arg7[%dma_start3A_33, %dma_start3A_34] : memref<1664x16xf32, #tpu.memory_space<vmem>> -> memref<128x16xf32, #tpu.memory_space<vmem>>
      %dma_start3A_36 = tpu.memref_slice %arg5[%mul3A_32] : memref<9984xi32, #tpu.memory_space<vmem>> -> memref<128xi32, #tpu.memory_space<vmem>>
      %dma_start3A_37 = arith.constant 0 : i32
      %dma_start3A_38 = arith.constant 0 : i32
      %dma_start3A_39 = tpu.memref_slice %arg2[%dma_start3A_37, %dma_start3A_38] : memref<10000x16xf32, #tpu.memory_space<hbm>> -> memref<10000x16xf32, #tpu.memory_space<hbm>>
      tpu.enqueue_indirect_dma source(%dma_start3A_39 : memref<10000x16xf32, #tpu.memory_space<hbm>>) target(%dma_start3A_35 : memref<128x16xf32, #tpu.memory_space<vmem>>) offsets(%dma_start3A_36 : memref<128xi32, #tpu.memory_space<vmem>>) semaphore(%arg9 : memref<!tpu.dma_semaphore, #tpu.memory_space<semaphore_mem>>)
      %mul3A_40 = arith.constant 13 : i32
      %mul3A_41 = arith.muli %scan3A_14, %mul3A_40 : i32
      %add3A_42 = arith.constant 2 : i32
      %add3A_43 = arith.addi %mul3A_41, %add3A_42 : i32
      %mul3A_44 = arith.constant 128 : i32
      %mul3A_45 = arith.muli %add3A_43, %mul3A_44 : i32
      %dma_start3A_46 = arith.constant 256 : i32
      %dma_start3A_47 = arith.constant 0 : i32
      %dma_start3A_48 = tpu.memref_slice %arg7[%dma_start3A_46, %dma_start3A_47] : memref<1664x16xf32, #tpu.memory_space<vmem>> -> memref<128x16xf32, #tpu.memory_space<vmem>>
      %dma_start3A_49 = tpu.memref_slice %arg5[%mul3A_45] : memref<9984xi32, #tpu.memory_space<vmem>> -> memref<128xi32, #tpu.memory_space<vmem>>
      %dma_start3A_50 = arith.constant 0 : i32
      %dma_start3A_51 = arith.constant 0 : i32
      %dma_start3A_52 = tpu.memref_slice %arg2[%dma_start3A_50, %dma_start3A_51] : memref<10000x16xf32, #tpu.memory_space<hbm>> -> memref<10000x16xf32, #tpu.memory_space<hbm>>
      tpu.enqueue_indirect_dma source(%dma_start3A_52 : memref<10000x16xf32, #tpu.memory_space<hbm>>) target(%dma_start3A_48 : memref<128x16xf32, #tpu.memory_space<vmem>>) offsets(%dma_start3A_49 : memref<128xi32, #tpu.memory_space<vmem>>) semaphore(%arg9 : memref<!tpu.dma_semaphore, #tpu.memory_space<semaphore_mem>>)
      %mul3A_53 = arith.constant 13 : i32
      %mul3A_54 = arith.muli %scan3A_14, %mul3A_53 : i32
      %add3A_55 = arith.constant 3 : i32
      %add3A_56 = arith.addi %mul3A_54, %add3A_55 : i32
      %mul3A_57 = arith.constant 128 : i32
      %mul3A_58 = arith.muli %add3A_56, %mul3A_57 : i32
      %dma_start3A_59 = arith.constant 384 : i32
      %dma_start3A_60 = arith.constant 0 : i32
      %dma_start3A_61 = tpu.memref_slice %arg7[%dma_start3A_59, %dma_start3A_60] : memref<1664x16xf32, #tpu.memory_space<vmem>> -> memref<128x16xf32, #tpu.memory_space<vmem>>
      %dma_start3A_62 = tpu.memref_slice %arg5[%mul3A_58] : memref<9984xi32, #tpu.memory_space<vmem>> -> memref<128xi32, #tpu.memory_space<vmem>>
      %dma_start3A_63 = arith.constant 0 : i32
      %dma_start3A_64 = arith.constant 0 : i32
      %dma_start3A_65 = tpu.memref_slice %arg2[%dma_start3A_63, %dma_start3A_64] : memref<10000x16xf32, #tpu.memory_space<hbm>> -> memref<10000x16xf32, #tpu.memory_space<hbm>>
      tpu.enqueue_indirect_dma source(%dma_start3A_65 : memref<10000x16xf32, #tpu.memory_space<hbm>>) target(%dma_start3A_61 : memref<128x16xf32, #tpu.memory_space<vmem>>) offsets(%dma_start3A_62 : memref<128xi32, #tpu.memory_space<vmem>>) semaphore(%arg9 : memref<!tpu.dma_semaphore, #tpu.memory_space<semaphore_mem>>)
      %mul3A_66 = arith.constant 13 : i32
      %mul3A_67 = arith.muli %scan3A_14, %mul3A_66 : i32
      %add3A_68 = arith.constant 4 : i32
      %add3A_69 = arith.addi %mul3A_67, %add3A_68 : i32
      %mul3A_70 = arith.constant 128 : i32
      %mul3A_71 = arith.muli %add3A_69, %mul3A_70 : i32
      %dma_start3A_72 = arith.constant 512 : i32
      %dma_start3A_73 = arith.constant 0 : i32
      %dma_start3A_74 = tpu.memref_slice %arg7[%dma_start3A_72, %dma_start3A_73] : memref<1664x16xf32, #tpu.memory_space<vmem>> -> memref<128x16xf32, #tpu.memory_space<vmem>>
      %dma_start3A_75 = tpu.memref_slice %arg5[%mul3A_71] : memref<9984xi32, #tpu.memory_space<vmem>> -> memref<128xi32, #tpu.memory_space<vmem>>
      %dma_start3A_76 = arith.constant 0 : i32
      %dma_start3A_77 = arith.constant 0 : i32
      %dma_start3A_78 = tpu.memref_slice %arg2[%dma_start3A_76, %dma_start3A_77] : memref<10000x16xf32, #tpu.memory_space<hbm>> -> memref<10000x16xf32, #tpu.memory_space<hbm>>
      tpu.enqueue_indirect_dma source(%dma_start3A_78 : memref<10000x16xf32, #tpu.memory_space<hbm>>) target(%dma_start3A_74 : memref<128x16xf32, #tpu.memory_space<vmem>>) offsets(%dma_start3A_75 : memref<128xi32, #tpu.memory_space<vmem>>) semaphore(%arg9 : memref<!tpu.dma_semaphore, #tpu.memory_space<semaphore_mem>>)
      %mul3A_79 = arith.constant 13 : i32
      %mul3A_80 = arith.muli %scan3A_14, %mul3A_79 : i32
      %add3A_81 = arith.constant 5 : i32
      %add3A_82 = arith.addi %mul3A_80, %add3A_81 : i32
      %mul3A_83 = arith.constant 128 : i32
      %mul3A_84 = arith.muli %add3A_82, %mul3A_83 : i32
      %dma_start3A_85 = arith.constant 640 : i32
      %dma_start3A_86 = arith.constant 0 : i32
      %dma_start3A_87 = tpu.memref_slice %arg7[%dma_start3A_85, %dma_start3A_86] : memref<1664x16xf32, #tpu.memory_space<vmem>> -> memref<128x16xf32, #tpu.memory_space<vmem>>
      %dma_start3A_88 = tpu.memref_slice %arg5[%mul3A_84] : memref<9984xi32, #tpu.memory_space<vmem>> -> memref<128xi32, #tpu.memory_space<vmem>>
      %dma_start3A_89 = arith.constant 0 : i32
      %dma_start3A_90 = arith.constant 0 : i32
      %dma_start3A_91 = tpu.memref_slice %arg2[%dma_start3A_89, %dma_start3A_90] : memref<10000x16xf32, #tpu.memory_space<hbm>> -> memref<10000x16xf32, #tpu.memory_space<hbm>>
      tpu.enqueue_indirect_dma source(%dma_start3A_91 : memref<10000x16xf32, #tpu.memory_space<hbm>>) target(%dma_start3A_87 : memref<128x16xf32, #tpu.memory_space<vmem>>) offsets(%dma_start3A_88 : memref<128xi32, #tpu.memory_space<vmem>>) semaphore(%arg9 : memref<!tpu.dma_semaphore, #tpu.memory_space<semaphore_mem>>)
      %mul3A_92 = arith.constant 13 : i32
      %mul3A_93 = arith.muli %scan3A_14, %mul3A_92 : i32
      %add3A_94 = arith.constant 6 : i32
      %add3A_95 = arith.addi %mul3A_93, %add3A_94 : i32
      %mul3A_96 = arith.constant 128 : i32
      %mul3A_97 = arith.muli %add3A_95, %mul3A_96 : i32
      %dma_start3A_98 = arith.constant 768 : i32
      %dma_start3A_99 = arith.constant 0 : i32
      %dma_start3A_100 = tpu.memref_slice %arg7[%dma_start3A_98, %dma_start3A_99] : memref<1664x16xf32, #tpu.memory_space<vmem>> -> memref<128x16xf32, #tpu.memory_space<vmem>>
      %dma_start3A_101 = tpu.memref_slice %arg5[%mul3A_97] : memref<9984xi32, #tpu.memory_space<vmem>> -> memref<128xi32, #tpu.memory_space<vmem>>
      %dma_start3A_102 = arith.constant 0 : i32
      %dma_start3A_103 = arith.constant 0 : i32
      %dma_start3A_104 = tpu.memref_slice %arg2[%dma_start3A_102, %dma_start3A_103] : memref<10000x16xf32, #tpu.memory_space<hbm>> -> memref<10000x16xf32, #tpu.memory_space<hbm>>
      tpu.enqueue_indirect_dma source(%dma_start3A_104 : memref<10000x16xf32, #tpu.memory_space<hbm>>) target(%dma_start3A_100 : memref<128x16xf32, #tpu.memory_space<vmem>>) offsets(%dma_start3A_101 : memref<128xi32, #tpu.memory_space<vmem>>) semaphore(%arg9 : memref<!tpu.dma_semaphore, #tpu.memory_space<semaphore_mem>>)
      %mul3A_105 = arith.constant 13 : i32
      %mul3A_106 = arith.muli %scan3A_14, %mul3A_105 : i32
      %add3A_107 = arith.constant 7 : i32
      %add3A_108 = arith.addi %mul3A_106, %add3A_107 : i32
      %mul3A_109 = arith.constant 128 : i32
      %mul3A_110 = arith.muli %add3A_108, %mul3A_109 : i32
      %dma_start3A_111 = arith.constant 896 : i32
      %dma_start3A_112 = arith.constant 0 : i32
      %dma_start3A_113 = tpu.memref_slice %arg7[%dma_start3A_111, %dma_start3A_112] : memref<1664x16xf32, #tpu.memory_space<vmem>> -> memref<128x16xf32, #tpu.memory_space<vmem>>
      %dma_start3A_114 = tpu.memref_slice %arg5[%mul3A_110] : memref<9984xi32, #tpu.memory_space<vmem>> -> memref<128xi32, #tpu.memory_space<vmem>>
      %dma_start3A_115 = arith.constant 0 : i32
      %dma_start3A_116 = arith.constant 0 : i32
      %dma_start3A_117 = tpu.memref_slice %arg2[%dma_start3A_115, %dma_start3A_116] : memref<10000x16xf32, #tpu.memory_space<hbm>> -> memref<10000x16xf32, #tpu.memory_space<hbm>>
      tpu.enqueue_indirect_dma source(%dma_start3A_117 : memref<10000x16xf32, #tpu.memory_space<hbm>>) target(%dma_start3A_113 : memref<128x16xf32, #tpu.memory_space<vmem>>) offsets(%dma_start3A_114 : memref<128xi32, #tpu.memory_space<vmem>>) semaphore(%arg9 : memref<!tpu.dma_semaphore, #tpu.memory_space<semaphore_mem>>)
      %mul3A_118 = arith.constant 13 : i32
      %mul3A_119 = arith.muli %scan3A_14, %mul3A_118 : i32
      %add3A_120 = arith.constant 8 : i32
      %add3A_121 = arith.addi %mul3A_119, %add3A_120 : i32
      %mul3A_122 = arith.constant 128 : i32
      %mul3A_123 = arith.muli %add3A_121, %mul3A_122 : i32
      %dma_start3A_124 = arith.constant 1024 : i32
      %dma_start3A_125 = arith.constant 0 : i32
      %dma_start3A_126 = tpu.memref_slice %arg7[%dma_start3A_124, %dma_start3A_125] : memref<1664x16xf32, #tpu.memory_space<vmem>> -> memref<128x16xf32, #tpu.memory_space<vmem>>
      %dma_start3A_127 = tpu.memref_slice %arg5[%mul3A_123] : memref<9984xi32, #tpu.memory_space<vmem>> -> memref<128xi32, #tpu.memory_space<vmem>>
      %dma_start3A_128 = arith.constant 0 : i32
      %dma_start3A_129 = arith.constant 0 : i32
      %dma_start3A_130 = tpu.memref_slice %arg2[%dma_start3A_128, %dma_start3A_129] : memref<10000x16xf32, #tpu.memory_space<hbm>> -> memref<10000x16xf32, #tpu.memory_space<hbm>>
      tpu.enqueue_indirect_dma source(%dma_start3A_130 : memref<10000x16xf32, #tpu.memory_space<hbm>>) target(%dma_start3A_126 : memref<128x16xf32, #tpu.memory_space<vmem>>) offsets(%dma_start3A_127 : memref<128xi32, #tpu.memory_space<vmem>>) semaphore(%arg9 : memref<!tpu.dma_semaphore, #tpu.memory_space<semaphore_mem>>)
      %mul3A_131 = arith.constant 13 : i32
      %mul3A_132 = arith.muli %scan3A_14, %mul3A_131 : i32
      %add3A_133 = arith.constant 9 : i32
      %add3A_134 = arith.addi %mul3A_132, %add3A_133 : i32
      %mul3A_135 = arith.constant 128 : i32
      %mul3A_136 = arith.muli %add3A_134, %mul3A_135 : i32
      %dma_start3A_137 = arith.constant 1152 : i32
      %dma_start3A_138 = arith.constant 0 : i32
      %dma_start3A_139 = tpu.memref_slice %arg7[%dma_start3A_137, %dma_start3A_138] : memref<1664x16xf32, #tpu.memory_space<vmem>> -> memref<128x16xf32, #tpu.memory_space<vmem>>
      %dma_start3A_140 = tpu.memref_slice %arg5[%mul3A_136] : memref<9984xi32, #tpu.memory_space<vmem>> -> memref<128xi32, #tpu.memory_space<vmem>>
      %dma_start3A_141 = arith.constant 0 : i32
      %dma_start3A_142 = arith.constant 0 : i32
      %dma_start3A_143 = tpu.memref_slice %arg2[%dma_start3A_141, %dma_start3A_142] : memref<10000x16xf32, #tpu.memory_space<hbm>> -> memref<10000x16xf32, #tpu.memory_space<hbm>>
      tpu.enqueue_indirect_dma source(%dma_start3A_143 : memref<10000x16xf32, #tpu.memory_space<hbm>>) target(%dma_start3A_139 : memref<128x16xf32, #tpu.memory_space<vmem>>) offsets(%dma_start3A_140 : memref<128xi32, #tpu.memory_space<vmem>>) semaphore(%arg9 : memref<!tpu.dma_semaphore, #tpu.memory_space<semaphore_mem>>)
      %mul3A_144 = arith.constant 13 : i32
      %mul3A_145 = arith.muli %scan3A_14, %mul3A_144 : i32
      %add3A_146 = arith.constant 10 : i32
      %add3A_147 = arith.addi %mul3A_145, %add3A_146 : i32
      %mul3A_148 = arith.constant 128 : i32
      %mul3A_149 = arith.muli %add3A_147, %mul3A_148 : i32
      %dma_start3A_150 = arith.constant 1280 : i32
      %dma_start3A_151 = arith.constant 0 : i32
      %dma_start3A_152 = tpu.memref_slice %arg7[%dma_start3A_150, %dma_start3A_151] : memref<1664x16xf32, #tpu.memory_space<vmem>> -> memref<128x16xf32, #tpu.memory_space<vmem>>
      %dma_start3A_153 = tpu.memref_slice %arg5[%mul3A_149] : memref<9984xi32, #tpu.memory_space<vmem>> -> memref<128xi32, #tpu.memory_space<vmem>>
      %dma_start3A_154 = arith.constant 0 : i32
      %dma_start3A_155 = arith.constant 0 : i32
      %dma_start3A_156 = tpu.memref_slice %arg2[%dma_start3A_154, %dma_start3A_155] : memref<10000x16xf32, #tpu.memory_space<hbm>> -> memref<10000x16xf32, #tpu.memory_space<hbm>>
      tpu.enqueue_indirect_dma source(%dma_start3A_156 : memref<10000x16xf32, #tpu.memory_space<hbm>>) target(%dma_start3A_152 : memref<128x16xf32, #tpu.memory_space<vmem>>) offsets(%dma_start3A_153 : memref<128xi32, #tpu.memory_space<vmem>>) semaphore(%arg9 : memref<!tpu.dma_semaphore, #tpu.memory_space<semaphore_mem>>)
      %mul3A_157 = arith.constant 13 : i32
      %mul3A_158 = arith.muli %scan3A_14, %mul3A_157 : i32
      %add3A_159 = arith.constant 11 : i32
      %add3A_160 = arith.addi %mul3A_158, %add3A_159 : i32
      %mul3A_161 = arith.constant 128 : i32
      %mul3A_162 = arith.muli %add3A_160, %mul3A_161 : i32
      %dma_start3A_163 = arith.constant 1408 : i32
      %dma_start3A_164 = arith.constant 0 : i32
      %dma_start3A_165 = tpu.memref_slice %arg7[%dma_start3A_163, %dma_start3A_164] : memref<1664x16xf32, #tpu.memory_space<vmem>> -> memref<128x16xf32, #tpu.memory_space<vmem>>
      %dma_start3A_166 = tpu.memref_slice %arg5[%mul3A_162] : memref<9984xi32, #tpu.memory_space<vmem>> -> memref<128xi32, #tpu.memory_space<vmem>>
      %dma_start3A_167 = arith.constant 0 : i32
      %dma_start3A_168 = arith.constant 0 : i32
      %dma_start3A_169 = tpu.memref_slice %arg2[%dma_start3A_167, %dma_start3A_168] : memref<10000x16xf32, #tpu.memory_space<hbm>> -> memref<10000x16xf32, #tpu.memory_space<hbm>>
      tpu.enqueue_indirect_dma source(%dma_start3A_169 : memref<10000x16xf32, #tpu.memory_space<hbm>>) target(%dma_start3A_165 : memref<128x16xf32, #tpu.memory_space<vmem>>) offsets(%dma_start3A_166 : memref<128xi32, #tpu.memory_space<vmem>>) semaphore(%arg9 : memref<!tpu.dma_semaphore, #tpu.memory_space<semaphore_mem>>)
      %mul3A_170 = arith.constant 13 : i32
      %mul3A_171 = arith.muli %scan3A_14, %mul3A_170 : i32
      %add3A_172 = arith.constant 12 : i32
      %add3A_173 = arith.addi %mul3A_171, %add3A_172 : i32
      %mul3A_174 = arith.constant 128 : i32
      %mul3A_175 = arith.muli %add3A_173, %mul3A_174 : i32
      %dma_start3A_176 = arith.constant 1536 : i32
      %dma_start3A_177 = arith.constant 0 : i32
      %dma_start3A_178 = tpu.memref_slice %arg7[%dma_start3A_176, %dma_start3A_177] : memref<1664x16xf32, #tpu.memory_space<vmem>> -> memref<128x16xf32, #tpu.memory_space<vmem>>
      %dma_start3A_179 = tpu.memref_slice %arg5[%mul3A_175] : memref<9984xi32, #tpu.memory_space<vmem>> -> memref<128xi32, #tpu.memory_space<vmem>>
      %dma_start3A_180 = arith.constant 0 : i32
      %dma_start3A_181 = arith.constant 0 : i32
      %dma_start3A_182 = tpu.memref_slice %arg2[%dma_start3A_180, %dma_start3A_181] : memref<10000x16xf32, #tpu.memory_space<hbm>> -> memref<10000x16xf32, #tpu.memory_space<hbm>>
      tpu.enqueue_indirect_dma source(%dma_start3A_182 : memref<10000x16xf32, #tpu.memory_space<hbm>>) target(%dma_start3A_178 : memref<128x16xf32, #tpu.memory_space<vmem>>) offsets(%dma_start3A_179 : memref<128xi32, #tpu.memory_space<vmem>>) semaphore(%arg9 : memref<!tpu.dma_semaphore, #tpu.memory_space<semaphore_mem>>)
      %dma_wait3A = arith.constant 0 : i32
      %dma_wait3A_183 = arith.constant 0 : i32
      %dma_wait3A_184 = tpu.memref_slice %arg7[%dma_wait3A, %dma_wait3A_183] : memref<1664x16xf32, #tpu.memory_space<vmem>> -> memref<128x16xf32, #tpu.memory_space<vmem>>
      %dma_wait3A_185 = tpu.memref_slice %arg5[%mul3A_20] : memref<9984xi32, #tpu.memory_space<vmem>> -> memref<128xi32, #tpu.memory_space<vmem>>
      %dma_wait3A_186 = arith.constant 0 : i32
      %dma_wait3A_187 = arith.constant 0 : i32
      %dma_wait3A_188 = tpu.memref_slice %arg2[%dma_wait3A_186, %dma_wait3A_187] : memref<10000x16xf32, #tpu.memory_space<hbm>> -> memref<10000x16xf32, #tpu.memory_space<hbm>>
      tpu.wait_indirect_dma semaphore(%arg9 : memref<!tpu.dma_semaphore, #tpu.memory_space<semaphore_mem>>) src(%dma_wait3A_188 : memref<10000x16xf32, #tpu.memory_space<hbm>>) dst(%dma_wait3A_184 : memref<128x16xf32, #tpu.memory_space<vmem>>)
      %dma_wait3A_189 = arith.constant 128 : i32
      %dma_wait3A_190 = arith.constant 0 : i32
      %dma_wait3A_191 = tpu.memref_slice %arg7[%dma_wait3A_189, %dma_wait3A_190] : memref<1664x16xf32, #tpu.memory_space<vmem>> -> memref<128x16xf32, #tpu.memory_space<vmem>>
      %dma_wait3A_192 = tpu.memref_slice %arg5[%mul3A_32] : memref<9984xi32, #tpu.memory_space<vmem>> -> memref<128xi32, #tpu.memory_space<vmem>>
      %dma_wait3A_193 = arith.constant 0 : i32
      %dma_wait3A_194 = arith.constant 0 : i32
      %dma_wait3A_195 = tpu.memref_slice %arg2[%dma_wait3A_193, %dma_wait3A_194] : memref<10000x16xf32, #tpu.memory_space<hbm>> -> memref<10000x16xf32, #tpu.memory_space<hbm>>
      tpu.wait_indirect_dma semaphore(%arg9 : memref<!tpu.dma_semaphore, #tpu.memory_space<semaphore_mem>>) src(%dma_wait3A_195 : memref<10000x16xf32, #tpu.memory_space<hbm>>) dst(%dma_wait3A_191 : memref<128x16xf32, #tpu.memory_space<vmem>>)
      %dma_wait3A_196 = arith.constant 256 : i32
      %dma_wait3A_197 = arith.constant 0 : i32
      %dma_wait3A_198 = tpu.memref_slice %arg7[%dma_wait3A_196, %dma_wait3A_197] : memref<1664x16xf32, #tpu.memory_space<vmem>> -> memref<128x16xf32, #tpu.memory_space<vmem>>
      %dma_wait3A_199 = tpu.memref_slice %arg5[%mul3A_45] : memref<9984xi32, #tpu.memory_space<vmem>> -> memref<128xi32, #tpu.memory_space<vmem>>
      %dma_wait3A_200 = arith.constant 0 : i32
      %dma_wait3A_201 = arith.constant 0 : i32
      %dma_wait3A_202 = tpu.memref_slice %arg2[%dma_wait3A_200, %dma_wait3A_201] : memref<10000x16xf32, #tpu.memory_space<hbm>> -> memref<10000x16xf32, #tpu.memory_space<hbm>>
      tpu.wait_indirect_dma semaphore(%arg9 : memref<!tpu.dma_semaphore, #tpu.memory_space<semaphore_mem>>) src(%dma_wait3A_202 : memref<10000x16xf32, #tpu.memory_space<hbm>>) dst(%dma_wait3A_198 : memref<128x16xf32, #tpu.memory_space<vmem>>)
      %dma_wait3A_203 = arith.constant 384 : i32
      %dma_wait3A_204 = arith.constant 0 : i32
      %dma_wait3A_205 = tpu.memref_slice %arg7[%dma_wait3A_203, %dma_wait3A_204] : memref<1664x16xf32, #tpu.memory_space<vmem>> -> memref<128x16xf32, #tpu.memory_space<vmem>>
      %dma_wait3A_206 = tpu.memref_slice %arg5[%mul3A_58] : memref<9984xi32, #tpu.memory_space<vmem>> -> memref<128xi32, #tpu.memory_space<vmem>>
      %dma_wait3A_207 = arith.constant 0 : i32
      %dma_wait3A_208 = arith.constant 0 : i32
      %dma_wait3A_209 = tpu.memref_slice %arg2[%dma_wait3A_207, %dma_wait3A_208] : memref<10000x16xf32, #tpu.memory_space<hbm>> -> memref<10000x16xf32, #tpu.memory_space<hbm>>
      tpu.wait_indirect_dma semaphore(%arg9 : memref<!tpu.dma_semaphore, #tpu.memory_space<semaphore_mem>>) src(%dma_wait3A_209 : memref<10000x16xf32, #tpu.memory_space<hbm>>) dst(%dma_wait3A_205 : memref<128x16xf32, #tpu.memory_space<vmem>>)
      %dma_wait3A_210 = arith.constant 512 : i32
      %dma_wait3A_211 = arith.constant 0 : i32
      %dma_wait3A_212 = tpu.memref_slice %arg7[%dma_wait3A_210, %dma_wait3A_211] : memref<1664x16xf32, #tpu.memory_space<vmem>> -> memref<128x16xf32, #tpu.memory_space<vmem>>
      %dma_wait3A_213 = tpu.memref_slice %arg5[%mul3A_71] : memref<9984xi32, #tpu.memory_space<vmem>> -> memref<128xi32, #tpu.memory_space<vmem>>
      %dma_wait3A_214 = arith.constant 0 : i32
      %dma_wait3A_215 = arith.constant 0 : i32
      %dma_wait3A_216 = tpu.memref_slice %arg2[%dma_wait3A_214, %dma_wait3A_215] : memref<10000x16xf32, #tpu.memory_space<hbm>> -> memref<10000x16xf32, #tpu.memory_space<hbm>>
      tpu.wait_indirect_dma semaphore(%arg9 : memref<!tpu.dma_semaphore, #tpu.memory_space<semaphore_mem>>) src(%dma_wait3A_216 : memref<10000x16xf32, #tpu.memory_space<hbm>>) dst(%dma_wait3A_212 : memref<128x16xf32, #tpu.memory_space<vmem>>)
      %dma_wait3A_217 = arith.constant 640 : i32
      %dma_wait3A_218 = arith.constant 0 : i32
      %dma_wait3A_219 = tpu.memref_slice %arg7[%dma_wait3A_217, %dma_wait3A_218] : memref<1664x16xf32, #tpu.memory_space<vmem>> -> memref<128x16xf32, #tpu.memory_space<vmem>>
      %dma_wait3A_220 = tpu.memref_slice %arg5[%mul3A_84] : memref<9984xi32, #tpu.memory_space<vmem>> -> memref<128xi32, #tpu.memory_space<vmem>>
      %dma_wait3A_221 = arith.constant 0 : i32
      %dma_wait3A_222 = arith.constant 0 : i32
      %dma_wait3A_223 = tpu.memref_slice %arg2[%dma_wait3A_221, %dma_wait3A_222] : memref<10000x16xf32, #tpu.memory_space<hbm>> -> memref<10000x16xf32, #tpu.memory_space<hbm>>
      tpu.wait_indirect_dma semaphore(%arg9 : memref<!tpu.dma_semaphore, #tpu.memory_space<semaphore_mem>>) src(%dma_wait3A_223 : memref<10000x16xf32, #tpu.memory_space<hbm>>) dst(%dma_wait3A_219 : memref<128x16xf32, #tpu.memory_space<vmem>>)
      %dma_wait3A_224 = arith.constant 768 : i32
      %dma_wait3A_225 = arith.constant 0 : i32
      %dma_wait3A_226 = tpu.memref_slice %arg7[%dma_wait3A_224, %dma_wait3A_225] : memref<1664x16xf32, #tpu.memory_space<vmem>> -> memref<128x16xf32, #tpu.memory_space<vmem>>
      %dma_wait3A_227 = tpu.memref_slice %arg5[%mul3A_97] : memref<9984xi32, #tpu.memory_space<vmem>> -> memref<128xi32, #tpu.memory_space<vmem>>
      %dma_wait3A_228 = arith.constant 0 : i32
      %dma_wait3A_229 = arith.constant 0 : i32
      %dma_wait3A_230 = tpu.memref_slice %arg2[%dma_wait3A_228, %dma_wait3A_229] : memref<10000x16xf32, #tpu.memory_space<hbm>> -> memref<10000x16xf32, #tpu.memory_space<hbm>>
      tpu.wait_indirect_dma semaphore(%arg9 : memref<!tpu.dma_semaphore, #tpu.memory_space<semaphore_mem>>) src(%dma_wait3A_230 : memref<10000x16xf32, #tpu.memory_space<hbm>>) dst(%dma_wait3A_226 : memref<128x16xf32, #tpu.memory_space<vmem>>)
      %dma_wait3A_231 = arith.constant 896 : i32
      %dma_wait3A_232 = arith.constant 0 : i32
      %dma_wait3A_233 = tpu.memref_slice %arg7[%dma_wait3A_231, %dma_wait3A_232] : memref<1664x16xf32, #tpu.memory_space<vmem>> -> memref<128x16xf32, #tpu.memory_space<vmem>>
      %dma_wait3A_234 = tpu.memref_slice %arg5[%mul3A_110] : memref<9984xi32, #tpu.memory_space<vmem>> -> memref<128xi32, #tpu.memory_space<vmem>>
      %dma_wait3A_235 = arith.constant 0 : i32
      %dma_wait3A_236 = arith.constant 0 : i32
      %dma_wait3A_237 = tpu.memref_slice %arg2[%dma_wait3A_235, %dma_wait3A_236] : memref<10000x16xf32, #tpu.memory_space<hbm>> -> memref<10000x16xf32, #tpu.memory_space<hbm>>
      tpu.wait_indirect_dma semaphore(%arg9 : memref<!tpu.dma_semaphore, #tpu.memory_space<semaphore_mem>>) src(%dma_wait3A_237 : memref<10000x16xf32, #tpu.memory_space<hbm>>) dst(%dma_wait3A_233 : memref<128x16xf32, #tpu.memory_space<vmem>>)
      %dma_wait3A_238 = arith.constant 1024 : i32
      %dma_wait3A_239 = arith.constant 0 : i32
      %dma_wait3A_240 = tpu.memref_slice %arg7[%dma_wait3A_238, %dma_wait3A_239] : memref<1664x16xf32, #tpu.memory_space<vmem>> -> memref<128x16xf32, #tpu.memory_space<vmem>>
      %dma_wait3A_241 = tpu.memref_slice %arg5[%mul3A_123] : memref<9984xi32, #tpu.memory_space<vmem>> -> memref<128xi32, #tpu.memory_space<vmem>>
      %dma_wait3A_242 = arith.constant 0 : i32
      %dma_wait3A_243 = arith.constant 0 : i32
      %dma_wait3A_244 = tpu.memref_slice %arg2[%dma_wait3A_242, %dma_wait3A_243] : memref<10000x16xf32, #tpu.memory_space<hbm>> -> memref<10000x16xf32, #tpu.memory_space<hbm>>
      tpu.wait_indirect_dma semaphore(%arg9 : memref<!tpu.dma_semaphore, #tpu.memory_space<semaphore_mem>>) src(%dma_wait3A_244 : memref<10000x16xf32, #tpu.memory_space<hbm>>) dst(%dma_wait3A_240 : memref<128x16xf32, #tpu.memory_space<vmem>>)
      %dma_wait3A_245 = arith.constant 1152 : i32
      %dma_wait3A_246 = arith.constant 0 : i32
      %dma_wait3A_247 = tpu.memref_slice %arg7[%dma_wait3A_245, %dma_wait3A_246] : memref<1664x16xf32, #tpu.memory_space<vmem>> -> memref<128x16xf32, #tpu.memory_space<vmem>>
      %dma_wait3A_248 = tpu.memref_slice %arg5[%mul3A_136] : memref<9984xi32, #tpu.memory_space<vmem>> -> memref<128xi32, #tpu.memory_space<vmem>>
      %dma_wait3A_249 = arith.constant 0 : i32
      %dma_wait3A_250 = arith.constant 0 : i32
      %dma_wait3A_251 = tpu.memref_slice %arg2[%dma_wait3A_249, %dma_wait3A_250] : memref<10000x16xf32, #tpu.memory_space<hbm>> -> memref<10000x16xf32, #tpu.memory_space<hbm>>
      tpu.wait_indirect_dma semaphore(%arg9 : memref<!tpu.dma_semaphore, #tpu.memory_space<semaphore_mem>>) src(%dma_wait3A_251 : memref<10000x16xf32, #tpu.memory_space<hbm>>) dst(%dma_wait3A_247 : memref<128x16xf32, #tpu.memory_space<vmem>>)
      %dma_wait3A_252 = arith.constant 1280 : i32
      %dma_wait3A_253 = arith.constant 0 : i32
      %dma_wait3A_254 = tpu.memref_slice %arg7[%dma_wait3A_252, %dma_wait3A_253] : memref<1664x16xf32, #tpu.memory_space<vmem>> -> memref<128x16xf32, #tpu.memory_space<vmem>>
      %dma_wait3A_255 = tpu.memref_slice %arg5[%mul3A_149] : memref<9984xi32, #tpu.memory_space<vmem>> -> memref<128xi32, #tpu.memory_space<vmem>>
      %dma_wait3A_256 = arith.constant 0 : i32
      %dma_wait3A_257 = arith.constant 0 : i32
      %dma_wait3A_258 = tpu.memref_slice %arg2[%dma_wait3A_256, %dma_wait3A_257] : memref<10000x16xf32, #tpu.memory_space<hbm>> -> memref<10000x16xf32, #tpu.memory_space<hbm>>
      tpu.wait_indirect_dma semaphore(%arg9 : memref<!tpu.dma_semaphore, #tpu.memory_space<semaphore_mem>>) src(%dma_wait3A_258 : memref<10000x16xf32, #tpu.memory_space<hbm>>) dst(%dma_wait3A_254 : memref<128x16xf32, #tpu.memory_space<vmem>>)
      %dma_wait3A_259 = arith.constant 1408 : i32
      %dma_wait3A_260 = arith.constant 0 : i32
      %dma_wait3A_261 = tpu.memref_slice %arg7[%dma_wait3A_259, %dma_wait3A_260] : memref<1664x16xf32, #tpu.memory_space<vmem>> -> memref<128x16xf32, #tpu.memory_space<vmem>>
      %dma_wait3A_262 = tpu.memref_slice %arg5[%mul3A_162] : memref<9984xi32, #tpu.memory_space<vmem>> -> memref<128xi32, #tpu.memory_space<vmem>>
      %dma_wait3A_263 = arith.constant 0 : i32
      %dma_wait3A_264 = arith.constant 0 : i32
      %dma_wait3A_265 = tpu.memref_slice %arg2[%dma_wait3A_263, %dma_wait3A_264] : memref<10000x16xf32, #tpu.memory_space<hbm>> -> memref<10000x16xf32, #tpu.memory_space<hbm>>
      tpu.wait_indirect_dma semaphore(%arg9 : memref<!tpu.dma_semaphore, #tpu.memory_space<semaphore_mem>>) src(%dma_wait3A_265 : memref<10000x16xf32, #tpu.memory_space<hbm>>) dst(%dma_wait3A_261 : memref<128x16xf32, #tpu.memory_space<vmem>>)
      %dma_wait3A_266 = arith.constant 1536 : i32
      %dma_wait3A_267 = arith.constant 0 : i32
      %dma_wait3A_268 = tpu.memref_slice %arg7[%dma_wait3A_266, %dma_wait3A_267] : memref<1664x16xf32, #tpu.memory_space<vmem>> -> memref<128x16xf32, #tpu.memory_space<vmem>>
      %dma_wait3A_269 = tpu.memref_slice %arg5[%mul3A_175] : memref<9984xi32, #tpu.memory_space<vmem>> -> memref<128xi32, #tpu.memory_space<vmem>>
      %dma_wait3A_270 = arith.constant 0 : i32
      %dma_wait3A_271 = arith.constant 0 : i32
      %dma_wait3A_272 = tpu.memref_slice %arg2[%dma_wait3A_270, %dma_wait3A_271] : memref<10000x16xf32, #tpu.memory_space<hbm>> -> memref<10000x16xf32, #tpu.memory_space<hbm>>
      tpu.wait_indirect_dma semaphore(%arg9 : memref<!tpu.dma_semaphore, #tpu.memory_space<semaphore_mem>>) src(%dma_wait3A_272 : memref<10000x16xf32, #tpu.memory_space<hbm>>) dst(%dma_wait3A_268 : memref<128x16xf32, #tpu.memory_space<vmem>>)
      %scan3A_273 = arith.constant 0 : i32
      %scan3A_274 = arith.constant 0 : i32
      %scan3A_275 = arith.constant 208 : i32
      %scan3A_276 = arith.addi %scan3A_274, %scan3A_275 : i32
      %scan3A_277 = arith.constant 1 : i32
      scf.for %scan3A_282 = %scan3A_274 to %scan3A_276 step %scan3A_277  : i32 {
        %mul3A_283 = arith.constant 8 : i32
        %mul3A_284 = arith.muli %mul3A_283, %scan3A_282 : i32
        %add3A_285 = arith.constant 0 : i32
        %add3A_286 = arith.addi %mul3A_284, %add3A_285 : i32
        %get3A = arith.index_cast %add3A_286 : i32 to index
        %get3A_287 = arith.constant 0 : index
        %get3A_288 = tpu.vector_load %arg7[%get3A, %get3A_287] {strides = array<i32>} : memref<1664x16xf32, #tpu.memory_space<vmem>>, vector<1x16xf32>,
        %get3A_289 = vector.shape_cast %get3A_288 : vector<1x16xf32> to vector<16xf32>
        %swap3A = arith.index_cast %scan3A_282 : i32 to index
        %swap3A_290 = arith.constant 0 : index
        %swap3A_291 = tpu.vector_load %arg8[%swap3A, %swap3A_290] {strides = array<i32>} : memref<208x128xf32, #tpu.memory_space<vmem>>, vector<1x16xf32>,
        %swap3A_292 = vector.shape_cast %swap3A_291 : vector<1x16xf32> to vector<16xf32>
        %swap3A_293 = vector.shape_cast %get3A_289 : vector<16xf32> to vector<1x16xf32>
        tpu.vector_store %arg8[%swap3A, %swap3A_290], %swap3A_293 {strides = array<i32>} : memref<208x128xf32, #tpu.memory_space<vmem>>, vector<1x16xf32>,
        %mul3A_294 = arith.constant 8 : i32
        %mul3A_295 = arith.muli %mul3A_294, %scan3A_282 : i32
        %add3A_296 = arith.constant 1 : i32
        %add3A_297 = arith.addi %mul3A_295, %add3A_296 : i32
        %get3A_298 = arith.index_cast %add3A_297 : i32 to index
        %get3A_299 = arith.constant 0 : index
        %get3A_300 = tpu.vector_load %arg7[%get3A_298, %get3A_299] {strides = array<i32>} : memref<1664x16xf32, #tpu.memory_space<vmem>>, vector<1x16xf32>,
        %get3A_301 = vector.shape_cast %get3A_300 : vector<1x16xf32> to vector<16xf32>
        %swap3A_302 = arith.index_cast %scan3A_282 : i32 to index
        %swap3A_303 = arith.constant 16 : index
        %swap3A_304 = tpu.vector_load %arg8[%swap3A_302, %swap3A_303] {strides = array<i32>} : memref<208x128xf32, #tpu.memory_space<vmem>>, vector<1x16xf32>,
        %swap3A_305 = vector.shape_cast %swap3A_304 : vector<1x16xf32> to vector<16xf32>
        %swap3A_306 = vector.shape_cast %get3A_301 : vector<16xf32> to vector<1x16xf32>
        tpu.vector_store %arg8[%swap3A_302, %swap3A_303], %swap3A_306 {strides = array<i32>} : memref<208x128xf32, #tpu.memory_space<vmem>>, vector<1x16xf32>,
        %mul3A_307 = arith.constant 8 : i32
        %mul3A_308 = arith.muli %mul3A_307, %scan3A_282 : i32
        %add3A_309 = arith.constant 2 : i32
        %add3A_310 = arith.addi %mul3A_308, %add3A_309 : i32
        %get3A_311 = arith.index_cast %add3A_310 : i32 to index
        %get3A_312 = arith.constant 0 : index
        %get3A_313 = tpu.vector_load %arg7[%get3A_311, %get3A_312] {strides = array<i32>} : memref<1664x16xf32, #tpu.memory_space<vmem>>, vector<1x16xf32>,
        %get3A_314 = vector.shape_cast %get3A_313 : vector<1x16xf32> to vector<16xf32>
        %swap3A_315 = arith.index_cast %scan3A_282 : i32 to index
        %swap3A_316 = arith.constant 32 : index
        %swap3A_317 = tpu.vector_load %arg8[%swap3A_315, %swap3A_316] {strides = array<i32>} : memref<208x128xf32, #tpu.memory_space<vmem>>, vector<1x16xf32>,
        %swap3A_318 = vector.shape_cast %swap3A_317 : vector<1x16xf32> to vector<16xf32>
        %swap3A_319 = vector.shape_cast %get3A_314 : vector<16xf32> to vector<1x16xf32>
        tpu.vector_store %arg8[%swap3A_315, %swap3A_316], %swap3A_319 {strides = array<i32>} : memref<208x128xf32, #tpu.memory_space<vmem>>, vector<1x16xf32>,
        %mul3A_320 = arith.constant 8 : i32
        %mul3A_321 = arith.muli %mul3A_320, %scan3A_282 : i32
        %add3A_322 = arith.constant 3 : i32
        %add3A_323 = arith.addi %mul3A_321, %add3A_322 : i32
        %get3A_324 = arith.index_cast %add3A_323 : i32 to index
        %get3A_325 = arith.constant 0 : index
        %get3A_326 = tpu.vector_load %arg7[%get3A_324, %get3A_325] {strides = array<i32>} : memref<1664x16xf32, #tpu.memory_space<vmem>>, vector<1x16xf32>,
        %get3A_327 = vector.shape_cast %get3A_326 : vector<1x16xf32> to vector<16xf32>
        %swap3A_328 = arith.index_cast %scan3A_282 : i32 to index
        %swap3A_329 = arith.constant 48 : index
        %swap3A_330 = tpu.vector_load %arg8[%swap3A_328, %swap3A_329] {strides = array<i32>} : memref<208x128xf32, #tpu.memory_space<vmem>>, vector<1x16xf32>,
        %swap3A_331 = vector.shape_cast %swap3A_330 : vector<1x16xf32> to vector<16xf32>
        %swap3A_332 = vector.shape_cast %get3A_327 : vector<16xf32> to vector<1x16xf32>
        tpu.vector_store %arg8[%swap3A_328, %swap3A_329], %swap3A_332 {strides = array<i32>} : memref<208x128xf32, #tpu.memory_space<vmem>>, vector<1x16xf32>,
        %mul3A_333 = arith.constant 8 : i32
        %mul3A_334 = arith.muli %mul3A_333, %scan3A_282 : i32
        %add3A_335 = arith.constant 4 : i32
        %add3A_336 = arith.addi %mul3A_334, %add3A_335 : i32
        %get3A_337 = arith.index_cast %add3A_336 : i32 to index
        %get3A_338 = arith.constant 0 : index
        %get3A_339 = tpu.vector_load %arg7[%get3A_337, %get3A_338] {strides = array<i32>} : memref<1664x16xf32, #tpu.memory_space<vmem>>, vector<1x16xf32>,
        %get3A_340 = vector.shape_cast %get3A_339 : vector<1x16xf32> to vector<16xf32>
        %swap3A_341 = arith.index_cast %scan3A_282 : i32 to index
        %swap3A_342 = arith.constant 64 : index
        %swap3A_343 = tpu.vector_load %arg8[%swap3A_341, %swap3A_342] {strides = array<i32>} : memref<208x128xf32, #tpu.memory_space<vmem>>, vector<1x16xf32>,
        %swap3A_344 = vector.shape_cast %swap3A_343 : vector<1x16xf32> to vector<16xf32>
        %swap3A_345 = vector.shape_cast %get3A_340 : vector<16xf32> to vector<1x16xf32>
        tpu.vector_store %arg8[%swap3A_341, %swap3A_342], %swap3A_345 {strides = array<i32>} : memref<208x128xf32, #tpu.memory_space<vmem>>, vector<1x16xf32>,
        %mul3A_346 = arith.constant 8 : i32
        %mul3A_347 = arith.muli %mul3A_346, %scan3A_282 : i32
        %add3A_348 = arith.constant 5 : i32
        %add3A_349 = arith.addi %mul3A_347, %add3A_348 : i32
        %get3A_350 = arith.index_cast %add3A_349 : i32 to index
        %get3A_351 = arith.constant 0 : index
        %get3A_352 = tpu.vector_load %arg7[%get3A_350, %get3A_351] {strides = array<i32>} : memref<1664x16xf32, #tpu.memory_space<vmem>>, vector<1x16xf32>,
        %get3A_353 = vector.shape_cast %get3A_352 : vector<1x16xf32> to vector<16xf32>
        %swap3A_354 = arith.index_cast %scan3A_282 : i32 to index
        %swap3A_355 = arith.constant 80 : index
        %swap3A_356 = tpu.vector_load %arg8[%swap3A_354, %swap3A_355] {strides = array<i32>} : memref<208x128xf32, #tpu.memory_space<vmem>>, vector<1x16xf32>,
        %swap3A_357 = vector.shape_cast %swap3A_356 : vector<1x16xf32> to vector<16xf32>
        %swap3A_358 = vector.shape_cast %get3A_353 : vector<16xf32> to vector<1x16xf32>
        tpu.vector_store %arg8[%swap3A_354, %swap3A_355], %swap3A_358 {strides = array<i32>} : memref<208x128xf32, #tpu.memory_space<vmem>>, vector<1x16xf32>,
        %mul3A_359 = arith.constant 8 : i32
        %mul3A_360 = arith.muli %mul3A_359, %scan3A_282 : i32
        %add3A_361 = arith.constant 6 : i32
        %add3A_362 = arith.addi %mul3A_360, %add3A_361 : i32
        %get3A_363 = arith.index_cast %add3A_362 : i32 to index
        %get3A_364 = arith.constant 0 : index
        %get3A_365 = tpu.vector_load %arg7[%get3A_363, %get3A_364] {strides = array<i32>} : memref<1664x16xf32, #tpu.memory_space<vmem>>, vector<1x16xf32>,
        %get3A_366 = vector.shape_cast %get3A_365 : vector<1x16xf32> to vector<16xf32>
        %swap3A_367 = arith.index_cast %scan3A_282 : i32 to index
        %swap3A_368 = arith.constant 96 : index
        %swap3A_369 = tpu.vector_load %arg8[%swap3A_367, %swap3A_368] {strides = array<i32>} : memref<208x128xf32, #tpu.memory_space<vmem>>, vector<1x16xf32>,
        %swap3A_370 = vector.shape_cast %swap3A_369 : vector<1x16xf32> to vector<16xf32>
        %swap3A_371 = vector.shape_cast %get3A_366 : vector<16xf32> to vector<1x16xf32>
        tpu.vector_store %arg8[%swap3A_367, %swap3A_368], %swap3A_371 {strides = array<i32>} : memref<208x128xf32, #tpu.memory_space<vmem>>, vector<1x16xf32>,
        %mul3A_372 = arith.constant 8 : i32
        %mul3A_373 = arith.muli %mul3A_372, %scan3A_282 : i32
        %add3A_374 = arith.constant 7 : i32
        %add3A_375 = arith.addi %mul3A_373, %add3A_374 : i32
        %get3A_376 = arith.index_cast %add3A_375 : i32 to index
        %get3A_377 = arith.constant 0 : index
        %get3A_378 = tpu.vector_load %arg7[%get3A_376, %get3A_377] {strides = array<i32>} : memref<1664x16xf32, #tpu.memory_space<vmem>>, vector<1x16xf32>,
        %get3A_379 = vector.shape_cast %get3A_378 : vector<1x16xf32> to vector<16xf32>
        %swap3A_380 = arith.index_cast %scan3A_282 : i32 to index
        %swap3A_381 = arith.constant 112 : index
        %swap3A_382 = tpu.vector_load %arg8[%swap3A_380, %swap3A_381] {strides = array<i32>} : memref<208x128xf32, #tpu.memory_space<vmem>>, vector<1x16xf32>,
        %swap3A_383 = vector.shape_cast %swap3A_382 : vector<1x16xf32> to vector<16xf32>
        %swap3A_384 = vector.shape_cast %get3A_379 : vector<16xf32> to vector<1x16xf32>
        tpu.vector_store %arg8[%swap3A_380, %swap3A_381], %swap3A_384 {strides = array<i32>} : memref<208x128xf32, #tpu.memory_space<vmem>>, vector<1x16xf32>,
      }
      %scan3A_278 = arith.constant 208 : i32
      %mul3A_279 = arith.constant 208 : i32
      %mul3A_280 = arith.muli %scan3A_14, %mul3A_279 : i32
      %add3A_281 = arith.addi %mul3A_4, %mul3A_280 : i32
      "tpu.region"() ({
        %run_scoped3A = tpu.sem_alloc : memref<!tpu.dma_semaphore, #tpu.memory_space<semaphore_mem>>
        %dma_start3A_282 = arith.constant 0 : i32
        %dma_start3A_283 = tpu.memref_slice %arg4[%add3A_281, %dma_start3A_282] : memref<40000x128xf32, #tpu.memory_space<hbm>> -> memref<208x128xf32, #tpu.memory_space<hbm>>
        %dma_start3A_284 = arith.constant 0 : i32
        %dma_start3A_285 = tpu.memref_slice %arg4[%add3A_281, %dma_start3A_284] : memref<40000x128xf32, #tpu.memory_space<hbm>> -> memref<208x128xf32, #tpu.memory_space<hbm>>
        tpu.enqueue_dma source(%arg8 : memref<208x128xf32, #tpu.memory_space<vmem>>) target(%dma_start3A_285 : memref<208x128xf32, #tpu.memory_space<hbm>>) target_semaphore(%run_scoped3A : memref<!tpu.dma_semaphore, #tpu.memory_space<semaphore_mem>>)
        %dma_wait3A_286 = arith.constant 0 : i32
        %dma_wait3A_287 = tpu.memref_slice %arg4[%add3A_281, %dma_wait3A_286] : memref<40000x128xf32, #tpu.memory_space<hbm>> -> memref<208x128xf32, #tpu.memory_space<hbm>>
        %dma_wait3A_288 = arith.constant 0 : i32
        %dma_wait3A_289 = tpu.memref_slice %arg4[%add3A_281, %dma_wait3A_288] : memref<40000x128xf32, #tpu.memory_space<hbm>> -> memref<208x128xf32, #tpu.memory_space<hbm>>
        tpu.wait_dma2 semaphore(%run_scoped3A : memref<!tpu.dma_semaphore, #tpu.memory_space<semaphore_mem>>) src(%arg8 : memref<208x128xf32, #tpu.memory_space<vmem>>) dst(%dma_wait3A_289 : memref<208x128xf32, #tpu.memory_space<hbm>>)
        tpu.yield
      }) : () -> ()
    }
    %scan3A_11 = arith.constant 6 : i32
    %lt3A = arith.constant 4 : i32
    %lt3A_12 = arith.cmpi slt, %add3A, %lt3A : i32
    %convert_element_type3A = arith.extui %lt3A_12 : i1 to i32
    %cond3A = arith.constant 0 : i32
    %cond3A_13 = arith.cmpi ne, %convert_element_type3A, %cond3A : i32
    scf.if %cond3A_13 {
      %add3A_14 = arith.constant 2496 : i32
      %add3A_15 = arith.addi %add3A_14, %add3A : i32
      %mul3A_16 = arith.constant 128 : i32
      %mul3A_17 = arith.muli %add3A_15, %mul3A_16 : i32
      "tpu.region"() ({
        %run_scoped3A = tpu.sem_alloc : memref<!tpu.dma_semaphore, #tpu.memory_space<semaphore_mem>>
        %dma_start3A_36 = tpu.memref_slice %arg3[%mul3A_17] : memref<320000xi32, #tpu.memory_space<hbm>> -> memref<128xi32, #tpu.memory_space<hbm>>
        %dma_start3A_37 = tpu.memref_slice %arg3[%mul3A_17] : memref<320000xi32, #tpu.memory_space<hbm>> -> memref<128xi32, #tpu.memory_space<hbm>>
        tpu.enqueue_dma source(%dma_start3A_37 : memref<128xi32, #tpu.memory_space<hbm>>) target(%arg6 : memref<128xi32, #tpu.memory_space<vmem>>) target_semaphore(%run_scoped3A : memref<!tpu.dma_semaphore, #tpu.memory_space<semaphore_mem>>)
        %dma_wait3A_38 = tpu.memref_slice %arg3[%mul3A_17] : memref<320000xi32, #tpu.memory_space<hbm>> -> memref<128xi32, #tpu.memory_space<hbm>>
        %dma_wait3A_39 = tpu.memref_slice %arg3[%mul3A_17] : memref<320000xi32, #tpu.memory_space<hbm>> -> memref<128xi32, #tpu.memory_space<hbm>>
        tpu.wait_dma2 semaphore(%run_scoped3A : memref<!tpu.dma_semaphore, #tpu.memory_space<semaphore_mem>>) src(%dma_wait3A_39 : memref<128xi32, #tpu.memory_space<hbm>>) dst(%arg6 : memref<128xi32, #tpu.memory_space<vmem>>)
        tpu.yield
      }) : () -> ()
      %dma_start3A = arith.constant 0 : i32
      %dma_start3A_18 = arith.constant 0 : i32
      %dma_start3A_19 = tpu.memref_slice %arg7[%dma_start3A, %dma_start3A_18] : memref<1664x16xf32, #tpu.memory_space<vmem>> -> memref<128x16xf32, #tpu.memory_space<vmem>>
      %dma_start3A_20 = arith.constant 0 : i32
      %dma_start3A_21 = arith.constant 0 : i32
      %dma_start3A_22 = tpu.memref_slice %arg2[%dma_start3A_20, %dma_start3A_21] : memref<10000x16xf32, #tpu.memory_space<hbm>> -> memref<10000x16xf32, #tpu.memory_space<hbm>>
      tpu.enqueue_indirect_dma source(%dma_start3A_22 : memref<10000x16xf32, #tpu.memory_space<hbm>>) target(%dma_start3A_19 : memref<128x16xf32, #tpu.memory_space<vmem>>) offsets(%arg6 : memref<128xi32, #tpu.memory_space<vmem>>) semaphore(%arg9 : memref<!tpu.dma_semaphore, #tpu.memory_space<semaphore_mem>>)
      %dma_wait3A = arith.constant 0 : i32
      %dma_wait3A_23 = arith.constant 0 : i32
      %dma_wait3A_24 = tpu.memref_slice %arg7[%dma_wait3A, %dma_wait3A_23] : memref<1664x16xf32, #tpu.memory_space<vmem>> -> memref<128x16xf32, #tpu.memory_space<vmem>>
      %dma_wait3A_25 = arith.constant 0 : i32
      %dma_wait3A_26 = arith.constant 0 : i32
      %dma_wait3A_27 = tpu.memref_slice %arg2[%dma_wait3A_25, %dma_wait3A_26] : memref<10000x16xf32, #tpu.memory_space<hbm>> -> memref<10000x16xf32, #tpu.memory_space<hbm>>
      tpu.wait_indirect_dma semaphore(%arg9 : memref<!tpu.dma_semaphore, #tpu.memory_space<semaphore_mem>>) src(%dma_wait3A_27 : memref<10000x16xf32, #tpu.memory_space<hbm>>) dst(%dma_wait3A_24 : memref<128x16xf32, #tpu.memory_space<vmem>>)
      %scan3A_28 = arith.constant 0 : i32
      %scan3A_29 = arith.constant 0 : i32
      %scan3A_30 = arith.constant 16 : i32
      %scan3A_31 = arith.addi %scan3A_29, %scan3A_30 : i32
      %scan3A_32 = arith.constant 1 : i32
      scf.for %scan3A_36 = %scan3A_29 to %scan3A_31 step %scan3A_32  : i32 {
        %mul3A_37 = arith.constant 8 : i32
        %mul3A_38 = arith.muli %mul3A_37, %scan3A_36 : i32
        %add3A_39 = arith.constant 0 : i32
        %add3A_40 = arith.addi %mul3A_38, %add3A_39 : i32
        %get3A = arith.index_cast %add3A_40 : i32 to index
        %get3A_41 = arith.constant 0 : index
        %get3A_42 = tpu.vector_load %arg7[%get3A, %get3A_41] {strides = array<i32>} : memref<1664x16xf32, #tpu.memory_space<vmem>>, vector<1x16xf32>,
        %get3A_43 = vector.shape_cast %get3A_42 : vector<1x16xf32> to vector<16xf32>
        %swap3A = arith.index_cast %scan3A_36 : i32 to index
        %swap3A_44 = arith.constant 0 : index
        %swap3A_45 = tpu.vector_load %arg8[%swap3A, %swap3A_44] {strides = array<i32>} : memref<208x128xf32, #tpu.memory_space<vmem>>, vector<1x16xf32>,
        %swap3A_46 = vector.shape_cast %swap3A_45 : vector<1x16xf32> to vector<16xf32>
        %swap3A_47 = vector.shape_cast %get3A_43 : vector<16xf32> to vector<1x16xf32>
        tpu.vector_store %arg8[%swap3A, %swap3A_44], %swap3A_47 {strides = array<i32>} : memref<208x128xf32, #tpu.memory_space<vmem>>, vector<1x16xf32>,
        %mul3A_48 = arith.constant 8 : i32
        %mul3A_49 = arith.muli %mul3A_48, %scan3A_36 : i32
        %add3A_50 = arith.constant 1 : i32
        %add3A_51 = arith.addi %mul3A_49, %add3A_50 : i32
        %get3A_52 = arith.index_cast %add3A_51 : i32 to index
        %get3A_53 = arith.constant 0 : index
        %get3A_54 = tpu.vector_load %arg7[%get3A_52, %get3A_53] {strides = array<i32>} : memref<1664x16xf32, #tpu.memory_space<vmem>>, vector<1x16xf32>,
        %get3A_55 = vector.shape_cast %get3A_54 : vector<1x16xf32> to vector<16xf32>
        %swap3A_56 = arith.index_cast %scan3A_36 : i32 to index
        %swap3A_57 = arith.constant 16 : index
        %swap3A_58 = tpu.vector_load %arg8[%swap3A_56, %swap3A_57] {strides = array<i32>} : memref<208x128xf32, #tpu.memory_space<vmem>>, vector<1x16xf32>,
        %swap3A_59 = vector.shape_cast %swap3A_58 : vector<1x16xf32> to vector<16xf32>
        %swap3A_60 = vector.shape_cast %get3A_55 : vector<16xf32> to vector<1x16xf32>
        tpu.vector_store %arg8[%swap3A_56, %swap3A_57], %swap3A_60 {strides = array<i32>} : memref<208x128xf32, #tpu.memory_space<vmem>>, vector<1x16xf32>,
        %mul3A_61 = arith.constant 8 : i32
        %mul3A_62 = arith.muli %mul3A_61, %scan3A_36 : i32
        %add3A_63 = arith.constant 2 : i32
        %add3A_64 = arith.addi %mul3A_62, %add3A_63 : i32
        %get3A_65 = arith.index_cast %add3A_64 : i32 to index
        %get3A_66 = arith.constant 0 : index
        %get3A_67 = tpu.vector_load %arg7[%get3A_65, %get3A_66] {strides = array<i32>} : memref<1664x16xf32, #tpu.memory_space<vmem>>, vector<1x16xf32>,
        %get3A_68 = vector.shape_cast %get3A_67 : vector<1x16xf32> to vector<16xf32>
        %swap3A_69 = arith.index_cast %scan3A_36 : i32 to index
        %swap3A_70 = arith.constant 32 : index
        %swap3A_71 = tpu.vector_load %arg8[%swap3A_69, %swap3A_70] {strides = array<i32>} : memref<208x128xf32, #tpu.memory_space<vmem>>, vector<1x16xf32>,
        %swap3A_72 = vector.shape_cast %swap3A_71 : vector<1x16xf32> to vector<16xf32>
        %swap3A_73 = vector.shape_cast %get3A_68 : vector<16xf32> to vector<1x16xf32>
        tpu.vector_store %arg8[%swap3A_69, %swap3A_70], %swap3A_73 {strides = array<i32>} : memref<208x128xf32, #tpu.memory_space<vmem>>, vector<1x16xf32>,
        %mul3A_74 = arith.constant 8 : i32
        %mul3A_75 = arith.muli %mul3A_74, %scan3A_36 : i32
        %add3A_76 = arith.constant 3 : i32
        %add3A_77 = arith.addi %mul3A_75, %add3A_76 : i32
        %get3A_78 = arith.index_cast %add3A_77 : i32 to index
        %get3A_79 = arith.constant 0 : index
        %get3A_80 = tpu.vector_load %arg7[%get3A_78, %get3A_79] {strides = array<i32>} : memref<1664x16xf32, #tpu.memory_space<vmem>>, vector<1x16xf32>,
        %get3A_81 = vector.shape_cast %get3A_80 : vector<1x16xf32> to vector<16xf32>
        %swap3A_82 = arith.index_cast %scan3A_36 : i32 to index
        %swap3A_83 = arith.constant 48 : index
        %swap3A_84 = tpu.vector_load %arg8[%swap3A_82, %swap3A_83] {strides = array<i32>} : memref<208x128xf32, #tpu.memory_space<vmem>>, vector<1x16xf32>,
        %swap3A_85 = vector.shape_cast %swap3A_84 : vector<1x16xf32> to vector<16xf32>
        %swap3A_86 = vector.shape_cast %get3A_81 : vector<16xf32> to vector<1x16xf32>
        tpu.vector_store %arg8[%swap3A_82, %swap3A_83], %swap3A_86 {strides = array<i32>} : memref<208x128xf32, #tpu.memory_space<vmem>>, vector<1x16xf32>,
        %mul3A_87 = arith.constant 8 : i32
        %mul3A_88 = arith.muli %mul3A_87, %scan3A_36 : i32
        %add3A_89 = arith.constant 4 : i32
        %add3A_90 = arith.addi %mul3A_88, %add3A_89 : i32
        %get3A_91 = arith.index_cast %add3A_90 : i32 to index
        %get3A_92 = arith.constant 0 : index
        %get3A_93 = tpu.vector_load %arg7[%get3A_91, %get3A_92] {strides = array<i32>} : memref<1664x16xf32, #tpu.memory_space<vmem>>, vector<1x16xf32>,
        %get3A_94 = vector.shape_cast %get3A_93 : vector<1x16xf32> to vector<16xf32>
        %swap3A_95 = arith.index_cast %scan3A_36 : i32 to index
        %swap3A_96 = arith.constant 64 : index
        %swap3A_97 = tpu.vector_load %arg8[%swap3A_95, %swap3A_96] {strides = array<i32>} : memref<208x128xf32, #tpu.memory_space<vmem>>, vector<1x16xf32>,
        %swap3A_98 = vector.shape_cast %swap3A_97 : vector<1x16xf32> to vector<16xf32>
        %swap3A_99 = vector.shape_cast %get3A_94 : vector<16xf32> to vector<1x16xf32>
        tpu.vector_store %arg8[%swap3A_95, %swap3A_96], %swap3A_99 {strides = array<i32>} : memref<208x128xf32, #tpu.memory_space<vmem>>, vector<1x16xf32>,
        %mul3A_100 = arith.constant 8 : i32
        %mul3A_101 = arith.muli %mul3A_100, %scan3A_36 : i32
        %add3A_102 = arith.constant 5 : i32
        %add3A_103 = arith.addi %mul3A_101, %add3A_102 : i32
        %get3A_104 = arith.index_cast %add3A_103 : i32 to index
        %get3A_105 = arith.constant 0 : index
        %get3A_106 = tpu.vector_load %arg7[%get3A_104, %get3A_105] {strides = array<i32>} : memref<1664x16xf32, #tpu.memory_space<vmem>>, vector<1x16xf32>,
        %get3A_107 = vector.shape_cast %get3A_106 : vector<1x16xf32> to vector<16xf32>
        %swap3A_108 = arith.index_cast %scan3A_36 : i32 to index
        %swap3A_109 = arith.constant 80 : index
        %swap3A_110 = tpu.vector_load %arg8[%swap3A_108, %swap3A_109] {strides = array<i32>} : memref<208x128xf32, #tpu.memory_space<vmem>>, vector<1x16xf32>,
        %swap3A_111 = vector.shape_cast %swap3A_110 : vector<1x16xf32> to vector<16xf32>
        %swap3A_112 = vector.shape_cast %get3A_107 : vector<16xf32> to vector<1x16xf32>
        tpu.vector_store %arg8[%swap3A_108, %swap3A_109], %swap3A_112 {strides = array<i32>} : memref<208x128xf32, #tpu.memory_space<vmem>>, vector<1x16xf32>,
        %mul3A_113 = arith.constant 8 : i32
        %mul3A_114 = arith.muli %mul3A_113, %scan3A_36 : i32
        %add3A_115 = arith.constant 6 : i32
        %add3A_116 = arith.addi %mul3A_114, %add3A_115 : i32
        %get3A_117 = arith.index_cast %add3A_116 : i32 to index
        %get3A_118 = arith.constant 0 : index
        %get3A_119 = tpu.vector_load %arg7[%get3A_117, %get3A_118] {strides = array<i32>} : memref<1664x16xf32, #tpu.memory_space<vmem>>, vector<1x16xf32>,
        %get3A_120 = vector.shape_cast %get3A_119 : vector<1x16xf32> to vector<16xf32>
        %swap3A_121 = arith.index_cast %scan3A_36 : i32 to index
        %swap3A_122 = arith.constant 96 : index
        %swap3A_123 = tpu.vector_load %arg8[%swap3A_121, %swap3A_122] {strides = array<i32>} : memref<208x128xf32, #tpu.memory_space<vmem>>, vector<1x16xf32>,
        %swap3A_124 = vector.shape_cast %swap3A_123 : vector<1x16xf32> to vector<16xf32>
        %swap3A_125 = vector.shape_cast %get3A_120 : vector<16xf32> to vector<1x16xf32>
        tpu.vector_store %arg8[%swap3A_121, %swap3A_122], %swap3A_125 {strides = array<i32>} : memref<208x128xf32, #tpu.memory_space<vmem>>, vector<1x16xf32>,
        %mul3A_126 = arith.constant 8 : i32
        %mul3A_127 = arith.muli %mul3A_126, %scan3A_36 : i32
        %add3A_128 = arith.constant 7 : i32
        %add3A_129 = arith.addi %mul3A_127, %add3A_128 : i32
        %get3A_130 = arith.index_cast %add3A_129 : i32 to index
        %get3A_131 = arith.constant 0 : index
        %get3A_132 = tpu.vector_load %arg7[%get3A_130, %get3A_131] {strides = array<i32>} : memref<1664x16xf32, #tpu.memory_space<vmem>>, vector<1x16xf32>,
        %get3A_133 = vector.shape_cast %get3A_132 : vector<1x16xf32> to vector<16xf32>
        %swap3A_134 = arith.index_cast %scan3A_36 : i32 to index
        %swap3A_135 = arith.constant 112 : index
        %swap3A_136 = tpu.vector_load %arg8[%swap3A_134, %swap3A_135] {strides = array<i32>} : memref<208x128xf32, #tpu.memory_space<vmem>>, vector<1x16xf32>,
        %swap3A_137 = vector.shape_cast %swap3A_136 : vector<1x16xf32> to vector<16xf32>
        %swap3A_138 = vector.shape_cast %get3A_133 : vector<16xf32> to vector<1x16xf32>
        tpu.vector_store %arg8[%swap3A_134, %swap3A_135], %swap3A_138 {strides = array<i32>} : memref<208x128xf32, #tpu.memory_space<vmem>>, vector<1x16xf32>,
      }
      %scan3A_33 = arith.constant 16 : i32
      %mul3A_34 = arith.constant 16 : i32
      %mul3A_35 = arith.muli %add3A_15, %mul3A_34 : i32
      "tpu.region"() ({
        %run_scoped3A = tpu.sem_alloc : memref<!tpu.dma_semaphore, #tpu.memory_space<semaphore_mem>>
        %dma_start3A_36 = arith.constant 0 : i32
        %dma_start3A_37 = arith.constant 0 : i32
        %dma_start3A_38 = tpu.memref_slice %arg8[%dma_start3A_36, %dma_start3A_37] : memref<208x128xf32, #tpu.memory_space<vmem>> -> memref<16x128xf32, #tpu.memory_space<vmem>>
        %dma_start3A_39 = arith.constant 0 : i32
        %dma_start3A_40 = tpu.memref_slice %arg4[%mul3A_35, %dma_start3A_39] : memref<40000x128xf32, #tpu.memory_space<hbm>> -> memref<16x128xf32, #tpu.memory_space<hbm>>
        %dma_start3A_41 = arith.constant 0 : i32
        %dma_start3A_42 = tpu.memref_slice %arg4[%mul3A_35, %dma_start3A_41] : memref<40000x128xf32, #tpu.memory_space<hbm>> -> memref<16x128xf32, #tpu.memory_space<hbm>>
        %dma_start3A_43 = arith.constant 0 : i32
        %dma_start3A_44 = arith.constant 0 : i32
        %dma_start3A_45 = tpu.memref_slice %arg8[%dma_start3A_43, %dma_start3A_44] : memref<208x128xf32, #tpu.memory_space<vmem>> -> memref<16x128xf32, #tpu.memory_space<vmem>>
        tpu.enqueue_dma source(%dma_start3A_45 : memref<16x128xf32, #tpu.memory_space<vmem>>) target(%dma_start3A_42 : memref<16x128xf32, #tpu.memory_space<hbm>>) target_semaphore(%run_scoped3A : memref<!tpu.dma_semaphore, #tpu.memory_space<semaphore_mem>>)
        %dma_wait3A_46 = arith.constant 0 : i32
        %dma_wait3A_47 = arith.constant 0 : i32
        %dma_wait3A_48 = tpu.memref_slice %arg8[%dma_wait3A_46, %dma_wait3A_47] : memref<208x128xf32, #tpu.memory_space<vmem>> -> memref<16x128xf32, #tpu.memory_space<vmem>>
        %dma_wait3A_49 = arith.constant 0 : i32
        %dma_wait3A_50 = tpu.memref_slice %arg4[%mul3A_35, %dma_wait3A_49] : memref<40000x128xf32, #tpu.memory_space<hbm>> -> memref<16x128xf32, #tpu.memory_space<hbm>>
        %dma_wait3A_51 = arith.constant 0 : i32
        %dma_wait3A_52 = tpu.memref_slice %arg4[%mul3A_35, %dma_wait3A_51] : memref<40000x128xf32, #tpu.memory_space<hbm>> -> memref<16x128xf32, #tpu.memory_space<hbm>>
        %dma_wait3A_53 = arith.constant 0 : i32
        %dma_wait3A_54 = arith.constant 0 : i32
        %dma_wait3A_55 = tpu.memref_slice %arg8[%dma_wait3A_53, %dma_wait3A_54] : memref<208x128xf32, #tpu.memory_space<vmem>> -> memref<16x128xf32, #tpu.memory_space<vmem>>
        tpu.wait_dma2 semaphore(%run_scoped3A : memref<!tpu.dma_semaphore, #tpu.memory_space<semaphore_mem>>) src(%dma_wait3A_55 : memref<16x128xf32, #tpu.memory_space<vmem>>) dst(%dma_wait3A_52 : memref<16x128xf32, #tpu.memory_space<hbm>>)
        tpu.yield
      }) : () -> ()
    } else {
    }
    return
  }
}

#map = affine_map<(d0, d1) -> (0, 0)>
#map1 = affine_map<(d0, d1) -> (0)>
#map2 = affine_map<(d0, d1) -> (0, 0, 0)>
module attributes {stable_mosaic.version = 14 : i64} {
  func.func @_sc_scatter(%arg0: i32, %arg1: i32, %arg2: memref<40000x128xf32, #tpu.memory_space<hbm>>, %arg3: memref<320000xi32, #tpu.memory_space<hbm>>, %arg4: memref<2x1250x128xf32, #tpu.memory_space<hbm>>, %arg5: memref<10000x16xf32, #tpu.memory_space<vmem_shared>>, %arg6: memref<9984xi32, #tpu.memory_space<vmem>>, %arg7: memref<128xi32, #tpu.memory_space<vmem>>, %arg8: memref<1664x16xf32, #tpu.memory_space<vmem>>, %arg9: memref<208x128xf32, #tpu.memory_space<vmem>>) attributes {dimension_semantics = [#tpu.dimension_semantics<core_parallel>, #tpu.dimension_semantics<subcore_parallel>], iteration_bounds = array<i64: 2, 16>, scalar_prefetch = 0 : i64, scratch_operands = 5 : i64, tpu.core_type = #tpu.core_type<sc_vector_subcore>, window_params = [{transform_indices = #map}, {transform_indices = #map1}, {transform_indices = #map2}]} {
    %mul3A = arith.constant 2 : i32
    %mul3A_0 = arith.muli %arg1, %mul3A : i32
    %add3A = arith.addi %mul3A_0, %arg0 : i32
    %mul3A_1 = arith.constant 78 : i32
    %mul3A_2 = arith.muli %add3A, %mul3A_1 : i32
    %mul3A_3 = arith.constant 16 : i32
    %mul3A_4 = arith.muli %mul3A_2, %mul3A_3 : i32
    %scan3A = arith.constant 0 : i32
    %scan3A_5 = arith.constant 0 : i32
    %scan3A_6 = arith.constant 1000 : i32
    %scan3A_7 = arith.addi %scan3A_5, %scan3A_6 : i32
    %scan3A_8 = arith.constant 1 : i32
    scf.for %scan3A_31 = %scan3A_5 to %scan3A_7 step %scan3A_8  : i32 {
      %broadcast_in_dim3A = arith.constant 0.000000e+00 : f32
      %broadcast_in_dim3A_32 = vector.broadcast %broadcast_in_dim3A : f32 to vector<16xf32>
      %swap3A = arith.index_cast %scan3A_31 : i32 to index
      %swap3A_33 = arith.constant 0 : index
      %swap3A_34 = tpu.vector_load %arg8[%swap3A, %swap3A_33] {strides = array<i32>} : memref<1664x16xf32, #tpu.memory_space<vmem>>, vector<1x16xf32>,
      %swap3A_35 = vector.shape_cast %swap3A_34 : vector<1x16xf32> to vector<16xf32>
      %swap3A_36 = vector.shape_cast %broadcast_in_dim3A_32 : vector<16xf32> to vector<1x16xf32>
      tpu.vector_store %arg8[%swap3A, %swap3A_33], %swap3A_36 {strides = array<i32>} : memref<1664x16xf32, #tpu.memory_space<vmem>>, vector<1x16xf32>,
    }
    %scan3A_9 = arith.constant 1000 : i32
    %lt3A = arith.constant 10 : i32
    %lt3A_10 = arith.cmpi slt, %arg1, %lt3A : i32
    %convert_element_type3A = arith.extui %lt3A_10 : i1 to i32
    %cond3A = arith.constant 0 : i32
    %cond3A_11 = arith.cmpi ne, %convert_element_type3A, %cond3A : i32
    scf.if %cond3A_11 {
      %mul3A_31 = arith.constant 1000 : i32
      %mul3A_32 = arith.muli %arg1, %mul3A_31 : i32
      "tpu.region"() ({
        %run_scoped3A = tpu.sem_alloc : memref<!tpu.dma_semaphore, #tpu.memory_space<semaphore_mem>>
        %dma_start3A = arith.constant 0 : i32
        %dma_start3A_33 = arith.constant 0 : i32
        %dma_start3A_34 = tpu.memref_slice %arg8[%dma_start3A, %dma_start3A_33] : memref<1664x16xf32, #tpu.memory_space<vmem>> -> memref<1000x16xf32, #tpu.memory_space<vmem>>
        %dma_start3A_35 = arith.constant 0 : i32
        %dma_start3A_36 = tpu.memref_slice %arg5[%mul3A_32, %dma_start3A_35] : memref<10000x16xf32, #tpu.memory_space<vmem_shared>> -> memref<1000x16xf32, #tpu.memory_space<vmem_shared>>
        %dma_start3A_37 = arith.constant 0 : i32
        %dma_start3A_38 = tpu.memref_slice %arg5[%mul3A_32, %dma_start3A_37] : memref<10000x16xf32, #tpu.memory_space<vmem_shared>> -> memref<1000x16xf32, #tpu.memory_space<vmem_shared>>
        %dma_start3A_39 = arith.constant 0 : i32
        %dma_start3A_40 = arith.constant 0 : i32
        %dma_start3A_41 = tpu.memref_slice %arg8[%dma_start3A_39, %dma_start3A_40] : memref<1664x16xf32, #tpu.memory_space<vmem>> -> memref<1000x16xf32, #tpu.memory_space<vmem>>
        tpu.enqueue_dma source(%dma_start3A_41 : memref<1000x16xf32, #tpu.memory_space<vmem>>) target(%dma_start3A_38 : memref<1000x16xf32, #tpu.memory_space<vmem_shared>>) target_semaphore(%run_scoped3A : memref<!tpu.dma_semaphore, #tpu.memory_space<semaphore_mem>>)
        %dma_wait3A = arith.constant 0 : i32
        %dma_wait3A_42 = arith.constant 0 : i32
        %dma_wait3A_43 = tpu.memref_slice %arg8[%dma_wait3A, %dma_wait3A_42] : memref<1664x16xf32, #tpu.memory_space<vmem>> -> memref<1000x16xf32, #tpu.memory_space<vmem>>
        %dma_wait3A_44 = arith.constant 0 : i32
        %dma_wait3A_45 = tpu.memref_slice %arg5[%mul3A_32, %dma_wait3A_44] : memref<10000x16xf32, #tpu.memory_space<vmem_shared>> -> memref<1000x16xf32, #tpu.memory_space<vmem_shared>>
        %dma_wait3A_46 = arith.constant 0 : i32
        %dma_wait3A_47 = tpu.memref_slice %arg5[%mul3A_32, %dma_wait3A_46] : memref<10000x16xf32, #tpu.memory_space<vmem_shared>> -> memref<1000x16xf32, #tpu.memory_space<vmem_shared>>
        %dma_wait3A_48 = arith.constant 0 : i32
        %dma_wait3A_49 = arith.constant 0 : i32
        %dma_wait3A_50 = tpu.memref_slice %arg8[%dma_wait3A_48, %dma_wait3A_49] : memref<1664x16xf32, #tpu.memory_space<vmem>> -> memref<1000x16xf32, #tpu.memory_space<vmem>>
        tpu.wait_dma2 semaphore(%run_scoped3A : memref<!tpu.dma_semaphore, #tpu.memory_space<semaphore_mem>>) src(%dma_wait3A_50 : memref<1000x16xf32, #tpu.memory_space<vmem>>) dst(%dma_wait3A_47 : memref<1000x16xf32, #tpu.memory_space<vmem_shared>>)
        tpu.yield
      }) : () -> ()
    } else {
    }
    %barrier3A = arith.constant 0 : index
    tpu.barrier barrier_id(%barrier3A)
    %mul3A_12 = arith.constant 128 : i32
    %mul3A_13 = arith.muli %mul3A_2, %mul3A_12 : i32
    "tpu.region"() ({
      %run_scoped3A = tpu.sem_alloc : memref<!tpu.dma_semaphore, #tpu.memory_space<semaphore_mem>>
      %dma_start3A = tpu.memref_slice %arg3[%mul3A_13] : memref<320000xi32, #tpu.memory_space<hbm>> -> memref<9984xi32, #tpu.memory_space<hbm>>
      %dma_start3A_31 = tpu.memref_slice %arg3[%mul3A_13] : memref<320000xi32, #tpu.memory_space<hbm>> -> memref<9984xi32, #tpu.memory_space<hbm>>
      tpu.enqueue_dma source(%dma_start3A_31 : memref<9984xi32, #tpu.memory_space<hbm>>) target(%arg6 : memref<9984xi32, #tpu.memory_space<vmem>>) target_semaphore(%run_scoped3A : memref<!tpu.dma_semaphore, #tpu.memory_space<semaphore_mem>>)
      %dma_wait3A = tpu.memref_slice %arg3[%mul3A_13] : memref<320000xi32, #tpu.memory_space<hbm>> -> memref<9984xi32, #tpu.memory_space<hbm>>
      %dma_wait3A_32 = tpu.memref_slice %arg3[%mul3A_13] : memref<320000xi32, #tpu.memory_space<hbm>> -> memref<9984xi32, #tpu.memory_space<hbm>>
      tpu.wait_dma2 semaphore(%run_scoped3A : memref<!tpu.dma_semaphore, #tpu.memory_space<semaphore_mem>>) src(%dma_wait3A_32 : memref<9984xi32, #tpu.memory_space<hbm>>) dst(%arg6 : memref<9984xi32, #tpu.memory_space<vmem>>)
      tpu.yield
    }) : () -> ()
    %scan3A_14 = arith.constant 0 : i32
    %scan3A_15 = arith.constant 0 : i32
    %scan3A_16 = arith.constant 6 : i32
    %scan3A_17 = arith.addi %scan3A_15, %scan3A_16 : i32
    %scan3A_18 = arith.constant 1 : i32
    scf.for %scan3A_31 = %scan3A_15 to %scan3A_17 step %scan3A_18  : i32 {
      %mul3A_32 = arith.constant 208 : i32
      %mul3A_33 = arith.muli %scan3A_31, %mul3A_32 : i32
      %add3A_34 = arith.addi %mul3A_4, %mul3A_33 : i32
      "tpu.region"() ({
        %run_scoped3A = tpu.sem_alloc : memref<!tpu.dma_semaphore, #tpu.memory_space<semaphore_mem>>
        %dma_start3A = arith.constant 0 : i32
        %dma_start3A_119 = tpu.memref_slice %arg2[%add3A_34, %dma_start3A] : memref<40000x128xf32, #tpu.memory_space<hbm>> -> memref<208x128xf32, #tpu.memory_space<hbm>>
        %dma_start3A_120 = arith.constant 0 : i32
        %dma_start3A_121 = tpu.memref_slice %arg2[%add3A_34, %dma_start3A_120] : memref<40000x128xf32, #tpu.memory_space<hbm>> -> memref<208x128xf32, #tpu.memory_space<hbm>>
        tpu.enqueue_dma source(%dma_start3A_121 : memref<208x128xf32, #tpu.memory_space<hbm>>) target(%arg9 : memref<208x128xf32, #tpu.memory_space<vmem>>) target_semaphore(%run_scoped3A : memref<!tpu.dma_semaphore, #tpu.memory_space<semaphore_mem>>)
        %dma_wait3A = arith.constant 0 : i32
        %dma_wait3A_122 = tpu.memref_slice %arg2[%add3A_34, %dma_wait3A] : memref<40000x128xf32, #tpu.memory_space<hbm>> -> memref<208x128xf32, #tpu.memory_space<hbm>>
        %dma_wait3A_123 = arith.constant 0 : i32
        %dma_wait3A_124 = tpu.memref_slice %arg2[%add3A_34, %dma_wait3A_123] : memref<40000x128xf32, #tpu.memory_space<hbm>> -> memref<208x128xf32, #tpu.memory_space<hbm>>
        tpu.wait_dma2 semaphore(%run_scoped3A : memref<!tpu.dma_semaphore, #tpu.memory_space<semaphore_mem>>) src(%dma_wait3A_124 : memref<208x128xf32, #tpu.memory_space<hbm>>) dst(%arg9 : memref<208x128xf32, #tpu.memory_space<vmem>>)
        tpu.yield
      }) : () -> ()
      %scan3A_35 = arith.constant 0 : i32
      %scan3A_36 = arith.constant 0 : i32
      %scan3A_37 = arith.constant 208 : i32
      %scan3A_38 = arith.addi %scan3A_36, %scan3A_37 : i32
      %scan3A_39 = arith.constant 1 : i32
      scf.for %scan3A_119 = %scan3A_36 to %scan3A_38 step %scan3A_39  : i32 {
        %get3A = arith.index_cast %scan3A_119 : i32 to index
        %get3A_120 = arith.constant 0 : index
        %get3A_121 = tpu.vector_load %arg9[%get3A, %get3A_120] {strides = array<i32>} : memref<208x128xf32, #tpu.memory_space<vmem>>, vector<1x16xf32>,
        %get3A_122 = vector.shape_cast %get3A_121 : vector<1x16xf32> to vector<16xf32>
        %mul3A_123 = arith.constant 8 : i32
        %mul3A_124 = arith.muli %mul3A_123, %scan3A_119 : i32
        %add3A_125 = arith.constant 0 : i32
        %add3A_126 = arith.addi %mul3A_124, %add3A_125 : i32
        %swap3A = arith.index_cast %add3A_126 : i32 to index
        %swap3A_127 = arith.constant 0 : index
        %swap3A_128 = tpu.vector_load %arg8[%swap3A, %swap3A_127] {strides = array<i32>} : memref<1664x16xf32, #tpu.memory_space<vmem>>, vector<1x16xf32>,
        %swap3A_129 = vector.shape_cast %swap3A_128 : vector<1x16xf32> to vector<16xf32>
        %swap3A_130 = vector.shape_cast %get3A_122 : vector<16xf32> to vector<1x16xf32>
        tpu.vector_store %arg8[%swap3A, %swap3A_127], %swap3A_130 {strides = array<i32>} : memref<1664x16xf32, #tpu.memory_space<vmem>>, vector<1x16xf32>,
        %get3A_131 = arith.index_cast %scan3A_119 : i32 to index
        %get3A_132 = arith.constant 16 : index
        %get3A_133 = tpu.vector_load %arg9[%get3A_131, %get3A_132] {strides = array<i32>} : memref<208x128xf32, #tpu.memory_space<vmem>>, vector<1x16xf32>,
        %get3A_134 = vector.shape_cast %get3A_133 : vector<1x16xf32> to vector<16xf32>
        %mul3A_135 = arith.constant 8 : i32
        %mul3A_136 = arith.muli %mul3A_135, %scan3A_119 : i32
        %add3A_137 = arith.constant 1 : i32
        %add3A_138 = arith.addi %mul3A_136, %add3A_137 : i32
        %swap3A_139 = arith.index_cast %add3A_138 : i32 to index
        %swap3A_140 = arith.constant 0 : index
        %swap3A_141 = tpu.vector_load %arg8[%swap3A_139, %swap3A_140] {strides = array<i32>} : memref<1664x16xf32, #tpu.memory_space<vmem>>, vector<1x16xf32>,
        %swap3A_142 = vector.shape_cast %swap3A_141 : vector<1x16xf32> to vector<16xf32>
        %swap3A_143 = vector.shape_cast %get3A_134 : vector<16xf32> to vector<1x16xf32>
        tpu.vector_store %arg8[%swap3A_139, %swap3A_140], %swap3A_143 {strides = array<i32>} : memref<1664x16xf32, #tpu.memory_space<vmem>>, vector<1x16xf32>,
        %get3A_144 = arith.index_cast %scan3A_119 : i32 to index
        %get3A_145 = arith.constant 32 : index
        %get3A_146 = tpu.vector_load %arg9[%get3A_144, %get3A_145] {strides = array<i32>} : memref<208x128xf32, #tpu.memory_space<vmem>>, vector<1x16xf32>,
        %get3A_147 = vector.shape_cast %get3A_146 : vector<1x16xf32> to vector<16xf32>
        %mul3A_148 = arith.constant 8 : i32
        %mul3A_149 = arith.muli %mul3A_148, %scan3A_119 : i32
        %add3A_150 = arith.constant 2 : i32
        %add3A_151 = arith.addi %mul3A_149, %add3A_150 : i32
        %swap3A_152 = arith.index_cast %add3A_151 : i32 to index
        %swap3A_153 = arith.constant 0 : index
        %swap3A_154 = tpu.vector_load %arg8[%swap3A_152, %swap3A_153] {strides = array<i32>} : memref<1664x16xf32, #tpu.memory_space<vmem>>, vector<1x16xf32>,
        %swap3A_155 = vector.shape_cast %swap3A_154 : vector<1x16xf32> to vector<16xf32>
        %swap3A_156 = vector.shape_cast %get3A_147 : vector<16xf32> to vector<1x16xf32>
        tpu.vector_store %arg8[%swap3A_152, %swap3A_153], %swap3A_156 {strides = array<i32>} : memref<1664x16xf32, #tpu.memory_space<vmem>>, vector<1x16xf32>,
        %get3A_157 = arith.index_cast %scan3A_119 : i32 to index
        %get3A_158 = arith.constant 48 : index
        %get3A_159 = tpu.vector_load %arg9[%get3A_157, %get3A_158] {strides = array<i32>} : memref<208x128xf32, #tpu.memory_space<vmem>>, vector<1x16xf32>,
        %get3A_160 = vector.shape_cast %get3A_159 : vector<1x16xf32> to vector<16xf32>
        %mul3A_161 = arith.constant 8 : i32
        %mul3A_162 = arith.muli %mul3A_161, %scan3A_119 : i32
        %add3A_163 = arith.constant 3 : i32
        %add3A_164 = arith.addi %mul3A_162, %add3A_163 : i32
        %swap3A_165 = arith.index_cast %add3A_164 : i32 to index
        %swap3A_166 = arith.constant 0 : index
        %swap3A_167 = tpu.vector_load %arg8[%swap3A_165, %swap3A_166] {strides = array<i32>} : memref<1664x16xf32, #tpu.memory_space<vmem>>, vector<1x16xf32>,
        %swap3A_168 = vector.shape_cast %swap3A_167 : vector<1x16xf32> to vector<16xf32>
        %swap3A_169 = vector.shape_cast %get3A_160 : vector<16xf32> to vector<1x16xf32>
        tpu.vector_store %arg8[%swap3A_165, %swap3A_166], %swap3A_169 {strides = array<i32>} : memref<1664x16xf32, #tpu.memory_space<vmem>>, vector<1x16xf32>,
        %get3A_170 = arith.index_cast %scan3A_119 : i32 to index
        %get3A_171 = arith.constant 64 : index
        %get3A_172 = tpu.vector_load %arg9[%get3A_170, %get3A_171] {strides = array<i32>} : memref<208x128xf32, #tpu.memory_space<vmem>>, vector<1x16xf32>,
        %get3A_173 = vector.shape_cast %get3A_172 : vector<1x16xf32> to vector<16xf32>
        %mul3A_174 = arith.constant 8 : i32
        %mul3A_175 = arith.muli %mul3A_174, %scan3A_119 : i32
        %add3A_176 = arith.constant 4 : i32
        %add3A_177 = arith.addi %mul3A_175, %add3A_176 : i32
        %swap3A_178 = arith.index_cast %add3A_177 : i32 to index
        %swap3A_179 = arith.constant 0 : index
        %swap3A_180 = tpu.vector_load %arg8[%swap3A_178, %swap3A_179] {strides = array<i32>} : memref<1664x16xf32, #tpu.memory_space<vmem>>, vector<1x16xf32>,
        %swap3A_181 = vector.shape_cast %swap3A_180 : vector<1x16xf32> to vector<16xf32>
        %swap3A_182 = vector.shape_cast %get3A_173 : vector<16xf32> to vector<1x16xf32>
        tpu.vector_store %arg8[%swap3A_178, %swap3A_179], %swap3A_182 {strides = array<i32>} : memref<1664x16xf32, #tpu.memory_space<vmem>>, vector<1x16xf32>,
        %get3A_183 = arith.index_cast %scan3A_119 : i32 to index
        %get3A_184 = arith.constant 80 : index
        %get3A_185 = tpu.vector_load %arg9[%get3A_183, %get3A_184] {strides = array<i32>} : memref<208x128xf32, #tpu.memory_space<vmem>>, vector<1x16xf32>,
        %get3A_186 = vector.shape_cast %get3A_185 : vector<1x16xf32> to vector<16xf32>
        %mul3A_187 = arith.constant 8 : i32
        %mul3A_188 = arith.muli %mul3A_187, %scan3A_119 : i32
        %add3A_189 = arith.constant 5 : i32
        %add3A_190 = arith.addi %mul3A_188, %add3A_189 : i32
        %swap3A_191 = arith.index_cast %add3A_190 : i32 to index
        %swap3A_192 = arith.constant 0 : index
        %swap3A_193 = tpu.vector_load %arg8[%swap3A_191, %swap3A_192] {strides = array<i32>} : memref<1664x16xf32, #tpu.memory_space<vmem>>, vector<1x16xf32>,
        %swap3A_194 = vector.shape_cast %swap3A_193 : vector<1x16xf32> to vector<16xf32>
        %swap3A_195 = vector.shape_cast %get3A_186 : vector<16xf32> to vector<1x16xf32>
        tpu.vector_store %arg8[%swap3A_191, %swap3A_192], %swap3A_195 {strides = array<i32>} : memref<1664x16xf32, #tpu.memory_space<vmem>>, vector<1x16xf32>,
        %get3A_196 = arith.index_cast %scan3A_119 : i32 to index
        %get3A_197 = arith.constant 96 : index
        %get3A_198 = tpu.vector_load %arg9[%get3A_196, %get3A_197] {strides = array<i32>} : memref<208x128xf32, #tpu.memory_space<vmem>>, vector<1x16xf32>,
        %get3A_199 = vector.shape_cast %get3A_198 : vector<1x16xf32> to vector<16xf32>
        %mul3A_200 = arith.constant 8 : i32
        %mul3A_201 = arith.muli %mul3A_200, %scan3A_119 : i32
        %add3A_202 = arith.constant 6 : i32
        %add3A_203 = arith.addi %mul3A_201, %add3A_202 : i32
        %swap3A_204 = arith.index_cast %add3A_203 : i32 to index
        %swap3A_205 = arith.constant 0 : index
        %swap3A_206 = tpu.vector_load %arg8[%swap3A_204, %swap3A_205] {strides = array<i32>} : memref<1664x16xf32, #tpu.memory_space<vmem>>, vector<1x16xf32>,
        %swap3A_207 = vector.shape_cast %swap3A_206 : vector<1x16xf32> to vector<16xf32>
        %swap3A_208 = vector.shape_cast %get3A_199 : vector<16xf32> to vector<1x16xf32>
        tpu.vector_store %arg8[%swap3A_204, %swap3A_205], %swap3A_208 {strides = array<i32>} : memref<1664x16xf32, #tpu.memory_space<vmem>>, vector<1x16xf32>,
        %get3A_209 = arith.index_cast %scan3A_119 : i32 to index
        %get3A_210 = arith.constant 112 : index
        %get3A_211 = tpu.vector_load %arg9[%get3A_209, %get3A_210] {strides = array<i32>} : memref<208x128xf32, #tpu.memory_space<vmem>>, vector<1x16xf32>,
        %get3A_212 = vector.shape_cast %get3A_211 : vector<1x16xf32> to vector<16xf32>
        %mul3A_213 = arith.constant 8 : i32
        %mul3A_214 = arith.muli %mul3A_213, %scan3A_119 : i32
        %add3A_215 = arith.constant 7 : i32
        %add3A_216 = arith.addi %mul3A_214, %add3A_215 : i32
        %swap3A_217 = arith.index_cast %add3A_216 : i32 to index
        %swap3A_218 = arith.constant 0 : index
        %swap3A_219 = tpu.vector_load %arg8[%swap3A_217, %swap3A_218] {strides = array<i32>} : memref<1664x16xf32, #tpu.memory_space<vmem>>, vector<1x16xf32>,
        %swap3A_220 = vector.shape_cast %swap3A_219 : vector<1x16xf32> to vector<16xf32>
        %swap3A_221 = vector.shape_cast %get3A_212 : vector<16xf32> to vector<1x16xf32>
        tpu.vector_store %arg8[%swap3A_217, %swap3A_218], %swap3A_221 {strides = array<i32>} : memref<1664x16xf32, #tpu.memory_space<vmem>>, vector<1x16xf32>,
      }
      %scan3A_40 = arith.constant 208 : i32
      %mul3A_41 = arith.constant 13 : i32
      %mul3A_42 = arith.muli %scan3A_31, %mul3A_41 : i32
      %add3A_43 = arith.constant 0 : i32
      %add3A_44 = arith.addi %mul3A_42, %add3A_43 : i32
      %mul3A_45 = arith.constant 128 : i32
      %mul3A_46 = arith.muli %add3A_44, %mul3A_45 : i32
      "tpu.region"() ({
        %run_scoped3A = tpu.sem_alloc : memref<!tpu.dma_semaphore, #tpu.memory_space<semaphore_mem>>
        %dma_start3A = arith.constant 0 : i32
        %dma_start3A_119 = arith.constant 0 : i32
        %dma_start3A_120 = tpu.memref_slice %arg8[%dma_start3A, %dma_start3A_119] : memref<1664x16xf32, #tpu.memory_space<vmem>> -> memref<128x16xf32, #tpu.memory_space<vmem>>
        %dma_start3A_121 = tpu.memref_slice %arg6[%mul3A_46] : memref<9984xi32, #tpu.memory_space<vmem>> -> memref<128xi32, #tpu.memory_space<vmem>>
        %dma_start3A_122 = arith.constant 0 : i32
        %dma_start3A_123 = arith.constant 0 : i32
        %dma_start3A_124 = tpu.memref_slice %arg5[%dma_start3A_122, %dma_start3A_123] : memref<10000x16xf32, #tpu.memory_space<vmem_shared>> -> memref<10000x16xf32, #tpu.memory_space<vmem_shared>>
        tpu.enqueue_indirect_dma source(%dma_start3A_120 : memref<128x16xf32, #tpu.memory_space<vmem>>) target(%dma_start3A_124 : memref<10000x16xf32, #tpu.memory_space<vmem_shared>>) offsets(%dma_start3A_121 : memref<128xi32, #tpu.memory_space<vmem>>) semaphore(%run_scoped3A : memref<!tpu.dma_semaphore, #tpu.memory_space<semaphore_mem>>) {add = true}
        %dma_wait3A = arith.constant 0 : i32
        %dma_wait3A_125 = arith.constant 0 : i32
        %dma_wait3A_126 = tpu.memref_slice %arg8[%dma_wait3A, %dma_wait3A_125] : memref<1664x16xf32, #tpu.memory_space<vmem>> -> memref<128x16xf32, #tpu.memory_space<vmem>>
        %dma_wait3A_127 = tpu.memref_slice %arg6[%mul3A_46] : memref<9984xi32, #tpu.memory_space<vmem>> -> memref<128xi32, #tpu.memory_space<vmem>>
        %dma_wait3A_128 = arith.constant 0 : i32
        %dma_wait3A_129 = arith.constant 0 : i32
        %dma_wait3A_130 = tpu.memref_slice %arg5[%dma_wait3A_128, %dma_wait3A_129] : memref<10000x16xf32, #tpu.memory_space<vmem_shared>> -> memref<10000x16xf32, #tpu.memory_space<vmem_shared>>
        tpu.wait_indirect_dma semaphore(%run_scoped3A : memref<!tpu.dma_semaphore, #tpu.memory_space<semaphore_mem>>) src(%dma_wait3A_126 : memref<128x16xf32, #tpu.memory_space<vmem>>) dst(%dma_wait3A_130 : memref<10000x16xf32, #tpu.memory_space<vmem_shared>>)
        tpu.yield
      }) : () -> ()
      %mul3A_47 = arith.constant 13 : i32
      %mul3A_48 = arith.muli %scan3A_31, %mul3A_47 : i32
      %add3A_49 = arith.constant 1 : i32
      %add3A_50 = arith.addi %mul3A_48, %add3A_49 : i32
      %mul3A_51 = arith.constant 128 : i32
      %mul3A_52 = arith.muli %add3A_50, %mul3A_51 : i32
      "tpu.region"() ({
        %run_scoped3A = tpu.sem_alloc : memref<!tpu.dma_semaphore, #tpu.memory_space<semaphore_mem>>
        %dma_start3A = arith.constant 128 : i32
        %dma_start3A_119 = arith.constant 0 : i32
        %dma_start3A_120 = tpu.memref_slice %arg8[%dma_start3A, %dma_start3A_119] : memref<1664x16xf32, #tpu.memory_space<vmem>> -> memref<128x16xf32, #tpu.memory_space<vmem>>
        %dma_start3A_121 = tpu.memref_slice %arg6[%mul3A_52] : memref<9984xi32, #tpu.memory_space<vmem>> -> memref<128xi32, #tpu.memory_space<vmem>>
        %dma_start3A_122 = arith.constant 0 : i32
        %dma_start3A_123 = arith.constant 0 : i32
        %dma_start3A_124 = tpu.memref_slice %arg5[%dma_start3A_122, %dma_start3A_123] : memref<10000x16xf32, #tpu.memory_space<vmem_shared>> -> memref<10000x16xf32, #tpu.memory_space<vmem_shared>>
        tpu.enqueue_indirect_dma source(%dma_start3A_120 : memref<128x16xf32, #tpu.memory_space<vmem>>) target(%dma_start3A_124 : memref<10000x16xf32, #tpu.memory_space<vmem_shared>>) offsets(%dma_start3A_121 : memref<128xi32, #tpu.memory_space<vmem>>) semaphore(%run_scoped3A : memref<!tpu.dma_semaphore, #tpu.memory_space<semaphore_mem>>) {add = true}
        %dma_wait3A = arith.constant 128 : i32
        %dma_wait3A_125 = arith.constant 0 : i32
        %dma_wait3A_126 = tpu.memref_slice %arg8[%dma_wait3A, %dma_wait3A_125] : memref<1664x16xf32, #tpu.memory_space<vmem>> -> memref<128x16xf32, #tpu.memory_space<vmem>>
        %dma_wait3A_127 = tpu.memref_slice %arg6[%mul3A_52] : memref<9984xi32, #tpu.memory_space<vmem>> -> memref<128xi32, #tpu.memory_space<vmem>>
        %dma_wait3A_128 = arith.constant 0 : i32
        %dma_wait3A_129 = arith.constant 0 : i32
        %dma_wait3A_130 = tpu.memref_slice %arg5[%dma_wait3A_128, %dma_wait3A_129] : memref<10000x16xf32, #tpu.memory_space<vmem_shared>> -> memref<10000x16xf32, #tpu.memory_space<vmem_shared>>
        tpu.wait_indirect_dma semaphore(%run_scoped3A : memref<!tpu.dma_semaphore, #tpu.memory_space<semaphore_mem>>) src(%dma_wait3A_126 : memref<128x16xf32, #tpu.memory_space<vmem>>) dst(%dma_wait3A_130 : memref<10000x16xf32, #tpu.memory_space<vmem_shared>>)
        tpu.yield
      }) : () -> ()
      %mul3A_53 = arith.constant 13 : i32
      %mul3A_54 = arith.muli %scan3A_31, %mul3A_53 : i32
      %add3A_55 = arith.constant 2 : i32
      %add3A_56 = arith.addi %mul3A_54, %add3A_55 : i32
      %mul3A_57 = arith.constant 128 : i32
      %mul3A_58 = arith.muli %add3A_56, %mul3A_57 : i32
      "tpu.region"() ({
        %run_scoped3A = tpu.sem_alloc : memref<!tpu.dma_semaphore, #tpu.memory_space<semaphore_mem>>
        %dma_start3A = arith.constant 256 : i32
        %dma_start3A_119 = arith.constant 0 : i32
        %dma_start3A_120 = tpu.memref_slice %arg8[%dma_start3A, %dma_start3A_119] : memref<1664x16xf32, #tpu.memory_space<vmem>> -> memref<128x16xf32, #tpu.memory_space<vmem>>
        %dma_start3A_121 = tpu.memref_slice %arg6[%mul3A_58] : memref<9984xi32, #tpu.memory_space<vmem>> -> memref<128xi32, #tpu.memory_space<vmem>>
        %dma_start3A_122 = arith.constant 0 : i32
        %dma_start3A_123 = arith.constant 0 : i32
        %dma_start3A_124 = tpu.memref_slice %arg5[%dma_start3A_122, %dma_start3A_123] : memref<10000x16xf32, #tpu.memory_space<vmem_shared>> -> memref<10000x16xf32, #tpu.memory_space<vmem_shared>>
        tpu.enqueue_indirect_dma source(%dma_start3A_120 : memref<128x16xf32, #tpu.memory_space<vmem>>) target(%dma_start3A_124 : memref<10000x16xf32, #tpu.memory_space<vmem_shared>>) offsets(%dma_start3A_121 : memref<128xi32, #tpu.memory_space<vmem>>) semaphore(%run_scoped3A : memref<!tpu.dma_semaphore, #tpu.memory_space<semaphore_mem>>) {add = true}
        %dma_wait3A = arith.constant 256 : i32
        %dma_wait3A_125 = arith.constant 0 : i32
        %dma_wait3A_126 = tpu.memref_slice %arg8[%dma_wait3A, %dma_wait3A_125] : memref<1664x16xf32, #tpu.memory_space<vmem>> -> memref<128x16xf32, #tpu.memory_space<vmem>>
        %dma_wait3A_127 = tpu.memref_slice %arg6[%mul3A_58] : memref<9984xi32, #tpu.memory_space<vmem>> -> memref<128xi32, #tpu.memory_space<vmem>>
        %dma_wait3A_128 = arith.constant 0 : i32
        %dma_wait3A_129 = arith.constant 0 : i32
        %dma_wait3A_130 = tpu.memref_slice %arg5[%dma_wait3A_128, %dma_wait3A_129] : memref<10000x16xf32, #tpu.memory_space<vmem_shared>> -> memref<10000x16xf32, #tpu.memory_space<vmem_shared>>
        tpu.wait_indirect_dma semaphore(%run_scoped3A : memref<!tpu.dma_semaphore, #tpu.memory_space<semaphore_mem>>) src(%dma_wait3A_126 : memref<128x16xf32, #tpu.memory_space<vmem>>) dst(%dma_wait3A_130 : memref<10000x16xf32, #tpu.memory_space<vmem_shared>>)
        tpu.yield
      }) : () -> ()
      %mul3A_59 = arith.constant 13 : i32
      %mul3A_60 = arith.muli %scan3A_31, %mul3A_59 : i32
      %add3A_61 = arith.constant 3 : i32
      %add3A_62 = arith.addi %mul3A_60, %add3A_61 : i32
      %mul3A_63 = arith.constant 128 : i32
      %mul3A_64 = arith.muli %add3A_62, %mul3A_63 : i32
      "tpu.region"() ({
        %run_scoped3A = tpu.sem_alloc : memref<!tpu.dma_semaphore, #tpu.memory_space<semaphore_mem>>
        %dma_start3A = arith.constant 384 : i32
        %dma_start3A_119 = arith.constant 0 : i32
        %dma_start3A_120 = tpu.memref_slice %arg8[%dma_start3A, %dma_start3A_119] : memref<1664x16xf32, #tpu.memory_space<vmem>> -> memref<128x16xf32, #tpu.memory_space<vmem>>
        %dma_start3A_121 = tpu.memref_slice %arg6[%mul3A_64] : memref<9984xi32, #tpu.memory_space<vmem>> -> memref<128xi32, #tpu.memory_space<vmem>>
        %dma_start3A_122 = arith.constant 0 : i32
        %dma_start3A_123 = arith.constant 0 : i32
        %dma_start3A_124 = tpu.memref_slice %arg5[%dma_start3A_122, %dma_start3A_123] : memref<10000x16xf32, #tpu.memory_space<vmem_shared>> -> memref<10000x16xf32, #tpu.memory_space<vmem_shared>>
        tpu.enqueue_indirect_dma source(%dma_start3A_120 : memref<128x16xf32, #tpu.memory_space<vmem>>) target(%dma_start3A_124 : memref<10000x16xf32, #tpu.memory_space<vmem_shared>>) offsets(%dma_start3A_121 : memref<128xi32, #tpu.memory_space<vmem>>) semaphore(%run_scoped3A : memref<!tpu.dma_semaphore, #tpu.memory_space<semaphore_mem>>) {add = true}
        %dma_wait3A = arith.constant 384 : i32
        %dma_wait3A_125 = arith.constant 0 : i32
        %dma_wait3A_126 = tpu.memref_slice %arg8[%dma_wait3A, %dma_wait3A_125] : memref<1664x16xf32, #tpu.memory_space<vmem>> -> memref<128x16xf32, #tpu.memory_space<vmem>>
        %dma_wait3A_127 = tpu.memref_slice %arg6[%mul3A_64] : memref<9984xi32, #tpu.memory_space<vmem>> -> memref<128xi32, #tpu.memory_space<vmem>>
        %dma_wait3A_128 = arith.constant 0 : i32
        %dma_wait3A_129 = arith.constant 0 : i32
        %dma_wait3A_130 = tpu.memref_slice %arg5[%dma_wait3A_128, %dma_wait3A_129] : memref<10000x16xf32, #tpu.memory_space<vmem_shared>> -> memref<10000x16xf32, #tpu.memory_space<vmem_shared>>
        tpu.wait_indirect_dma semaphore(%run_scoped3A : memref<!tpu.dma_semaphore, #tpu.memory_space<semaphore_mem>>) src(%dma_wait3A_126 : memref<128x16xf32, #tpu.memory_space<vmem>>) dst(%dma_wait3A_130 : memref<10000x16xf32, #tpu.memory_space<vmem_shared>>)
        tpu.yield
      }) : () -> ()
      %mul3A_65 = arith.constant 13 : i32
      %mul3A_66 = arith.muli %scan3A_31, %mul3A_65 : i32
      %add3A_67 = arith.constant 4 : i32
      %add3A_68 = arith.addi %mul3A_66, %add3A_67 : i32
      %mul3A_69 = arith.constant 128 : i32
      %mul3A_70 = arith.muli %add3A_68, %mul3A_69 : i32
      "tpu.region"() ({
        %run_scoped3A = tpu.sem_alloc : memref<!tpu.dma_semaphore, #tpu.memory_space<semaphore_mem>>
        %dma_start3A = arith.constant 512 : i32
        %dma_start3A_119 = arith.constant 0 : i32
        %dma_start3A_120 = tpu.memref_slice %arg8[%dma_start3A, %dma_start3A_119] : memref<1664x16xf32, #tpu.memory_space<vmem>> -> memref<128x16xf32, #tpu.memory_space<vmem>>
        %dma_start3A_121 = tpu.memref_slice %arg6[%mul3A_70] : memref<9984xi32, #tpu.memory_space<vmem>> -> memref<128xi32, #tpu.memory_space<vmem>>
        %dma_start3A_122 = arith.constant 0 : i32
        %dma_start3A_123 = arith.constant 0 : i32
        %dma_start3A_124 = tpu.memref_slice %arg5[%dma_start3A_122, %dma_start3A_123] : memref<10000x16xf32, #tpu.memory_space<vmem_shared>> -> memref<10000x16xf32, #tpu.memory_space<vmem_shared>>
        tpu.enqueue_indirect_dma source(%dma_start3A_120 : memref<128x16xf32, #tpu.memory_space<vmem>>) target(%dma_start3A_124 : memref<10000x16xf32, #tpu.memory_space<vmem_shared>>) offsets(%dma_start3A_121 : memref<128xi32, #tpu.memory_space<vmem>>) semaphore(%run_scoped3A : memref<!tpu.dma_semaphore, #tpu.memory_space<semaphore_mem>>) {add = true}
        %dma_wait3A = arith.constant 512 : i32
        %dma_wait3A_125 = arith.constant 0 : i32
        %dma_wait3A_126 = tpu.memref_slice %arg8[%dma_wait3A, %dma_wait3A_125] : memref<1664x16xf32, #tpu.memory_space<vmem>> -> memref<128x16xf32, #tpu.memory_space<vmem>>
        %dma_wait3A_127 = tpu.memref_slice %arg6[%mul3A_70] : memref<9984xi32, #tpu.memory_space<vmem>> -> memref<128xi32, #tpu.memory_space<vmem>>
        %dma_wait3A_128 = arith.constant 0 : i32
        %dma_wait3A_129 = arith.constant 0 : i32
        %dma_wait3A_130 = tpu.memref_slice %arg5[%dma_wait3A_128, %dma_wait3A_129] : memref<10000x16xf32, #tpu.memory_space<vmem_shared>> -> memref<10000x16xf32, #tpu.memory_space<vmem_shared>>
        tpu.wait_indirect_dma semaphore(%run_scoped3A : memref<!tpu.dma_semaphore, #tpu.memory_space<semaphore_mem>>) src(%dma_wait3A_126 : memref<128x16xf32, #tpu.memory_space<vmem>>) dst(%dma_wait3A_130 : memref<10000x16xf32, #tpu.memory_space<vmem_shared>>)
        tpu.yield
      }) : () -> ()
      %mul3A_71 = arith.constant 13 : i32
      %mul3A_72 = arith.muli %scan3A_31, %mul3A_71 : i32
      %add3A_73 = arith.constant 5 : i32
      %add3A_74 = arith.addi %mul3A_72, %add3A_73 : i32
      %mul3A_75 = arith.constant 128 : i32
      %mul3A_76 = arith.muli %add3A_74, %mul3A_75 : i32
      "tpu.region"() ({
        %run_scoped3A = tpu.sem_alloc : memref<!tpu.dma_semaphore, #tpu.memory_space<semaphore_mem>>
        %dma_start3A = arith.constant 640 : i32
        %dma_start3A_119 = arith.constant 0 : i32
        %dma_start3A_120 = tpu.memref_slice %arg8[%dma_start3A, %dma_start3A_119] : memref<1664x16xf32, #tpu.memory_space<vmem>> -> memref<128x16xf32, #tpu.memory_space<vmem>>
        %dma_start3A_121 = tpu.memref_slice %arg6[%mul3A_76] : memref<9984xi32, #tpu.memory_space<vmem>> -> memref<128xi32, #tpu.memory_space<vmem>>
        %dma_start3A_122 = arith.constant 0 : i32
        %dma_start3A_123 = arith.constant 0 : i32
        %dma_start3A_124 = tpu.memref_slice %arg5[%dma_start3A_122, %dma_start3A_123] : memref<10000x16xf32, #tpu.memory_space<vmem_shared>> -> memref<10000x16xf32, #tpu.memory_space<vmem_shared>>
        tpu.enqueue_indirect_dma source(%dma_start3A_120 : memref<128x16xf32, #tpu.memory_space<vmem>>) target(%dma_start3A_124 : memref<10000x16xf32, #tpu.memory_space<vmem_shared>>) offsets(%dma_start3A_121 : memref<128xi32, #tpu.memory_space<vmem>>) semaphore(%run_scoped3A : memref<!tpu.dma_semaphore, #tpu.memory_space<semaphore_mem>>) {add = true}
        %dma_wait3A = arith.constant 640 : i32
        %dma_wait3A_125 = arith.constant 0 : i32
        %dma_wait3A_126 = tpu.memref_slice %arg8[%dma_wait3A, %dma_wait3A_125] : memref<1664x16xf32, #tpu.memory_space<vmem>> -> memref<128x16xf32, #tpu.memory_space<vmem>>
        %dma_wait3A_127 = tpu.memref_slice %arg6[%mul3A_76] : memref<9984xi32, #tpu.memory_space<vmem>> -> memref<128xi32, #tpu.memory_space<vmem>>
        %dma_wait3A_128 = arith.constant 0 : i32
        %dma_wait3A_129 = arith.constant 0 : i32
        %dma_wait3A_130 = tpu.memref_slice %arg5[%dma_wait3A_128, %dma_wait3A_129] : memref<10000x16xf32, #tpu.memory_space<vmem_shared>> -> memref<10000x16xf32, #tpu.memory_space<vmem_shared>>
        tpu.wait_indirect_dma semaphore(%run_scoped3A : memref<!tpu.dma_semaphore, #tpu.memory_space<semaphore_mem>>) src(%dma_wait3A_126 : memref<128x16xf32, #tpu.memory_space<vmem>>) dst(%dma_wait3A_130 : memref<10000x16xf32, #tpu.memory_space<vmem_shared>>)
        tpu.yield
      }) : () -> ()
      %mul3A_77 = arith.constant 13 : i32
      %mul3A_78 = arith.muli %scan3A_31, %mul3A_77 : i32
      %add3A_79 = arith.constant 6 : i32
      %add3A_80 = arith.addi %mul3A_78, %add3A_79 : i32
      %mul3A_81 = arith.constant 128 : i32
      %mul3A_82 = arith.muli %add3A_80, %mul3A_81 : i32
      "tpu.region"() ({
        %run_scoped3A = tpu.sem_alloc : memref<!tpu.dma_semaphore, #tpu.memory_space<semaphore_mem>>
        %dma_start3A = arith.constant 768 : i32
        %dma_start3A_119 = arith.constant 0 : i32
        %dma_start3A_120 = tpu.memref_slice %arg8[%dma_start3A, %dma_start3A_119] : memref<1664x16xf32, #tpu.memory_space<vmem>> -> memref<128x16xf32, #tpu.memory_space<vmem>>
        %dma_start3A_121 = tpu.memref_slice %arg6[%mul3A_82] : memref<9984xi32, #tpu.memory_space<vmem>> -> memref<128xi32, #tpu.memory_space<vmem>>
        %dma_start3A_122 = arith.constant 0 : i32
        %dma_start3A_123 = arith.constant 0 : i32
        %dma_start3A_124 = tpu.memref_slice %arg5[%dma_start3A_122, %dma_start3A_123] : memref<10000x16xf32, #tpu.memory_space<vmem_shared>> -> memref<10000x16xf32, #tpu.memory_space<vmem_shared>>
        tpu.enqueue_indirect_dma source(%dma_start3A_120 : memref<128x16xf32, #tpu.memory_space<vmem>>) target(%dma_start3A_124 : memref<10000x16xf32, #tpu.memory_space<vmem_shared>>) offsets(%dma_start3A_121 : memref<128xi32, #tpu.memory_space<vmem>>) semaphore(%run_scoped3A : memref<!tpu.dma_semaphore, #tpu.memory_space<semaphore_mem>>) {add = true}
        %dma_wait3A = arith.constant 768 : i32
        %dma_wait3A_125 = arith.constant 0 : i32
        %dma_wait3A_126 = tpu.memref_slice %arg8[%dma_wait3A, %dma_wait3A_125] : memref<1664x16xf32, #tpu.memory_space<vmem>> -> memref<128x16xf32, #tpu.memory_space<vmem>>
        %dma_wait3A_127 = tpu.memref_slice %arg6[%mul3A_82] : memref<9984xi32, #tpu.memory_space<vmem>> -> memref<128xi32, #tpu.memory_space<vmem>>
        %dma_wait3A_128 = arith.constant 0 : i32
        %dma_wait3A_129 = arith.constant 0 : i32
        %dma_wait3A_130 = tpu.memref_slice %arg5[%dma_wait3A_128, %dma_wait3A_129] : memref<10000x16xf32, #tpu.memory_space<vmem_shared>> -> memref<10000x16xf32, #tpu.memory_space<vmem_shared>>
        tpu.wait_indirect_dma semaphore(%run_scoped3A : memref<!tpu.dma_semaphore, #tpu.memory_space<semaphore_mem>>) src(%dma_wait3A_126 : memref<128x16xf32, #tpu.memory_space<vmem>>) dst(%dma_wait3A_130 : memref<10000x16xf32, #tpu.memory_space<vmem_shared>>)
        tpu.yield
      }) : () -> ()
      %mul3A_83 = arith.constant 13 : i32
      %mul3A_84 = arith.muli %scan3A_31, %mul3A_83 : i32
      %add3A_85 = arith.constant 7 : i32
      %add3A_86 = arith.addi %mul3A_84, %add3A_85 : i32
      %mul3A_87 = arith.constant 128 : i32
      %mul3A_88 = arith.muli %add3A_86, %mul3A_87 : i32
      "tpu.region"() ({
        %run_scoped3A = tpu.sem_alloc : memref<!tpu.dma_semaphore, #tpu.memory_space<semaphore_mem>>
        %dma_start3A = arith.constant 896 : i32
        %dma_start3A_119 = arith.constant 0 : i32
        %dma_start3A_120 = tpu.memref_slice %arg8[%dma_start3A, %dma_start3A_119] : memref<1664x16xf32, #tpu.memory_space<vmem>> -> memref<128x16xf32, #tpu.memory_space<vmem>>
        %dma_start3A_121 = tpu.memref_slice %arg6[%mul3A_88] : memref<9984xi32, #tpu.memory_space<vmem>> -> memref<128xi32, #tpu.memory_space<vmem>>
        %dma_start3A_122 = arith.constant 0 : i32
        %dma_start3A_123 = arith.constant 0 : i32
        %dma_start3A_124 = tpu.memref_slice %arg5[%dma_start3A_122, %dma_start3A_123] : memref<10000x16xf32, #tpu.memory_space<vmem_shared>> -> memref<10000x16xf32, #tpu.memory_space<vmem_shared>>
        tpu.enqueue_indirect_dma source(%dma_start3A_120 : memref<128x16xf32, #tpu.memory_space<vmem>>) target(%dma_start3A_124 : memref<10000x16xf32, #tpu.memory_space<vmem_shared>>) offsets(%dma_start3A_121 : memref<128xi32, #tpu.memory_space<vmem>>) semaphore(%run_scoped3A : memref<!tpu.dma_semaphore, #tpu.memory_space<semaphore_mem>>) {add = true}
        %dma_wait3A = arith.constant 896 : i32
        %dma_wait3A_125 = arith.constant 0 : i32
        %dma_wait3A_126 = tpu.memref_slice %arg8[%dma_wait3A, %dma_wait3A_125] : memref<1664x16xf32, #tpu.memory_space<vmem>> -> memref<128x16xf32, #tpu.memory_space<vmem>>
        %dma_wait3A_127 = tpu.memref_slice %arg6[%mul3A_88] : memref<9984xi32, #tpu.memory_space<vmem>> -> memref<128xi32, #tpu.memory_space<vmem>>
        %dma_wait3A_128 = arith.constant 0 : i32
        %dma_wait3A_129 = arith.constant 0 : i32
        %dma_wait3A_130 = tpu.memref_slice %arg5[%dma_wait3A_128, %dma_wait3A_129] : memref<10000x16xf32, #tpu.memory_space<vmem_shared>> -> memref<10000x16xf32, #tpu.memory_space<vmem_shared>>
        tpu.wait_indirect_dma semaphore(%run_scoped3A : memref<!tpu.dma_semaphore, #tpu.memory_space<semaphore_mem>>) src(%dma_wait3A_126 : memref<128x16xf32, #tpu.memory_space<vmem>>) dst(%dma_wait3A_130 : memref<10000x16xf32, #tpu.memory_space<vmem_shared>>)
        tpu.yield
      }) : () -> ()
      %mul3A_89 = arith.constant 13 : i32
      %mul3A_90 = arith.muli %scan3A_31, %mul3A_89 : i32
      %add3A_91 = arith.constant 8 : i32
      %add3A_92 = arith.addi %mul3A_90, %add3A_91 : i32
      %mul3A_93 = arith.constant 128 : i32
      %mul3A_94 = arith.muli %add3A_92, %mul3A_93 : i32
      "tpu.region"() ({
        %run_scoped3A = tpu.sem_alloc : memref<!tpu.dma_semaphore, #tpu.memory_space<semaphore_mem>>
        %dma_start3A = arith.constant 1024 : i32
        %dma_start3A_119 = arith.constant 0 : i32
        %dma_start3A_120 = tpu.memref_slice %arg8[%dma_start3A, %dma_start3A_119] : memref<1664x16xf32, #tpu.memory_space<vmem>> -> memref<128x16xf32, #tpu.memory_space<vmem>>
        %dma_start3A_121 = tpu.memref_slice %arg6[%mul3A_94] : memref<9984xi32, #tpu.memory_space<vmem>> -> memref<128xi32, #tpu.memory_space<vmem>>
        %dma_start3A_122 = arith.constant 0 : i32
        %dma_start3A_123 = arith.constant 0 : i32
        %dma_start3A_124 = tpu.memref_slice %arg5[%dma_start3A_122, %dma_start3A_123] : memref<10000x16xf32, #tpu.memory_space<vmem_shared>> -> memref<10000x16xf32, #tpu.memory_space<vmem_shared>>
        tpu.enqueue_indirect_dma source(%dma_start3A_120 : memref<128x16xf32, #tpu.memory_space<vmem>>) target(%dma_start3A_124 : memref<10000x16xf32, #tpu.memory_space<vmem_shared>>) offsets(%dma_start3A_121 : memref<128xi32, #tpu.memory_space<vmem>>) semaphore(%run_scoped3A : memref<!tpu.dma_semaphore, #tpu.memory_space<semaphore_mem>>) {add = true}
        %dma_wait3A = arith.constant 1024 : i32
        %dma_wait3A_125 = arith.constant 0 : i32
        %dma_wait3A_126 = tpu.memref_slice %arg8[%dma_wait3A, %dma_wait3A_125] : memref<1664x16xf32, #tpu.memory_space<vmem>> -> memref<128x16xf32, #tpu.memory_space<vmem>>
        %dma_wait3A_127 = tpu.memref_slice %arg6[%mul3A_94] : memref<9984xi32, #tpu.memory_space<vmem>> -> memref<128xi32, #tpu.memory_space<vmem>>
        %dma_wait3A_128 = arith.constant 0 : i32
        %dma_wait3A_129 = arith.constant 0 : i32
        %dma_wait3A_130 = tpu.memref_slice %arg5[%dma_wait3A_128, %dma_wait3A_129] : memref<10000x16xf32, #tpu.memory_space<vmem_shared>> -> memref<10000x16xf32, #tpu.memory_space<vmem_shared>>
        tpu.wait_indirect_dma semaphore(%run_scoped3A : memref<!tpu.dma_semaphore, #tpu.memory_space<semaphore_mem>>) src(%dma_wait3A_126 : memref<128x16xf32, #tpu.memory_space<vmem>>) dst(%dma_wait3A_130 : memref<10000x16xf32, #tpu.memory_space<vmem_shared>>)
        tpu.yield
      }) : () -> ()
      %mul3A_95 = arith.constant 13 : i32
      %mul3A_96 = arith.muli %scan3A_31, %mul3A_95 : i32
      %add3A_97 = arith.constant 9 : i32
      %add3A_98 = arith.addi %mul3A_96, %add3A_97 : i32
      %mul3A_99 = arith.constant 128 : i32
      %mul3A_100 = arith.muli %add3A_98, %mul3A_99 : i32
      "tpu.region"() ({
        %run_scoped3A = tpu.sem_alloc : memref<!tpu.dma_semaphore, #tpu.memory_space<semaphore_mem>>
        %dma_start3A = arith.constant 1152 : i32
        %dma_start3A_119 = arith.constant 0 : i32
        %dma_start3A_120 = tpu.memref_slice %arg8[%dma_start3A, %dma_start3A_119] : memref<1664x16xf32, #tpu.memory_space<vmem>> -> memref<128x16xf32, #tpu.memory_space<vmem>>
        %dma_start3A_121 = tpu.memref_slice %arg6[%mul3A_100] : memref<9984xi32, #tpu.memory_space<vmem>> -> memref<128xi32, #tpu.memory_space<vmem>>
        %dma_start3A_122 = arith.constant 0 : i32
        %dma_start3A_123 = arith.constant 0 : i32
        %dma_start3A_124 = tpu.memref_slice %arg5[%dma_start3A_122, %dma_start3A_123] : memref<10000x16xf32, #tpu.memory_space<vmem_shared>> -> memref<10000x16xf32, #tpu.memory_space<vmem_shared>>
        tpu.enqueue_indirect_dma source(%dma_start3A_120 : memref<128x16xf32, #tpu.memory_space<vmem>>) target(%dma_start3A_124 : memref<10000x16xf32, #tpu.memory_space<vmem_shared>>) offsets(%dma_start3A_121 : memref<128xi32, #tpu.memory_space<vmem>>) semaphore(%run_scoped3A : memref<!tpu.dma_semaphore, #tpu.memory_space<semaphore_mem>>) {add = true}
        %dma_wait3A = arith.constant 1152 : i32
        %dma_wait3A_125 = arith.constant 0 : i32
        %dma_wait3A_126 = tpu.memref_slice %arg8[%dma_wait3A, %dma_wait3A_125] : memref<1664x16xf32, #tpu.memory_space<vmem>> -> memref<128x16xf32, #tpu.memory_space<vmem>>
        %dma_wait3A_127 = tpu.memref_slice %arg6[%mul3A_100] : memref<9984xi32, #tpu.memory_space<vmem>> -> memref<128xi32, #tpu.memory_space<vmem>>
        %dma_wait3A_128 = arith.constant 0 : i32
        %dma_wait3A_129 = arith.constant 0 : i32
        %dma_wait3A_130 = tpu.memref_slice %arg5[%dma_wait3A_128, %dma_wait3A_129] : memref<10000x16xf32, #tpu.memory_space<vmem_shared>> -> memref<10000x16xf32, #tpu.memory_space<vmem_shared>>
        tpu.wait_indirect_dma semaphore(%run_scoped3A : memref<!tpu.dma_semaphore, #tpu.memory_space<semaphore_mem>>) src(%dma_wait3A_126 : memref<128x16xf32, #tpu.memory_space<vmem>>) dst(%dma_wait3A_130 : memref<10000x16xf32, #tpu.memory_space<vmem_shared>>)
        tpu.yield
      }) : () -> ()
      %mul3A_101 = arith.constant 13 : i32
      %mul3A_102 = arith.muli %scan3A_31, %mul3A_101 : i32
      %add3A_103 = arith.constant 10 : i32
      %add3A_104 = arith.addi %mul3A_102, %add3A_103 : i32
      %mul3A_105 = arith.constant 128 : i32
      %mul3A_106 = arith.muli %add3A_104, %mul3A_105 : i32
      "tpu.region"() ({
        %run_scoped3A = tpu.sem_alloc : memref<!tpu.dma_semaphore, #tpu.memory_space<semaphore_mem>>
        %dma_start3A = arith.constant 1280 : i32
        %dma_start3A_119 = arith.constant 0 : i32
        %dma_start3A_120 = tpu.memref_slice %arg8[%dma_start3A, %dma_start3A_119] : memref<1664x16xf32, #tpu.memory_space<vmem>> -> memref<128x16xf32, #tpu.memory_space<vmem>>
        %dma_start3A_121 = tpu.memref_slice %arg6[%mul3A_106] : memref<9984xi32, #tpu.memory_space<vmem>> -> memref<128xi32, #tpu.memory_space<vmem>>
        %dma_start3A_122 = arith.constant 0 : i32
        %dma_start3A_123 = arith.constant 0 : i32
        %dma_start3A_124 = tpu.memref_slice %arg5[%dma_start3A_122, %dma_start3A_123] : memref<10000x16xf32, #tpu.memory_space<vmem_shared>> -> memref<10000x16xf32, #tpu.memory_space<vmem_shared>>
        tpu.enqueue_indirect_dma source(%dma_start3A_120 : memref<128x16xf32, #tpu.memory_space<vmem>>) target(%dma_start3A_124 : memref<10000x16xf32, #tpu.memory_space<vmem_shared>>) offsets(%dma_start3A_121 : memref<128xi32, #tpu.memory_space<vmem>>) semaphore(%run_scoped3A : memref<!tpu.dma_semaphore, #tpu.memory_space<semaphore_mem>>) {add = true}
        %dma_wait3A = arith.constant 1280 : i32
        %dma_wait3A_125 = arith.constant 0 : i32
        %dma_wait3A_126 = tpu.memref_slice %arg8[%dma_wait3A, %dma_wait3A_125] : memref<1664x16xf32, #tpu.memory_space<vmem>> -> memref<128x16xf32, #tpu.memory_space<vmem>>
        %dma_wait3A_127 = tpu.memref_slice %arg6[%mul3A_106] : memref<9984xi32, #tpu.memory_space<vmem>> -> memref<128xi32, #tpu.memory_space<vmem>>
        %dma_wait3A_128 = arith.constant 0 : i32
        %dma_wait3A_129 = arith.constant 0 : i32
        %dma_wait3A_130 = tpu.memref_slice %arg5[%dma_wait3A_128, %dma_wait3A_129] : memref<10000x16xf32, #tpu.memory_space<vmem_shared>> -> memref<10000x16xf32, #tpu.memory_space<vmem_shared>>
        tpu.wait_indirect_dma semaphore(%run_scoped3A : memref<!tpu.dma_semaphore, #tpu.memory_space<semaphore_mem>>) src(%dma_wait3A_126 : memref<128x16xf32, #tpu.memory_space<vmem>>) dst(%dma_wait3A_130 : memref<10000x16xf32, #tpu.memory_space<vmem_shared>>)
        tpu.yield
      }) : () -> ()
      %mul3A_107 = arith.constant 13 : i32
      %mul3A_108 = arith.muli %scan3A_31, %mul3A_107 : i32
      %add3A_109 = arith.constant 11 : i32
      %add3A_110 = arith.addi %mul3A_108, %add3A_109 : i32
      %mul3A_111 = arith.constant 128 : i32
      %mul3A_112 = arith.muli %add3A_110, %mul3A_111 : i32
      "tpu.region"() ({
        %run_scoped3A = tpu.sem_alloc : memref<!tpu.dma_semaphore, #tpu.memory_space<semaphore_mem>>
        %dma_start3A = arith.constant 1408 : i32
        %dma_start3A_119 = arith.constant 0 : i32
        %dma_start3A_120 = tpu.memref_slice %arg8[%dma_start3A, %dma_start3A_119] : memref<1664x16xf32, #tpu.memory_space<vmem>> -> memref<128x16xf32, #tpu.memory_space<vmem>>
        %dma_start3A_121 = tpu.memref_slice %arg6[%mul3A_112] : memref<9984xi32, #tpu.memory_space<vmem>> -> memref<128xi32, #tpu.memory_space<vmem>>
        %dma_start3A_122 = arith.constant 0 : i32
        %dma_start3A_123 = arith.constant 0 : i32
        %dma_start3A_124 = tpu.memref_slice %arg5[%dma_start3A_122, %dma_start3A_123] : memref<10000x16xf32, #tpu.memory_space<vmem_shared>> -> memref<10000x16xf32, #tpu.memory_space<vmem_shared>>
        tpu.enqueue_indirect_dma source(%dma_start3A_120 : memref<128x16xf32, #tpu.memory_space<vmem>>) target(%dma_start3A_124 : memref<10000x16xf32, #tpu.memory_space<vmem_shared>>) offsets(%dma_start3A_121 : memref<128xi32, #tpu.memory_space<vmem>>) semaphore(%run_scoped3A : memref<!tpu.dma_semaphore, #tpu.memory_space<semaphore_mem>>) {add = true}
        %dma_wait3A = arith.constant 1408 : i32
        %dma_wait3A_125 = arith.constant 0 : i32
        %dma_wait3A_126 = tpu.memref_slice %arg8[%dma_wait3A, %dma_wait3A_125] : memref<1664x16xf32, #tpu.memory_space<vmem>> -> memref<128x16xf32, #tpu.memory_space<vmem>>
        %dma_wait3A_127 = tpu.memref_slice %arg6[%mul3A_112] : memref<9984xi32, #tpu.memory_space<vmem>> -> memref<128xi32, #tpu.memory_space<vmem>>
        %dma_wait3A_128 = arith.constant 0 : i32
        %dma_wait3A_129 = arith.constant 0 : i32
        %dma_wait3A_130 = tpu.memref_slice %arg5[%dma_wait3A_128, %dma_wait3A_129] : memref<10000x16xf32, #tpu.memory_space<vmem_shared>> -> memref<10000x16xf32, #tpu.memory_space<vmem_shared>>
        tpu.wait_indirect_dma semaphore(%run_scoped3A : memref<!tpu.dma_semaphore, #tpu.memory_space<semaphore_mem>>) src(%dma_wait3A_126 : memref<128x16xf32, #tpu.memory_space<vmem>>) dst(%dma_wait3A_130 : memref<10000x16xf32, #tpu.memory_space<vmem_shared>>)
        tpu.yield
      }) : () -> ()
      %mul3A_113 = arith.constant 13 : i32
      %mul3A_114 = arith.muli %scan3A_31, %mul3A_113 : i32
      %add3A_115 = arith.constant 12 : i32
      %add3A_116 = arith.addi %mul3A_114, %add3A_115 : i32
      %mul3A_117 = arith.constant 128 : i32
      %mul3A_118 = arith.muli %add3A_116, %mul3A_117 : i32
      "tpu.region"() ({
        %run_scoped3A = tpu.sem_alloc : memref<!tpu.dma_semaphore, #tpu.memory_space<semaphore_mem>>
        %dma_start3A = arith.constant 1536 : i32
        %dma_start3A_119 = arith.constant 0 : i32
        %dma_start3A_120 = tpu.memref_slice %arg8[%dma_start3A, %dma_start3A_119] : memref<1664x16xf32, #tpu.memory_space<vmem>> -> memref<128x16xf32, #tpu.memory_space<vmem>>
        %dma_start3A_121 = tpu.memref_slice %arg6[%mul3A_118] : memref<9984xi32, #tpu.memory_space<vmem>> -> memref<128xi32, #tpu.memory_space<vmem>>
        %dma_start3A_122 = arith.constant 0 : i32
        %dma_start3A_123 = arith.constant 0 : i32
        %dma_start3A_124 = tpu.memref_slice %arg5[%dma_start3A_122, %dma_start3A_123] : memref<10000x16xf32, #tpu.memory_space<vmem_shared>> -> memref<10000x16xf32, #tpu.memory_space<vmem_shared>>
        tpu.enqueue_indirect_dma source(%dma_start3A_120 : memref<128x16xf32, #tpu.memory_space<vmem>>) target(%dma_start3A_124 : memref<10000x16xf32, #tpu.memory_space<vmem_shared>>) offsets(%dma_start3A_121 : memref<128xi32, #tpu.memory_space<vmem>>) semaphore(%run_scoped3A : memref<!tpu.dma_semaphore, #tpu.memory_space<semaphore_mem>>) {add = true}
        %dma_wait3A = arith.constant 1536 : i32
        %dma_wait3A_125 = arith.constant 0 : i32
        %dma_wait3A_126 = tpu.memref_slice %arg8[%dma_wait3A, %dma_wait3A_125] : memref<1664x16xf32, #tpu.memory_space<vmem>> -> memref<128x16xf32, #tpu.memory_space<vmem>>
        %dma_wait3A_127 = tpu.memref_slice %arg6[%mul3A_118] : memref<9984xi32, #tpu.memory_space<vmem>> -> memref<128xi32, #tpu.memory_space<vmem>>
        %dma_wait3A_128 = arith.constant 0 : i32
        %dma_wait3A_129 = arith.constant 0 : i32
        %dma_wait3A_130 = tpu.memref_slice %arg5[%dma_wait3A_128, %dma_wait3A_129] : memref<10000x16xf32, #tpu.memory_space<vmem_shared>> -> memref<10000x16xf32, #tpu.memory_space<vmem_shared>>
        tpu.wait_indirect_dma semaphore(%run_scoped3A : memref<!tpu.dma_semaphore, #tpu.memory_space<semaphore_mem>>) src(%dma_wait3A_126 : memref<128x16xf32, #tpu.memory_space<vmem>>) dst(%dma_wait3A_130 : memref<10000x16xf32, #tpu.memory_space<vmem_shared>>)
        tpu.yield
      }) : () -> ()
    }
    %scan3A_19 = arith.constant 6 : i32
    %lt3A_20 = arith.constant 4 : i32
    %lt3A_21 = arith.cmpi slt, %add3A, %lt3A_20 : i32
    %convert_element_type3A_22 = arith.extui %lt3A_21 : i1 to i32
    %cond3A_23 = arith.constant 0 : i32
    %cond3A_24 = arith.cmpi ne, %convert_element_type3A_22, %cond3A_23 : i32
    scf.if %cond3A_24 {
      %add3A_31 = arith.constant 2496 : i32
      %add3A_32 = arith.addi %add3A_31, %add3A : i32
      %mul3A_33 = arith.constant 128 : i32
      %mul3A_34 = arith.muli %add3A_32, %mul3A_33 : i32
      "tpu.region"() ({
        %run_scoped3A = tpu.sem_alloc : memref<!tpu.dma_semaphore, #tpu.memory_space<semaphore_mem>>
        %dma_start3A = tpu.memref_slice %arg3[%mul3A_34] : memref<320000xi32, #tpu.memory_space<hbm>> -> memref<128xi32, #tpu.memory_space<hbm>>
        %dma_start3A_43 = tpu.memref_slice %arg3[%mul3A_34] : memref<320000xi32, #tpu.memory_space<hbm>> -> memref<128xi32, #tpu.memory_space<hbm>>
        tpu.enqueue_dma source(%dma_start3A_43 : memref<128xi32, #tpu.memory_space<hbm>>) target(%arg7 : memref<128xi32, #tpu.memory_space<vmem>>) target_semaphore(%run_scoped3A : memref<!tpu.dma_semaphore, #tpu.memory_space<semaphore_mem>>)
        %dma_wait3A = tpu.memref_slice %arg3[%mul3A_34] : memref<320000xi32, #tpu.memory_space<hbm>> -> memref<128xi32, #tpu.memory_space<hbm>>
        %dma_wait3A_44 = tpu.memref_slice %arg3[%mul3A_34] : memref<320000xi32, #tpu.memory_space<hbm>> -> memref<128xi32, #tpu.memory_space<hbm>>
        tpu.wait_dma2 semaphore(%run_scoped3A : memref<!tpu.dma_semaphore, #tpu.memory_space<semaphore_mem>>) src(%dma_wait3A_44 : memref<128xi32, #tpu.memory_space<hbm>>) dst(%arg7 : memref<128xi32, #tpu.memory_space<vmem>>)
        tpu.yield
      }) : () -> ()
      %mul3A_35 = arith.constant 16 : i32
      %mul3A_36 = arith.muli %add3A_32, %mul3A_35 : i32
      "tpu.region"() ({
        %run_scoped3A = tpu.sem_alloc : memref<!tpu.dma_semaphore, #tpu.memory_space<semaphore_mem>>
        %dma_start3A = arith.constant 0 : i32
        %dma_start3A_43 = arith.constant 0 : i32
        %dma_start3A_44 = tpu.memref_slice %arg9[%dma_start3A, %dma_start3A_43] : memref<208x128xf32, #tpu.memory_space<vmem>> -> memref<16x128xf32, #tpu.memory_space<vmem>>
        %dma_start3A_45 = arith.constant 0 : i32
        %dma_start3A_46 = tpu.memref_slice %arg2[%mul3A_36, %dma_start3A_45] : memref<40000x128xf32, #tpu.memory_space<hbm>> -> memref<16x128xf32, #tpu.memory_space<hbm>>
        %dma_start3A_47 = arith.constant 0 : i32
        %dma_start3A_48 = arith.constant 0 : i32
        %dma_start3A_49 = tpu.memref_slice %arg9[%dma_start3A_47, %dma_start3A_48] : memref<208x128xf32, #tpu.memory_space<vmem>> -> memref<16x128xf32, #tpu.memory_space<vmem>>
        %dma_start3A_50 = arith.constant 0 : i32
        %dma_start3A_51 = tpu.memref_slice %arg2[%mul3A_36, %dma_start3A_50] : memref<40000x128xf32, #tpu.memory_space<hbm>> -> memref<16x128xf32, #tpu.memory_space<hbm>>
        tpu.enqueue_dma source(%dma_start3A_51 : memref<16x128xf32, #tpu.memory_space<hbm>>) target(%dma_start3A_49 : memref<16x128xf32, #tpu.memory_space<vmem>>) target_semaphore(%run_scoped3A : memref<!tpu.dma_semaphore, #tpu.memory_space<semaphore_mem>>)
        %dma_wait3A = arith.constant 0 : i32
        %dma_wait3A_52 = arith.constant 0 : i32
        %dma_wait3A_53 = tpu.memref_slice %arg9[%dma_wait3A, %dma_wait3A_52] : memref<208x128xf32, #tpu.memory_space<vmem>> -> memref<16x128xf32, #tpu.memory_space<vmem>>
        %dma_wait3A_54 = arith.constant 0 : i32
        %dma_wait3A_55 = tpu.memref_slice %arg2[%mul3A_36, %dma_wait3A_54] : memref<40000x128xf32, #tpu.memory_space<hbm>> -> memref<16x128xf32, #tpu.memory_space<hbm>>
        %dma_wait3A_56 = arith.constant 0 : i32
        %dma_wait3A_57 = arith.constant 0 : i32
        %dma_wait3A_58 = tpu.memref_slice %arg9[%dma_wait3A_56, %dma_wait3A_57] : memref<208x128xf32, #tpu.memory_space<vmem>> -> memref<16x128xf32, #tpu.memory_space<vmem>>
        %dma_wait3A_59 = arith.constant 0 : i32
        %dma_wait3A_60 = tpu.memref_slice %arg2[%mul3A_36, %dma_wait3A_59] : memref<40000x128xf32, #tpu.memory_space<hbm>> -> memref<16x128xf32, #tpu.memory_space<hbm>>
        tpu.wait_dma2 semaphore(%run_scoped3A : memref<!tpu.dma_semaphore, #tpu.memory_space<semaphore_mem>>) src(%dma_wait3A_60 : memref<16x128xf32, #tpu.memory_space<hbm>>) dst(%dma_wait3A_58 : memref<16x128xf32, #tpu.memory_space<vmem>>)
        tpu.yield
      }) : () -> ()
      %scan3A_37 = arith.constant 0 : i32
      %scan3A_38 = arith.constant 0 : i32
      %scan3A_39 = arith.constant 16 : i32
      %scan3A_40 = arith.addi %scan3A_38, %scan3A_39 : i32
      %scan3A_41 = arith.constant 1 : i32
      scf.for %scan3A_43 = %scan3A_38 to %scan3A_40 step %scan3A_41  : i32 {
        %get3A = arith.index_cast %scan3A_43 : i32 to index
        %get3A_44 = arith.constant 0 : index
        %get3A_45 = tpu.vector_load %arg9[%get3A, %get3A_44] {strides = array<i32>} : memref<208x128xf32, #tpu.memory_space<vmem>>, vector<1x16xf32>,
        %get3A_46 = vector.shape_cast %get3A_45 : vector<1x16xf32> to vector<16xf32>
        %mul3A_47 = arith.constant 8 : i32
        %mul3A_48 = arith.muli %mul3A_47, %scan3A_43 : i32
        %add3A_49 = arith.constant 0 : i32
        %add3A_50 = arith.addi %mul3A_48, %add3A_49 : i32
        %swap3A = arith.index_cast %add3A_50 : i32 to index
        %swap3A_51 = arith.constant 0 : index
        %swap3A_52 = tpu.vector_load %arg8[%swap3A, %swap3A_51] {strides = array<i32>} : memref<1664x16xf32, #tpu.memory_space<vmem>>, vector<1x16xf32>,
        %swap3A_53 = vector.shape_cast %swap3A_52 : vector<1x16xf32> to vector<16xf32>
        %swap3A_54 = vector.shape_cast %get3A_46 : vector<16xf32> to vector<1x16xf32>
        tpu.vector_store %arg8[%swap3A, %swap3A_51], %swap3A_54 {strides = array<i32>} : memref<1664x16xf32, #tpu.memory_space<vmem>>, vector<1x16xf32>,
        %get3A_55 = arith.index_cast %scan3A_43 : i32 to index
        %get3A_56 = arith.constant 16 : index
        %get3A_57 = tpu.vector_load %arg9[%get3A_55, %get3A_56] {strides = array<i32>} : memref<208x128xf32, #tpu.memory_space<vmem>>, vector<1x16xf32>,
        %get3A_58 = vector.shape_cast %get3A_57 : vector<1x16xf32> to vector<16xf32>
        %mul3A_59 = arith.constant 8 : i32
        %mul3A_60 = arith.muli %mul3A_59, %scan3A_43 : i32
        %add3A_61 = arith.constant 1 : i32
        %add3A_62 = arith.addi %mul3A_60, %add3A_61 : i32
        %swap3A_63 = arith.index_cast %add3A_62 : i32 to index
        %swap3A_64 = arith.constant 0 : index
        %swap3A_65 = tpu.vector_load %arg8[%swap3A_63, %swap3A_64] {strides = array<i32>} : memref<1664x16xf32, #tpu.memory_space<vmem>>, vector<1x16xf32>,
        %swap3A_66 = vector.shape_cast %swap3A_65 : vector<1x16xf32> to vector<16xf32>
        %swap3A_67 = vector.shape_cast %get3A_58 : vector<16xf32> to vector<1x16xf32>
        tpu.vector_store %arg8[%swap3A_63, %swap3A_64], %swap3A_67 {strides = array<i32>} : memref<1664x16xf32, #tpu.memory_space<vmem>>, vector<1x16xf32>,
        %get3A_68 = arith.index_cast %scan3A_43 : i32 to index
        %get3A_69 = arith.constant 32 : index
        %get3A_70 = tpu.vector_load %arg9[%get3A_68, %get3A_69] {strides = array<i32>} : memref<208x128xf32, #tpu.memory_space<vmem>>, vector<1x16xf32>,
        %get3A_71 = vector.shape_cast %get3A_70 : vector<1x16xf32> to vector<16xf32>
        %mul3A_72 = arith.constant 8 : i32
        %mul3A_73 = arith.muli %mul3A_72, %scan3A_43 : i32
        %add3A_74 = arith.constant 2 : i32
        %add3A_75 = arith.addi %mul3A_73, %add3A_74 : i32
        %swap3A_76 = arith.index_cast %add3A_75 : i32 to index
        %swap3A_77 = arith.constant 0 : index
        %swap3A_78 = tpu.vector_load %arg8[%swap3A_76, %swap3A_77] {strides = array<i32>} : memref<1664x16xf32, #tpu.memory_space<vmem>>, vector<1x16xf32>,
        %swap3A_79 = vector.shape_cast %swap3A_78 : vector<1x16xf32> to vector<16xf32>
        %swap3A_80 = vector.shape_cast %get3A_71 : vector<16xf32> to vector<1x16xf32>
        tpu.vector_store %arg8[%swap3A_76, %swap3A_77], %swap3A_80 {strides = array<i32>} : memref<1664x16xf32, #tpu.memory_space<vmem>>, vector<1x16xf32>,
        %get3A_81 = arith.index_cast %scan3A_43 : i32 to index
        %get3A_82 = arith.constant 48 : index
        %get3A_83 = tpu.vector_load %arg9[%get3A_81, %get3A_82] {strides = array<i32>} : memref<208x128xf32, #tpu.memory_space<vmem>>, vector<1x16xf32>,
        %get3A_84 = vector.shape_cast %get3A_83 : vector<1x16xf32> to vector<16xf32>
        %mul3A_85 = arith.constant 8 : i32
        %mul3A_86 = arith.muli %mul3A_85, %scan3A_43 : i32
        %add3A_87 = arith.constant 3 : i32
        %add3A_88 = arith.addi %mul3A_86, %add3A_87 : i32
        %swap3A_89 = arith.index_cast %add3A_88 : i32 to index
        %swap3A_90 = arith.constant 0 : index
        %swap3A_91 = tpu.vector_load %arg8[%swap3A_89, %swap3A_90] {strides = array<i32>} : memref<1664x16xf32, #tpu.memory_space<vmem>>, vector<1x16xf32>,
        %swap3A_92 = vector.shape_cast %swap3A_91 : vector<1x16xf32> to vector<16xf32>
        %swap3A_93 = vector.shape_cast %get3A_84 : vector<16xf32> to vector<1x16xf32>
        tpu.vector_store %arg8[%swap3A_89, %swap3A_90], %swap3A_93 {strides = array<i32>} : memref<1664x16xf32, #tpu.memory_space<vmem>>, vector<1x16xf32>,
        %get3A_94 = arith.index_cast %scan3A_43 : i32 to index
        %get3A_95 = arith.constant 64 : index
        %get3A_96 = tpu.vector_load %arg9[%get3A_94, %get3A_95] {strides = array<i32>} : memref<208x128xf32, #tpu.memory_space<vmem>>, vector<1x16xf32>,
        %get3A_97 = vector.shape_cast %get3A_96 : vector<1x16xf32> to vector<16xf32>
        %mul3A_98 = arith.constant 8 : i32
        %mul3A_99 = arith.muli %mul3A_98, %scan3A_43 : i32
        %add3A_100 = arith.constant 4 : i32
        %add3A_101 = arith.addi %mul3A_99, %add3A_100 : i32
        %swap3A_102 = arith.index_cast %add3A_101 : i32 to index
        %swap3A_103 = arith.constant 0 : index
        %swap3A_104 = tpu.vector_load %arg8[%swap3A_102, %swap3A_103] {strides = array<i32>} : memref<1664x16xf32, #tpu.memory_space<vmem>>, vector<1x16xf32>,
        %swap3A_105 = vector.shape_cast %swap3A_104 : vector<1x16xf32> to vector<16xf32>
        %swap3A_106 = vector.shape_cast %get3A_97 : vector<16xf32> to vector<1x16xf32>
        tpu.vector_store %arg8[%swap3A_102, %swap3A_103], %swap3A_106 {strides = array<i32>} : memref<1664x16xf32, #tpu.memory_space<vmem>>, vector<1x16xf32>,
        %get3A_107 = arith.index_cast %scan3A_43 : i32 to index
        %get3A_108 = arith.constant 80 : index
        %get3A_109 = tpu.vector_load %arg9[%get3A_107, %get3A_108] {strides = array<i32>} : memref<208x128xf32, #tpu.memory_space<vmem>>, vector<1x16xf32>,
        %get3A_110 = vector.shape_cast %get3A_109 : vector<1x16xf32> to vector<16xf32>
        %mul3A_111 = arith.constant 8 : i32
        %mul3A_112 = arith.muli %mul3A_111, %scan3A_43 : i32
        %add3A_113 = arith.constant 5 : i32
        %add3A_114 = arith.addi %mul3A_112, %add3A_113 : i32
        %swap3A_115 = arith.index_cast %add3A_114 : i32 to index
        %swap3A_116 = arith.constant 0 : index
        %swap3A_117 = tpu.vector_load %arg8[%swap3A_115, %swap3A_116] {strides = array<i32>} : memref<1664x16xf32, #tpu.memory_space<vmem>>, vector<1x16xf32>,
        %swap3A_118 = vector.shape_cast %swap3A_117 : vector<1x16xf32> to vector<16xf32>
        %swap3A_119 = vector.shape_cast %get3A_110 : vector<16xf32> to vector<1x16xf32>
        tpu.vector_store %arg8[%swap3A_115, %swap3A_116], %swap3A_119 {strides = array<i32>} : memref<1664x16xf32, #tpu.memory_space<vmem>>, vector<1x16xf32>,
        %get3A_120 = arith.index_cast %scan3A_43 : i32 to index
        %get3A_121 = arith.constant 96 : index
        %get3A_122 = tpu.vector_load %arg9[%get3A_120, %get3A_121] {strides = array<i32>} : memref<208x128xf32, #tpu.memory_space<vmem>>, vector<1x16xf32>,
        %get3A_123 = vector.shape_cast %get3A_122 : vector<1x16xf32> to vector<16xf32>
        %mul3A_124 = arith.constant 8 : i32
        %mul3A_125 = arith.muli %mul3A_124, %scan3A_43 : i32
        %add3A_126 = arith.constant 6 : i32
        %add3A_127 = arith.addi %mul3A_125, %add3A_126 : i32
        %swap3A_128 = arith.index_cast %add3A_127 : i32 to index
        %swap3A_129 = arith.constant 0 : index
        %swap3A_130 = tpu.vector_load %arg8[%swap3A_128, %swap3A_129] {strides = array<i32>} : memref<1664x16xf32, #tpu.memory_space<vmem>>, vector<1x16xf32>,
        %swap3A_131 = vector.shape_cast %swap3A_130 : vector<1x16xf32> to vector<16xf32>
        %swap3A_132 = vector.shape_cast %get3A_123 : vector<16xf32> to vector<1x16xf32>
        tpu.vector_store %arg8[%swap3A_128, %swap3A_129], %swap3A_132 {strides = array<i32>} : memref<1664x16xf32, #tpu.memory_space<vmem>>, vector<1x16xf32>,
        %get3A_133 = arith.index_cast %scan3A_43 : i32 to index
        %get3A_134 = arith.constant 112 : index
        %get3A_135 = tpu.vector_load %arg9[%get3A_133, %get3A_134] {strides = array<i32>} : memref<208x128xf32, #tpu.memory_space<vmem>>, vector<1x16xf32>,
        %get3A_136 = vector.shape_cast %get3A_135 : vector<1x16xf32> to vector<16xf32>
        %mul3A_137 = arith.constant 8 : i32
        %mul3A_138 = arith.muli %mul3A_137, %scan3A_43 : i32
        %add3A_139 = arith.constant 7 : i32
        %add3A_140 = arith.addi %mul3A_138, %add3A_139 : i32
        %swap3A_141 = arith.index_cast %add3A_140 : i32 to index
        %swap3A_142 = arith.constant 0 : index
        %swap3A_143 = tpu.vector_load %arg8[%swap3A_141, %swap3A_142] {strides = array<i32>} : memref<1664x16xf32, #tpu.memory_space<vmem>>, vector<1x16xf32>,
        %swap3A_144 = vector.shape_cast %swap3A_143 : vector<1x16xf32> to vector<16xf32>
        %swap3A_145 = vector.shape_cast %get3A_136 : vector<16xf32> to vector<1x16xf32>
        tpu.vector_store %arg8[%swap3A_141, %swap3A_142], %swap3A_145 {strides = array<i32>} : memref<1664x16xf32, #tpu.memory_space<vmem>>, vector<1x16xf32>,
      }
      %scan3A_42 = arith.constant 16 : i32
      "tpu.region"() ({
        %run_scoped3A = tpu.sem_alloc : memref<!tpu.dma_semaphore, #tpu.memory_space<semaphore_mem>>
        %dma_start3A = arith.constant 0 : i32
        %dma_start3A_43 = arith.constant 0 : i32
        %dma_start3A_44 = tpu.memref_slice %arg8[%dma_start3A, %dma_start3A_43] : memref<1664x16xf32, #tpu.memory_space<vmem>> -> memref<128x16xf32, #tpu.memory_space<vmem>>
        %dma_start3A_45 = arith.constant 0 : i32
        %dma_start3A_46 = arith.constant 0 : i32
        %dma_start3A_47 = tpu.memref_slice %arg5[%dma_start3A_45, %dma_start3A_46] : memref<10000x16xf32, #tpu.memory_space<vmem_shared>> -> memref<10000x16xf32, #tpu.memory_space<vmem_shared>>
        tpu.enqueue_indirect_dma source(%dma_start3A_44 : memref<128x16xf32, #tpu.memory_space<vmem>>) target(%dma_start3A_47 : memref<10000x16xf32, #tpu.memory_space<vmem_shared>>) offsets(%arg7 : memref<128xi32, #tpu.memory_space<vmem>>) semaphore(%run_scoped3A : memref<!tpu.dma_semaphore, #tpu.memory_space<semaphore_mem>>) {add = true}
        %dma_wait3A = arith.constant 0 : i32
        %dma_wait3A_48 = arith.constant 0 : i32
        %dma_wait3A_49 = tpu.memref_slice %arg8[%dma_wait3A, %dma_wait3A_48] : memref<1664x16xf32, #tpu.memory_space<vmem>> -> memref<128x16xf32, #tpu.memory_space<vmem>>
        %dma_wait3A_50 = arith.constant 0 : i32
        %dma_wait3A_51 = arith.constant 0 : i32
        %dma_wait3A_52 = tpu.memref_slice %arg5[%dma_wait3A_50, %dma_wait3A_51] : memref<10000x16xf32, #tpu.memory_space<vmem_shared>> -> memref<10000x16xf32, #tpu.memory_space<vmem_shared>>
        tpu.wait_indirect_dma semaphore(%run_scoped3A : memref<!tpu.dma_semaphore, #tpu.memory_space<semaphore_mem>>) src(%dma_wait3A_49 : memref<128x16xf32, #tpu.memory_space<vmem>>) dst(%dma_wait3A_52 : memref<10000x16xf32, #tpu.memory_space<vmem_shared>>)
        tpu.yield
      }) : () -> ()
    } else {
    }
    %barrier3A_25 = arith.constant 0 : index
    tpu.barrier barrier_id(%barrier3A_25)
    %lt3A_26 = arith.constant 10 : i32
    %lt3A_27 = arith.cmpi slt, %arg1, %lt3A_26 : i32
    %convert_element_type3A_28 = arith.extui %lt3A_27 : i1 to i32
    %cond3A_29 = arith.constant 0 : i32
    %cond3A_30 = arith.cmpi ne, %convert_element_type3A_28, %cond3A_29 : i32
    scf.if %cond3A_30 {
      %mul3A_31 = arith.constant 1000 : i32
      %mul3A_32 = arith.muli %arg1, %mul3A_31 : i32
      "tpu.region"() ({
        %run_scoped3A = tpu.sem_alloc : memref<!tpu.dma_semaphore, #tpu.memory_space<semaphore_mem>>
        %dma_start3A = arith.constant 0 : i32
        %dma_start3A_41 = arith.constant 0 : i32
        %dma_start3A_42 = tpu.memref_slice %arg8[%dma_start3A, %dma_start3A_41] : memref<1664x16xf32, #tpu.memory_space<vmem>> -> memref<1000x16xf32, #tpu.memory_space<vmem>>
        %dma_start3A_43 = arith.constant 0 : i32
        %dma_start3A_44 = tpu.memref_slice %arg5[%mul3A_32, %dma_start3A_43] : memref<10000x16xf32, #tpu.memory_space<vmem_shared>> -> memref<1000x16xf32, #tpu.memory_space<vmem_shared>>
        %dma_start3A_45 = arith.constant 0 : i32
        %dma_start3A_46 = arith.constant 0 : i32
        %dma_start3A_47 = tpu.memref_slice %arg8[%dma_start3A_45, %dma_start3A_46] : memref<1664x16xf32, #tpu.memory_space<vmem>> -> memref<1000x16xf32, #tpu.memory_space<vmem>>
        %dma_start3A_48 = arith.constant 0 : i32
        %dma_start3A_49 = tpu.memref_slice %arg5[%mul3A_32, %dma_start3A_48] : memref<10000x16xf32, #tpu.memory_space<vmem_shared>> -> memref<1000x16xf32, #tpu.memory_space<vmem_shared>>
        tpu.enqueue_dma source(%dma_start3A_49 : memref<1000x16xf32, #tpu.memory_space<vmem_shared>>) target(%dma_start3A_47 : memref<1000x16xf32, #tpu.memory_space<vmem>>) target_semaphore(%run_scoped3A : memref<!tpu.dma_semaphore, #tpu.memory_space<semaphore_mem>>)
        %dma_wait3A = arith.constant 0 : i32
        %dma_wait3A_50 = arith.constant 0 : i32
        %dma_wait3A_51 = tpu.memref_slice %arg8[%dma_wait3A, %dma_wait3A_50] : memref<1664x16xf32, #tpu.memory_space<vmem>> -> memref<1000x16xf32, #tpu.memory_space<vmem>>
        %dma_wait3A_52 = arith.constant 0 : i32
        %dma_wait3A_53 = tpu.memref_slice %arg5[%mul3A_32, %dma_wait3A_52] : memref<10000x16xf32, #tpu.memory_space<vmem_shared>> -> memref<1000x16xf32, #tpu.memory_space<vmem_shared>>
        %dma_wait3A_54 = arith.constant 0 : i32
        %dma_wait3A_55 = arith.constant 0 : i32
        %dma_wait3A_56 = tpu.memref_slice %arg8[%dma_wait3A_54, %dma_wait3A_55] : memref<1664x16xf32, #tpu.memory_space<vmem>> -> memref<1000x16xf32, #tpu.memory_space<vmem>>
        %dma_wait3A_57 = arith.constant 0 : i32
        %dma_wait3A_58 = tpu.memref_slice %arg5[%mul3A_32, %dma_wait3A_57] : memref<10000x16xf32, #tpu.memory_space<vmem_shared>> -> memref<1000x16xf32, #tpu.memory_space<vmem_shared>>
        tpu.wait_dma2 semaphore(%run_scoped3A : memref<!tpu.dma_semaphore, #tpu.memory_space<semaphore_mem>>) src(%dma_wait3A_58 : memref<1000x16xf32, #tpu.memory_space<vmem_shared>>) dst(%dma_wait3A_56 : memref<1000x16xf32, #tpu.memory_space<vmem>>)
        tpu.yield
      }) : () -> ()
      %scan3A_33 = arith.constant 0 : i32
      %scan3A_34 = arith.constant 0 : i32
      %scan3A_35 = arith.constant 125 : i32
      %scan3A_36 = arith.addi %scan3A_34, %scan3A_35 : i32
      %scan3A_37 = arith.constant 1 : i32
      scf.for %scan3A_41 = %scan3A_34 to %scan3A_36 step %scan3A_37  : i32 {
        %mul3A_42 = arith.constant 8 : i32
        %mul3A_43 = arith.muli %mul3A_42, %scan3A_41 : i32
        %add3A_44 = arith.constant 0 : i32
        %add3A_45 = arith.addi %mul3A_43, %add3A_44 : i32
        %get3A = arith.index_cast %add3A_45 : i32 to index
        %get3A_46 = arith.constant 0 : index
        %get3A_47 = tpu.vector_load %arg8[%get3A, %get3A_46] {strides = array<i32>} : memref<1664x16xf32, #tpu.memory_space<vmem>>, vector<1x16xf32>,
        %get3A_48 = vector.shape_cast %get3A_47 : vector<1x16xf32> to vector<16xf32>
        %swap3A = arith.index_cast %scan3A_41 : i32 to index
        %swap3A_49 = arith.constant 0 : index
        %swap3A_50 = tpu.vector_load %arg9[%swap3A, %swap3A_49] {strides = array<i32>} : memref<208x128xf32, #tpu.memory_space<vmem>>, vector<1x16xf32>,
        %swap3A_51 = vector.shape_cast %swap3A_50 : vector<1x16xf32> to vector<16xf32>
        %swap3A_52 = vector.shape_cast %get3A_48 : vector<16xf32> to vector<1x16xf32>
        tpu.vector_store %arg9[%swap3A, %swap3A_49], %swap3A_52 {strides = array<i32>} : memref<208x128xf32, #tpu.memory_space<vmem>>, vector<1x16xf32>,
        %mul3A_53 = arith.constant 8 : i32
        %mul3A_54 = arith.muli %mul3A_53, %scan3A_41 : i32
        %add3A_55 = arith.constant 1 : i32
        %add3A_56 = arith.addi %mul3A_54, %add3A_55 : i32
        %get3A_57 = arith.index_cast %add3A_56 : i32 to index
        %get3A_58 = arith.constant 0 : index
        %get3A_59 = tpu.vector_load %arg8[%get3A_57, %get3A_58] {strides = array<i32>} : memref<1664x16xf32, #tpu.memory_space<vmem>>, vector<1x16xf32>,
        %get3A_60 = vector.shape_cast %get3A_59 : vector<1x16xf32> to vector<16xf32>
        %swap3A_61 = arith.index_cast %scan3A_41 : i32 to index
        %swap3A_62 = arith.constant 16 : index
        %swap3A_63 = tpu.vector_load %arg9[%swap3A_61, %swap3A_62] {strides = array<i32>} : memref<208x128xf32, #tpu.memory_space<vmem>>, vector<1x16xf32>,
        %swap3A_64 = vector.shape_cast %swap3A_63 : vector<1x16xf32> to vector<16xf32>
        %swap3A_65 = vector.shape_cast %get3A_60 : vector<16xf32> to vector<1x16xf32>
        tpu.vector_store %arg9[%swap3A_61, %swap3A_62], %swap3A_65 {strides = array<i32>} : memref<208x128xf32, #tpu.memory_space<vmem>>, vector<1x16xf32>,
        %mul3A_66 = arith.constant 8 : i32
        %mul3A_67 = arith.muli %mul3A_66, %scan3A_41 : i32
        %add3A_68 = arith.constant 2 : i32
        %add3A_69 = arith.addi %mul3A_67, %add3A_68 : i32
        %get3A_70 = arith.index_cast %add3A_69 : i32 to index
        %get3A_71 = arith.constant 0 : index
        %get3A_72 = tpu.vector_load %arg8[%get3A_70, %get3A_71] {strides = array<i32>} : memref<1664x16xf32, #tpu.memory_space<vmem>>, vector<1x16xf32>,
        %get3A_73 = vector.shape_cast %get3A_72 : vector<1x16xf32> to vector<16xf32>
        %swap3A_74 = arith.index_cast %scan3A_41 : i32 to index
        %swap3A_75 = arith.constant 32 : index
        %swap3A_76 = tpu.vector_load %arg9[%swap3A_74, %swap3A_75] {strides = array<i32>} : memref<208x128xf32, #tpu.memory_space<vmem>>, vector<1x16xf32>,
        %swap3A_77 = vector.shape_cast %swap3A_76 : vector<1x16xf32> to vector<16xf32>
        %swap3A_78 = vector.shape_cast %get3A_73 : vector<16xf32> to vector<1x16xf32>
        tpu.vector_store %arg9[%swap3A_74, %swap3A_75], %swap3A_78 {strides = array<i32>} : memref<208x128xf32, #tpu.memory_space<vmem>>, vector<1x16xf32>,
        %mul3A_79 = arith.constant 8 : i32
        %mul3A_80 = arith.muli %mul3A_79, %scan3A_41 : i32
        %add3A_81 = arith.constant 3 : i32
        %add3A_82 = arith.addi %mul3A_80, %add3A_81 : i32
        %get3A_83 = arith.index_cast %add3A_82 : i32 to index
        %get3A_84 = arith.constant 0 : index
        %get3A_85 = tpu.vector_load %arg8[%get3A_83, %get3A_84] {strides = array<i32>} : memref<1664x16xf32, #tpu.memory_space<vmem>>, vector<1x16xf32>,
        %get3A_86 = vector.shape_cast %get3A_85 : vector<1x16xf32> to vector<16xf32>
        %swap3A_87 = arith.index_cast %scan3A_41 : i32 to index
        %swap3A_88 = arith.constant 48 : index
        %swap3A_89 = tpu.vector_load %arg9[%swap3A_87, %swap3A_88] {strides = array<i32>} : memref<208x128xf32, #tpu.memory_space<vmem>>, vector<1x16xf32>,
        %swap3A_90 = vector.shape_cast %swap3A_89 : vector<1x16xf32> to vector<16xf32>
        %swap3A_91 = vector.shape_cast %get3A_86 : vector<16xf32> to vector<1x16xf32>
        tpu.vector_store %arg9[%swap3A_87, %swap3A_88], %swap3A_91 {strides = array<i32>} : memref<208x128xf32, #tpu.memory_space<vmem>>, vector<1x16xf32>,
        %mul3A_92 = arith.constant 8 : i32
        %mul3A_93 = arith.muli %mul3A_92, %scan3A_41 : i32
        %add3A_94 = arith.constant 4 : i32
        %add3A_95 = arith.addi %mul3A_93, %add3A_94 : i32
        %get3A_96 = arith.index_cast %add3A_95 : i32 to index
        %get3A_97 = arith.constant 0 : index
        %get3A_98 = tpu.vector_load %arg8[%get3A_96, %get3A_97] {strides = array<i32>} : memref<1664x16xf32, #tpu.memory_space<vmem>>, vector<1x16xf32>,
        %get3A_99 = vector.shape_cast %get3A_98 : vector<1x16xf32> to vector<16xf32>
        %swap3A_100 = arith.index_cast %scan3A_41 : i32 to index
        %swap3A_101 = arith.constant 64 : index
        %swap3A_102 = tpu.vector_load %arg9[%swap3A_100, %swap3A_101] {strides = array<i32>} : memref<208x128xf32, #tpu.memory_space<vmem>>, vector<1x16xf32>,
        %swap3A_103 = vector.shape_cast %swap3A_102 : vector<1x16xf32> to vector<16xf32>
        %swap3A_104 = vector.shape_cast %get3A_99 : vector<16xf32> to vector<1x16xf32>
        tpu.vector_store %arg9[%swap3A_100, %swap3A_101], %swap3A_104 {strides = array<i32>} : memref<208x128xf32, #tpu.memory_space<vmem>>, vector<1x16xf32>,
        %mul3A_105 = arith.constant 8 : i32
        %mul3A_106 = arith.muli %mul3A_105, %scan3A_41 : i32
        %add3A_107 = arith.constant 5 : i32
        %add3A_108 = arith.addi %mul3A_106, %add3A_107 : i32
        %get3A_109 = arith.index_cast %add3A_108 : i32 to index
        %get3A_110 = arith.constant 0 : index
        %get3A_111 = tpu.vector_load %arg8[%get3A_109, %get3A_110] {strides = array<i32>} : memref<1664x16xf32, #tpu.memory_space<vmem>>, vector<1x16xf32>,
        %get3A_112 = vector.shape_cast %get3A_111 : vector<1x16xf32> to vector<16xf32>
        %swap3A_113 = arith.index_cast %scan3A_41 : i32 to index
        %swap3A_114 = arith.constant 80 : index
        %swap3A_115 = tpu.vector_load %arg9[%swap3A_113, %swap3A_114] {strides = array<i32>} : memref<208x128xf32, #tpu.memory_space<vmem>>, vector<1x16xf32>,
        %swap3A_116 = vector.shape_cast %swap3A_115 : vector<1x16xf32> to vector<16xf32>
        %swap3A_117 = vector.shape_cast %get3A_112 : vector<16xf32> to vector<1x16xf32>
        tpu.vector_store %arg9[%swap3A_113, %swap3A_114], %swap3A_117 {strides = array<i32>} : memref<208x128xf32, #tpu.memory_space<vmem>>, vector<1x16xf32>,
        %mul3A_118 = arith.constant 8 : i32
        %mul3A_119 = arith.muli %mul3A_118, %scan3A_41 : i32
        %add3A_120 = arith.constant 6 : i32
        %add3A_121 = arith.addi %mul3A_119, %add3A_120 : i32
        %get3A_122 = arith.index_cast %add3A_121 : i32 to index
        %get3A_123 = arith.constant 0 : index
        %get3A_124 = tpu.vector_load %arg8[%get3A_122, %get3A_123] {strides = array<i32>} : memref<1664x16xf32, #tpu.memory_space<vmem>>, vector<1x16xf32>,
        %get3A_125 = vector.shape_cast %get3A_124 : vector<1x16xf32> to vector<16xf32>
        %swap3A_126 = arith.index_cast %scan3A_41 : i32 to index
        %swap3A_127 = arith.constant 96 : index
        %swap3A_128 = tpu.vector_load %arg9[%swap3A_126, %swap3A_127] {strides = array<i32>} : memref<208x128xf32, #tpu.memory_space<vmem>>, vector<1x16xf32>,
        %swap3A_129 = vector.shape_cast %swap3A_128 : vector<1x16xf32> to vector<16xf32>
        %swap3A_130 = vector.shape_cast %get3A_125 : vector<16xf32> to vector<1x16xf32>
        tpu.vector_store %arg9[%swap3A_126, %swap3A_127], %swap3A_130 {strides = array<i32>} : memref<208x128xf32, #tpu.memory_space<vmem>>, vector<1x16xf32>,
        %mul3A_131 = arith.constant 8 : i32
        %mul3A_132 = arith.muli %mul3A_131, %scan3A_41 : i32
        %add3A_133 = arith.constant 7 : i32
        %add3A_134 = arith.addi %mul3A_132, %add3A_133 : i32
        %get3A_135 = arith.index_cast %add3A_134 : i32 to index
        %get3A_136 = arith.constant 0 : index
        %get3A_137 = tpu.vector_load %arg8[%get3A_135, %get3A_136] {strides = array<i32>} : memref<1664x16xf32, #tpu.memory_space<vmem>>, vector<1x16xf32>,
        %get3A_138 = vector.shape_cast %get3A_137 : vector<1x16xf32> to vector<16xf32>
        %swap3A_139 = arith.index_cast %scan3A_41 : i32 to index
        %swap3A_140 = arith.constant 112 : index
        %swap3A_141 = tpu.vector_load %arg9[%swap3A_139, %swap3A_140] {strides = array<i32>} : memref<208x128xf32, #tpu.memory_space<vmem>>, vector<1x16xf32>,
        %swap3A_142 = vector.shape_cast %swap3A_141 : vector<1x16xf32> to vector<16xf32>
        %swap3A_143 = vector.shape_cast %get3A_138 : vector<16xf32> to vector<1x16xf32>
        tpu.vector_store %arg9[%swap3A_139, %swap3A_140], %swap3A_143 {strides = array<i32>} : memref<208x128xf32, #tpu.memory_space<vmem>>, vector<1x16xf32>,
      }
      %scan3A_38 = arith.constant 125 : i32
      %mul3A_39 = arith.constant 125 : i32
      %mul3A_40 = arith.muli %arg1, %mul3A_39 : i32
      "tpu.region"() ({
        %run_scoped3A = tpu.sem_alloc : memref<!tpu.dma_semaphore, #tpu.memory_space<semaphore_mem>>
        %dma_start3A = arith.constant 0 : i32
        %dma_start3A_41 = arith.constant 0 : i32
        %dma_start3A_42 = tpu.memref_slice %arg9[%dma_start3A, %dma_start3A_41] : memref<208x128xf32, #tpu.memory_space<vmem>> -> memref<125x128xf32, #tpu.memory_space<vmem>>
        %dma_start3A_43 = arith.constant 0 : i32
        %dma_start3A_44 = tpu.memref_slice %arg4[%arg0, %mul3A_40, %dma_start3A_43] : memref<2x1250x128xf32, #tpu.memory_space<hbm>> -> memref<1x125x128xf32, #tpu.memory_space<hbm>>
        %dma_start3A_45 = tpu.memref_squeeze %dma_start3A_44 : memref<1x125x128xf32, #tpu.memory_space<hbm>> -> memref<125x128xf32, #tpu.memory_space<hbm>>
        %dma_start3A_46 = arith.constant 0 : i32
        %dma_start3A_47 = tpu.memref_slice %arg4[%arg0, %mul3A_40, %dma_start3A_46] : memref<2x1250x128xf32, #tpu.memory_space<hbm>> -> memref<1x125x128xf32, #tpu.memory_space<hbm>>
        %dma_start3A_48 = tpu.memref_squeeze %dma_start3A_47 : memref<1x125x128xf32, #tpu.memory_space<hbm>> -> memref<125x128xf32, #tpu.memory_space<hbm>>
        %dma_start3A_49 = arith.constant 0 : i32
        %dma_start3A_50 = arith.constant 0 : i32
        %dma_start3A_51 = tpu.memref_slice %arg9[%dma_start3A_49, %dma_start3A_50] : memref<208x128xf32, #tpu.memory_space<vmem>> -> memref<125x128xf32, #tpu.memory_space<vmem>>
        tpu.enqueue_dma source(%dma_start3A_51 : memref<125x128xf32, #tpu.memory_space<vmem>>) target(%dma_start3A_48 : memref<125x128xf32, #tpu.memory_space<hbm>>) target_semaphore(%run_scoped3A : memref<!tpu.dma_semaphore, #tpu.memory_space<semaphore_mem>>)
        %dma_wait3A = arith.constant 0 : i32
        %dma_wait3A_52 = arith.constant 0 : i32
        %dma_wait3A_53 = tpu.memref_slice %arg9[%dma_wait3A, %dma_wait3A_52] : memref<208x128xf32, #tpu.memory_space<vmem>> -> memref<125x128xf32, #tpu.memory_space<vmem>>
        %dma_wait3A_54 = arith.constant 0 : i32
        %dma_wait3A_55 = tpu.memref_slice %arg4[%arg0, %mul3A_40, %dma_wait3A_54] : memref<2x1250x128xf32, #tpu.memory_space<hbm>> -> memref<1x125x128xf32, #tpu.memory_space<hbm>>
        %dma_wait3A_56 = tpu.memref_squeeze %dma_wait3A_55 : memref<1x125x128xf32, #tpu.memory_space<hbm>> -> memref<125x128xf32, #tpu.memory_space<hbm>>
        %dma_wait3A_57 = arith.constant 0 : i32
        %dma_wait3A_58 = tpu.memref_slice %arg4[%arg0, %mul3A_40, %dma_wait3A_57] : memref<2x1250x128xf32, #tpu.memory_space<hbm>> -> memref<1x125x128xf32, #tpu.memory_space<hbm>>
        %dma_wait3A_59 = tpu.memref_squeeze %dma_wait3A_58 : memref<1x125x128xf32, #tpu.memory_space<hbm>> -> memref<125x128xf32, #tpu.memory_space<hbm>>
        %dma_wait3A_60 = arith.constant 0 : i32
        %dma_wait3A_61 = arith.constant 0 : i32
        %dma_wait3A_62 = tpu.memref_slice %arg9[%dma_wait3A_60, %dma_wait3A_61] : memref<208x128xf32, #tpu.memory_space<vmem>> -> memref<125x128xf32, #tpu.memory_space<vmem>>
        tpu.wait_dma2 semaphore(%run_scoped3A : memref<!tpu.dma_semaphore, #tpu.memory_space<semaphore_mem>>) src(%dma_wait3A_62 : memref<125x128xf32, #tpu.memory_space<vmem>>) dst(%dma_wait3A_59 : memref<125x128xf32, #tpu.memory_space<hbm>>)
        tpu.yield
      }) : () -> ()
    } else {
    }
    return
  }
}

module attributes {stable_mosaic.version = 14 : i64} {
  func.func @_dense_body(%arg0: i32, %arg1: memref<800x128xf32, #tpu.memory_space<vmem>>, %arg2: memref<800x128xf32, #tpu.memory_space<vmem>>, %arg3: memref<128x128xbf16, #tpu.memory_space<vmem>>, %arg4: memref<1x128xf32, #tpu.memory_space<vmem>>, %arg5: memref<16x128x128xbf16, #tpu.memory_space<vmem>>, %arg6: memref<16x128x128xbf16, #tpu.memory_space<vmem>>, %arg7: memref<800x128xf32, #tpu.memory_space<vmem>>) attributes {dimension_semantics = [#tpu.dimension_semantics<arbitrary>], iteration_bounds = array<i64: 50>, scalar_prefetch = 0 : i64, scratch_operands = 0 : i64, tpu.core_type = #tpu.core_type<tc>, window_params = [{transform_indices = @transform_0, window_bounds = array<i64: 800, 128>}, {transform_indices = @transform_1, window_bounds = array<i64: 800, 128>}, {pipeline_mode = #tpu.pipeline_mode<synchronous>, transform_indices = @transform_2, window_bounds = array<i64: 128, 128>}, {pipeline_mode = #tpu.pipeline_mode<synchronous>, transform_indices = @transform_3, window_bounds = array<i64: 1, 128>}, {pipeline_mode = #tpu.pipeline_mode<synchronous>, transform_indices = @transform_4, window_bounds = array<i64: 16, 128, 128>}, {pipeline_mode = #tpu.pipeline_mode<synchronous>, transform_indices = @transform_5, window_bounds = array<i64: 16, 128, 128>}, {transform_indices = @transform_6, window_bounds = array<i64: 800, 128>}]} {
    %get3A = arith.constant 0 : index
    %get3A_0 = arith.constant 0 : index
    %get3A_1 = vector.load %arg1[%get3A, %get3A_0] : memref<800x128xf32, #tpu.memory_space<vmem>>, vector<800x128xf32>
    %convert_element_type3A = arith.truncf %get3A_1 : vector<800x128xf32> to vector<800x128xbf16>
    %get3A_2 = arith.constant 0 : index
    %get3A_3 = arith.constant 0 : index
    %get3A_4 = vector.load %arg3[%get3A_2, %get3A_3] : memref<128x128xbf16, #tpu.memory_space<vmem>>, vector<128x128xbf16>
    %dot_general3A = arith.constant dense<0.000000e+00> : vector<800x128xf32>
    %dot_general3A_5 = tpu.matmul %convert_element_type3A, %get3A_4, %dot_general3A {dimension_numbers = #tpu.dot_dimension_numbers<[1], [0], [0], [1], [0, 0, 1, 1], [], []>, transpose_lhs_hint = false} : vector<800x128xbf16>, vector<128x128xbf16>, vector<800x128xf32> -> vector<800x128xf32>
    %get3A_6 = arith.constant 0 : index
    %get3A_7 = arith.constant 0 : index
    %get3A_8 = vector.load %arg4[%get3A_6, %get3A_7] : memref<1x128xf32, #tpu.memory_space<vmem>>, vector<1x128xf32>
    %add3A = vector.broadcast %get3A_8 : vector<1x128xf32> to vector<800x128xf32>
    %add3A_9 = arith.addf %dot_general3A_5, %add3A : vector<800x128xf32>
    %max3A = arith.constant 0.000000e+00 : f32
    %max3A_10 = vector.broadcast %max3A : f32 to vector<800x128xf32>
    %max3A_11 = arith.maximumf %add3A_9, %max3A_10 : vector<800x128xf32>
    %convert_element_type3A_12 = arith.truncf %max3A_11 : vector<800x128xf32> to vector<800x128xbf16>
    %get3A_13 = arith.constant 0 : index
    %get3A_14 = arith.constant 0 : index
    %get3A_15 = vector.load %arg2[%get3A_13, %get3A_14] : memref<800x128xf32, #tpu.memory_space<vmem>>, vector<800x128xf32>
    %convert_element_type3A_16 = arith.truncf %get3A_15 : vector<800x128xf32> to vector<800x128xbf16>
    %get3A_17 = arith.constant 0 : index
    %get3A_18 = arith.constant 0 : index
    %get3A_19 = arith.constant 0 : index
    %get3A_20 = vector.load %arg6[%get3A_17, %get3A_18, %get3A_19] : memref<16x128x128xbf16, #tpu.memory_space<vmem>>, vector<1x128x128xbf16>
    %get3A_21 = vector.shape_cast %get3A_20 : vector<1x128x128xbf16> to vector<128x128xbf16>
    %dot_general3A_22 = arith.constant dense<0.000000e+00> : vector<800x128xf32>
    %dot_general3A_23 = tpu.matmul %convert_element_type3A_12, %get3A_21, %dot_general3A_22 {dimension_numbers = #tpu.dot_dimension_numbers<[1], [0], [0], [1], [0, 0, 1, 1], [], []>, transpose_lhs_hint = false} : vector<800x128xbf16>, vector<128x128xbf16>, vector<800x128xf32> -> vector<800x128xf32>
    %get3A_24 = arith.constant 0 : index
    %get3A_25 = arith.constant 0 : index
    %get3A_26 = arith.constant 0 : index
    %get3A_27 = vector.load %arg5[%get3A_24, %get3A_25, %get3A_26] : memref<16x128x128xbf16, #tpu.memory_space<vmem>>, vector<1x128x128xbf16>
    %get3A_28 = vector.shape_cast %get3A_27 : vector<1x128x128xbf16> to vector<128x128xbf16>
    %dot_general3A_29 = arith.constant dense<0.000000e+00> : vector<800x128xf32>
    %dot_general3A_30 = tpu.matmul %convert_element_type3A_16, %get3A_28, %dot_general3A_29 {dimension_numbers = #tpu.dot_dimension_numbers<[1], [0], [0], [1], [0, 0, 1, 1], [], []>, transpose_lhs_hint = false} : vector<800x128xbf16>, vector<128x128xbf16>, vector<800x128xf32> -> vector<800x128xf32>
    %mul3A = arith.mulf %dot_general3A_23, %dot_general3A_30 : vector<800x128xf32>
    %get3A_31 = arith.constant 1 : index
    %get3A_32 = arith.constant 0 : index
    %get3A_33 = arith.constant 0 : index
    %get3A_34 = vector.load %arg6[%get3A_31, %get3A_32, %get3A_33] : memref<16x128x128xbf16, #tpu.memory_space<vmem>>, vector<1x128x128xbf16>
    %get3A_35 = vector.shape_cast %get3A_34 : vector<1x128x128xbf16> to vector<128x128xbf16>
    %dot_general3A_36 = arith.constant dense<0.000000e+00> : vector<800x128xf32>
    %dot_general3A_37 = tpu.matmul %convert_element_type3A_12, %get3A_35, %dot_general3A_36 {dimension_numbers = #tpu.dot_dimension_numbers<[1], [0], [0], [1], [0, 0, 1, 1], [], []>, transpose_lhs_hint = false} : vector<800x128xbf16>, vector<128x128xbf16>, vector<800x128xf32> -> vector<800x128xf32>
    %get3A_38 = arith.constant 1 : index
    %get3A_39 = arith.constant 0 : index
    %get3A_40 = arith.constant 0 : index
    %get3A_41 = vector.load %arg5[%get3A_38, %get3A_39, %get3A_40] : memref<16x128x128xbf16, #tpu.memory_space<vmem>>, vector<1x128x128xbf16>
    %get3A_42 = vector.shape_cast %get3A_41 : vector<1x128x128xbf16> to vector<128x128xbf16>
    %dot_general3A_43 = arith.constant dense<0.000000e+00> : vector<800x128xf32>
    %dot_general3A_44 = tpu.matmul %convert_element_type3A_16, %get3A_42, %dot_general3A_43 {dimension_numbers = #tpu.dot_dimension_numbers<[1], [0], [0], [1], [0, 0, 1, 1], [], []>, transpose_lhs_hint = false} : vector<800x128xbf16>, vector<128x128xbf16>, vector<800x128xf32> -> vector<800x128xf32>
    %mul3A_45 = arith.mulf %dot_general3A_37, %dot_general3A_44 : vector<800x128xf32>
    %add3A_46 = arith.addf %mul3A, %mul3A_45 : vector<800x128xf32>
    %get3A_47 = arith.constant 2 : index
    %get3A_48 = arith.constant 0 : index
    %get3A_49 = arith.constant 0 : index
    %get3A_50 = vector.load %arg6[%get3A_47, %get3A_48, %get3A_49] : memref<16x128x128xbf16, #tpu.memory_space<vmem>>, vector<1x128x128xbf16>
    %get3A_51 = vector.shape_cast %get3A_50 : vector<1x128x128xbf16> to vector<128x128xbf16>
    %dot_general3A_52 = arith.constant dense<0.000000e+00> : vector<800x128xf32>
    %dot_general3A_53 = tpu.matmul %convert_element_type3A_12, %get3A_51, %dot_general3A_52 {dimension_numbers = #tpu.dot_dimension_numbers<[1], [0], [0], [1], [0, 0, 1, 1], [], []>, transpose_lhs_hint = false} : vector<800x128xbf16>, vector<128x128xbf16>, vector<800x128xf32> -> vector<800x128xf32>
    %get3A_54 = arith.constant 2 : index
    %get3A_55 = arith.constant 0 : index
    %get3A_56 = arith.constant 0 : index
    %get3A_57 = vector.load %arg5[%get3A_54, %get3A_55, %get3A_56] : memref<16x128x128xbf16, #tpu.memory_space<vmem>>, vector<1x128x128xbf16>
    %get3A_58 = vector.shape_cast %get3A_57 : vector<1x128x128xbf16> to vector<128x128xbf16>
    %dot_general3A_59 = arith.constant dense<0.000000e+00> : vector<800x128xf32>
    %dot_general3A_60 = tpu.matmul %convert_element_type3A_16, %get3A_58, %dot_general3A_59 {dimension_numbers = #tpu.dot_dimension_numbers<[1], [0], [0], [1], [0, 0, 1, 1], [], []>, transpose_lhs_hint = false} : vector<800x128xbf16>, vector<128x128xbf16>, vector<800x128xf32> -> vector<800x128xf32>
    %mul3A_61 = arith.mulf %dot_general3A_53, %dot_general3A_60 : vector<800x128xf32>
    %add3A_62 = arith.addf %add3A_46, %mul3A_61 : vector<800x128xf32>
    %get3A_63 = arith.constant 3 : index
    %get3A_64 = arith.constant 0 : index
    %get3A_65 = arith.constant 0 : index
    %get3A_66 = vector.load %arg6[%get3A_63, %get3A_64, %get3A_65] : memref<16x128x128xbf16, #tpu.memory_space<vmem>>, vector<1x128x128xbf16>
    %get3A_67 = vector.shape_cast %get3A_66 : vector<1x128x128xbf16> to vector<128x128xbf16>
    %dot_general3A_68 = arith.constant dense<0.000000e+00> : vector<800x128xf32>
    %dot_general3A_69 = tpu.matmul %convert_element_type3A_12, %get3A_67, %dot_general3A_68 {dimension_numbers = #tpu.dot_dimension_numbers<[1], [0], [0], [1], [0, 0, 1, 1], [], []>, transpose_lhs_hint = false} : vector<800x128xbf16>, vector<128x128xbf16>, vector<800x128xf32> -> vector<800x128xf32>
    %get3A_70 = arith.constant 3 : index
    %get3A_71 = arith.constant 0 : index
    %get3A_72 = arith.constant 0 : index
    %get3A_73 = vector.load %arg5[%get3A_70, %get3A_71, %get3A_72] : memref<16x128x128xbf16, #tpu.memory_space<vmem>>, vector<1x128x128xbf16>
    %get3A_74 = vector.shape_cast %get3A_73 : vector<1x128x128xbf16> to vector<128x128xbf16>
    %dot_general3A_75 = arith.constant dense<0.000000e+00> : vector<800x128xf32>
    %dot_general3A_76 = tpu.matmul %convert_element_type3A_16, %get3A_74, %dot_general3A_75 {dimension_numbers = #tpu.dot_dimension_numbers<[1], [0], [0], [1], [0, 0, 1, 1], [], []>, transpose_lhs_hint = false} : vector<800x128xbf16>, vector<128x128xbf16>, vector<800x128xf32> -> vector<800x128xf32>
    %mul3A_77 = arith.mulf %dot_general3A_69, %dot_general3A_76 : vector<800x128xf32>
    %add3A_78 = arith.addf %add3A_62, %mul3A_77 : vector<800x128xf32>
    %get3A_79 = arith.constant 4 : index
    %get3A_80 = arith.constant 0 : index
    %get3A_81 = arith.constant 0 : index
    %get3A_82 = vector.load %arg6[%get3A_79, %get3A_80, %get3A_81] : memref<16x128x128xbf16, #tpu.memory_space<vmem>>, vector<1x128x128xbf16>
    %get3A_83 = vector.shape_cast %get3A_82 : vector<1x128x128xbf16> to vector<128x128xbf16>
    %dot_general3A_84 = arith.constant dense<0.000000e+00> : vector<800x128xf32>
    %dot_general3A_85 = tpu.matmul %convert_element_type3A_12, %get3A_83, %dot_general3A_84 {dimension_numbers = #tpu.dot_dimension_numbers<[1], [0], [0], [1], [0, 0, 1, 1], [], []>, transpose_lhs_hint = false} : vector<800x128xbf16>, vector<128x128xbf16>, vector<800x128xf32> -> vector<800x128xf32>
    %get3A_86 = arith.constant 4 : index
    %get3A_87 = arith.constant 0 : index
    %get3A_88 = arith.constant 0 : index
    %get3A_89 = vector.load %arg5[%get3A_86, %get3A_87, %get3A_88] : memref<16x128x128xbf16, #tpu.memory_space<vmem>>, vector<1x128x128xbf16>
    %get3A_90 = vector.shape_cast %get3A_89 : vector<1x128x128xbf16> to vector<128x128xbf16>
    %dot_general3A_91 = arith.constant dense<0.000000e+00> : vector<800x128xf32>
    %dot_general3A_92 = tpu.matmul %convert_element_type3A_16, %get3A_90, %dot_general3A_91 {dimension_numbers = #tpu.dot_dimension_numbers<[1], [0], [0], [1], [0, 0, 1, 1], [], []>, transpose_lhs_hint = false} : vector<800x128xbf16>, vector<128x128xbf16>, vector<800x128xf32> -> vector<800x128xf32>
    %mul3A_93 = arith.mulf %dot_general3A_85, %dot_general3A_92 : vector<800x128xf32>
    %add3A_94 = arith.addf %add3A_78, %mul3A_93 : vector<800x128xf32>
    %get3A_95 = arith.constant 5 : index
    %get3A_96 = arith.constant 0 : index
    %get3A_97 = arith.constant 0 : index
    %get3A_98 = vector.load %arg6[%get3A_95, %get3A_96, %get3A_97] : memref<16x128x128xbf16, #tpu.memory_space<vmem>>, vector<1x128x128xbf16>
    %get3A_99 = vector.shape_cast %get3A_98 : vector<1x128x128xbf16> to vector<128x128xbf16>
    %dot_general3A_100 = arith.constant dense<0.000000e+00> : vector<800x128xf32>
    %dot_general3A_101 = tpu.matmul %convert_element_type3A_12, %get3A_99, %dot_general3A_100 {dimension_numbers = #tpu.dot_dimension_numbers<[1], [0], [0], [1], [0, 0, 1, 1], [], []>, transpose_lhs_hint = false} : vector<800x128xbf16>, vector<128x128xbf16>, vector<800x128xf32> -> vector<800x128xf32>
    %get3A_102 = arith.constant 5 : index
    %get3A_103 = arith.constant 0 : index
    %get3A_104 = arith.constant 0 : index
    %get3A_105 = vector.load %arg5[%get3A_102, %get3A_103, %get3A_104] : memref<16x128x128xbf16, #tpu.memory_space<vmem>>, vector<1x128x128xbf16>
    %get3A_106 = vector.shape_cast %get3A_105 : vector<1x128x128xbf16> to vector<128x128xbf16>
    %dot_general3A_107 = arith.constant dense<0.000000e+00> : vector<800x128xf32>
    %dot_general3A_108 = tpu.matmul %convert_element_type3A_16, %get3A_106, %dot_general3A_107 {dimension_numbers = #tpu.dot_dimension_numbers<[1], [0], [0], [1], [0, 0, 1, 1], [], []>, transpose_lhs_hint = false} : vector<800x128xbf16>, vector<128x128xbf16>, vector<800x128xf32> -> vector<800x128xf32>
    %mul3A_109 = arith.mulf %dot_general3A_101, %dot_general3A_108 : vector<800x128xf32>
    %add3A_110 = arith.addf %add3A_94, %mul3A_109 : vector<800x128xf32>
    %get3A_111 = arith.constant 6 : index
    %get3A_112 = arith.constant 0 : index
    %get3A_113 = arith.constant 0 : index
    %get3A_114 = vector.load %arg6[%get3A_111, %get3A_112, %get3A_113] : memref<16x128x128xbf16, #tpu.memory_space<vmem>>, vector<1x128x128xbf16>
    %get3A_115 = vector.shape_cast %get3A_114 : vector<1x128x128xbf16> to vector<128x128xbf16>
    %dot_general3A_116 = arith.constant dense<0.000000e+00> : vector<800x128xf32>
    %dot_general3A_117 = tpu.matmul %convert_element_type3A_12, %get3A_115, %dot_general3A_116 {dimension_numbers = #tpu.dot_dimension_numbers<[1], [0], [0], [1], [0, 0, 1, 1], [], []>, transpose_lhs_hint = false} : vector<800x128xbf16>, vector<128x128xbf16>, vector<800x128xf32> -> vector<800x128xf32>
    %get3A_118 = arith.constant 6 : index
    %get3A_119 = arith.constant 0 : index
    %get3A_120 = arith.constant 0 : index
    %get3A_121 = vector.load %arg5[%get3A_118, %get3A_119, %get3A_120] : memref<16x128x128xbf16, #tpu.memory_space<vmem>>, vector<1x128x128xbf16>
    %get3A_122 = vector.shape_cast %get3A_121 : vector<1x128x128xbf16> to vector<128x128xbf16>
    %dot_general3A_123 = arith.constant dense<0.000000e+00> : vector<800x128xf32>
    %dot_general3A_124 = tpu.matmul %convert_element_type3A_16, %get3A_122, %dot_general3A_123 {dimension_numbers = #tpu.dot_dimension_numbers<[1], [0], [0], [1], [0, 0, 1, 1], [], []>, transpose_lhs_hint = false} : vector<800x128xbf16>, vector<128x128xbf16>, vector<800x128xf32> -> vector<800x128xf32>
    %mul3A_125 = arith.mulf %dot_general3A_117, %dot_general3A_124 : vector<800x128xf32>
    %add3A_126 = arith.addf %add3A_110, %mul3A_125 : vector<800x128xf32>
    %get3A_127 = arith.constant 7 : index
    %get3A_128 = arith.constant 0 : index
    %get3A_129 = arith.constant 0 : index
    %get3A_130 = vector.load %arg6[%get3A_127, %get3A_128, %get3A_129] : memref<16x128x128xbf16, #tpu.memory_space<vmem>>, vector<1x128x128xbf16>
    %get3A_131 = vector.shape_cast %get3A_130 : vector<1x128x128xbf16> to vector<128x128xbf16>
    %dot_general3A_132 = arith.constant dense<0.000000e+00> : vector<800x128xf32>
    %dot_general3A_133 = tpu.matmul %convert_element_type3A_12, %get3A_131, %dot_general3A_132 {dimension_numbers = #tpu.dot_dimension_numbers<[1], [0], [0], [1], [0, 0, 1, 1], [], []>, transpose_lhs_hint = false} : vector<800x128xbf16>, vector<128x128xbf16>, vector<800x128xf32> -> vector<800x128xf32>
    %get3A_134 = arith.constant 7 : index
    %get3A_135 = arith.constant 0 : index
    %get3A_136 = arith.constant 0 : index
    %get3A_137 = vector.load %arg5[%get3A_134, %get3A_135, %get3A_136] : memref<16x128x128xbf16, #tpu.memory_space<vmem>>, vector<1x128x128xbf16>
    %get3A_138 = vector.shape_cast %get3A_137 : vector<1x128x128xbf16> to vector<128x128xbf16>
    %dot_general3A_139 = arith.constant dense<0.000000e+00> : vector<800x128xf32>
    %dot_general3A_140 = tpu.matmul %convert_element_type3A_16, %get3A_138, %dot_general3A_139 {dimension_numbers = #tpu.dot_dimension_numbers<[1], [0], [0], [1], [0, 0, 1, 1], [], []>, transpose_lhs_hint = false} : vector<800x128xbf16>, vector<128x128xbf16>, vector<800x128xf32> -> vector<800x128xf32>
    %mul3A_141 = arith.mulf %dot_general3A_133, %dot_general3A_140 : vector<800x128xf32>
    %add3A_142 = arith.addf %add3A_126, %mul3A_141 : vector<800x128xf32>
    %get3A_143 = arith.constant 8 : index
    %get3A_144 = arith.constant 0 : index
    %get3A_145 = arith.constant 0 : index
    %get3A_146 = vector.load %arg6[%get3A_143, %get3A_144, %get3A_145] : memref<16x128x128xbf16, #tpu.memory_space<vmem>>, vector<1x128x128xbf16>
    %get3A_147 = vector.shape_cast %get3A_146 : vector<1x128x128xbf16> to vector<128x128xbf16>
    %dot_general3A_148 = arith.constant dense<0.000000e+00> : vector<800x128xf32>
    %dot_general3A_149 = tpu.matmul %convert_element_type3A_12, %get3A_147, %dot_general3A_148 {dimension_numbers = #tpu.dot_dimension_numbers<[1], [0], [0], [1], [0, 0, 1, 1], [], []>, transpose_lhs_hint = false} : vector<800x128xbf16>, vector<128x128xbf16>, vector<800x128xf32> -> vector<800x128xf32>
    %get3A_150 = arith.constant 8 : index
    %get3A_151 = arith.constant 0 : index
    %get3A_152 = arith.constant 0 : index
    %get3A_153 = vector.load %arg5[%get3A_150, %get3A_151, %get3A_152] : memref<16x128x128xbf16, #tpu.memory_space<vmem>>, vector<1x128x128xbf16>
    %get3A_154 = vector.shape_cast %get3A_153 : vector<1x128x128xbf16> to vector<128x128xbf16>
    %dot_general3A_155 = arith.constant dense<0.000000e+00> : vector<800x128xf32>
    %dot_general3A_156 = tpu.matmul %convert_element_type3A_16, %get3A_154, %dot_general3A_155 {dimension_numbers = #tpu.dot_dimension_numbers<[1], [0], [0], [1], [0, 0, 1, 1], [], []>, transpose_lhs_hint = false} : vector<800x128xbf16>, vector<128x128xbf16>, vector<800x128xf32> -> vector<800x128xf32>
    %mul3A_157 = arith.mulf %dot_general3A_149, %dot_general3A_156 : vector<800x128xf32>
    %add3A_158 = arith.addf %add3A_142, %mul3A_157 : vector<800x128xf32>
    %get3A_159 = arith.constant 9 : index
    %get3A_160 = arith.constant 0 : index
    %get3A_161 = arith.constant 0 : index
    %get3A_162 = vector.load %arg6[%get3A_159, %get3A_160, %get3A_161] : memref<16x128x128xbf16, #tpu.memory_space<vmem>>, vector<1x128x128xbf16>
    %get3A_163 = vector.shape_cast %get3A_162 : vector<1x128x128xbf16> to vector<128x128xbf16>
    %dot_general3A_164 = arith.constant dense<0.000000e+00> : vector<800x128xf32>
    %dot_general3A_165 = tpu.matmul %convert_element_type3A_12, %get3A_163, %dot_general3A_164 {dimension_numbers = #tpu.dot_dimension_numbers<[1], [0], [0], [1], [0, 0, 1, 1], [], []>, transpose_lhs_hint = false} : vector<800x128xbf16>, vector<128x128xbf16>, vector<800x128xf32> -> vector<800x128xf32>
    %get3A_166 = arith.constant 9 : index
    %get3A_167 = arith.constant 0 : index
    %get3A_168 = arith.constant 0 : index
    %get3A_169 = vector.load %arg5[%get3A_166, %get3A_167, %get3A_168] : memref<16x128x128xbf16, #tpu.memory_space<vmem>>, vector<1x128x128xbf16>
    %get3A_170 = vector.shape_cast %get3A_169 : vector<1x128x128xbf16> to vector<128x128xbf16>
    %dot_general3A_171 = arith.constant dense<0.000000e+00> : vector<800x128xf32>
    %dot_general3A_172 = tpu.matmul %convert_element_type3A_16, %get3A_170, %dot_general3A_171 {dimension_numbers = #tpu.dot_dimension_numbers<[1], [0], [0], [1], [0, 0, 1, 1], [], []>, transpose_lhs_hint = false} : vector<800x128xbf16>, vector<128x128xbf16>, vector<800x128xf32> -> vector<800x128xf32>
    %mul3A_173 = arith.mulf %dot_general3A_165, %dot_general3A_172 : vector<800x128xf32>
    %add3A_174 = arith.addf %add3A_158, %mul3A_173 : vector<800x128xf32>
    %get3A_175 = arith.constant 10 : index
    %get3A_176 = arith.constant 0 : index
    %get3A_177 = arith.constant 0 : index
    %get3A_178 = vector.load %arg6[%get3A_175, %get3A_176, %get3A_177] : memref<16x128x128xbf16, #tpu.memory_space<vmem>>, vector<1x128x128xbf16>
    %get3A_179 = vector.shape_cast %get3A_178 : vector<1x128x128xbf16> to vector<128x128xbf16>
    %dot_general3A_180 = arith.constant dense<0.000000e+00> : vector<800x128xf32>
    %dot_general3A_181 = tpu.matmul %convert_element_type3A_12, %get3A_179, %dot_general3A_180 {dimension_numbers = #tpu.dot_dimension_numbers<[1], [0], [0], [1], [0, 0, 1, 1], [], []>, transpose_lhs_hint = false} : vector<800x128xbf16>, vector<128x128xbf16>, vector<800x128xf32> -> vector<800x128xf32>
    %get3A_182 = arith.constant 10 : index
    %get3A_183 = arith.constant 0 : index
    %get3A_184 = arith.constant 0 : index
    %get3A_185 = vector.load %arg5[%get3A_182, %get3A_183, %get3A_184] : memref<16x128x128xbf16, #tpu.memory_space<vmem>>, vector<1x128x128xbf16>
    %get3A_186 = vector.shape_cast %get3A_185 : vector<1x128x128xbf16> to vector<128x128xbf16>
    %dot_general3A_187 = arith.constant dense<0.000000e+00> : vector<800x128xf32>
    %dot_general3A_188 = tpu.matmul %convert_element_type3A_16, %get3A_186, %dot_general3A_187 {dimension_numbers = #tpu.dot_dimension_numbers<[1], [0], [0], [1], [0, 0, 1, 1], [], []>, transpose_lhs_hint = false} : vector<800x128xbf16>, vector<128x128xbf16>, vector<800x128xf32> -> vector<800x128xf32>
    %mul3A_189 = arith.mulf %dot_general3A_181, %dot_general3A_188 : vector<800x128xf32>
    %add3A_190 = arith.addf %add3A_174, %mul3A_189 : vector<800x128xf32>
    %get3A_191 = arith.constant 11 : index
    %get3A_192 = arith.constant 0 : index
    %get3A_193 = arith.constant 0 : index
    %get3A_194 = vector.load %arg6[%get3A_191, %get3A_192, %get3A_193] : memref<16x128x128xbf16, #tpu.memory_space<vmem>>, vector<1x128x128xbf16>
    %get3A_195 = vector.shape_cast %get3A_194 : vector<1x128x128xbf16> to vector<128x128xbf16>
    %dot_general3A_196 = arith.constant dense<0.000000e+00> : vector<800x128xf32>
    %dot_general3A_197 = tpu.matmul %convert_element_type3A_12, %get3A_195, %dot_general3A_196 {dimension_numbers = #tpu.dot_dimension_numbers<[1], [0], [0], [1], [0, 0, 1, 1], [], []>, transpose_lhs_hint = false} : vector<800x128xbf16>, vector<128x128xbf16>, vector<800x128xf32> -> vector<800x128xf32>
    %get3A_198 = arith.constant 11 : index
    %get3A_199 = arith.constant 0 : index
    %get3A_200 = arith.constant 0 : index
    %get3A_201 = vector.load %arg5[%get3A_198, %get3A_199, %get3A_200] : memref<16x128x128xbf16, #tpu.memory_space<vmem>>, vector<1x128x128xbf16>
    %get3A_202 = vector.shape_cast %get3A_201 : vector<1x128x128xbf16> to vector<128x128xbf16>
    %dot_general3A_203 = arith.constant dense<0.000000e+00> : vector<800x128xf32>
    %dot_general3A_204 = tpu.matmul %convert_element_type3A_16, %get3A_202, %dot_general3A_203 {dimension_numbers = #tpu.dot_dimension_numbers<[1], [0], [0], [1], [0, 0, 1, 1], [], []>, transpose_lhs_hint = false} : vector<800x128xbf16>, vector<128x128xbf16>, vector<800x128xf32> -> vector<800x128xf32>
    %mul3A_205 = arith.mulf %dot_general3A_197, %dot_general3A_204 : vector<800x128xf32>
    %add3A_206 = arith.addf %add3A_190, %mul3A_205 : vector<800x128xf32>
    %get3A_207 = arith.constant 12 : index
    %get3A_208 = arith.constant 0 : index
    %get3A_209 = arith.constant 0 : index
    %get3A_210 = vector.load %arg6[%get3A_207, %get3A_208, %get3A_209] : memref<16x128x128xbf16, #tpu.memory_space<vmem>>, vector<1x128x128xbf16>
    %get3A_211 = vector.shape_cast %get3A_210 : vector<1x128x128xbf16> to vector<128x128xbf16>
    %dot_general3A_212 = arith.constant dense<0.000000e+00> : vector<800x128xf32>
    %dot_general3A_213 = tpu.matmul %convert_element_type3A_12, %get3A_211, %dot_general3A_212 {dimension_numbers = #tpu.dot_dimension_numbers<[1], [0], [0], [1], [0, 0, 1, 1], [], []>, transpose_lhs_hint = false} : vector<800x128xbf16>, vector<128x128xbf16>, vector<800x128xf32> -> vector<800x128xf32>
    %get3A_214 = arith.constant 12 : index
    %get3A_215 = arith.constant 0 : index
    %get3A_216 = arith.constant 0 : index
    %get3A_217 = vector.load %arg5[%get3A_214, %get3A_215, %get3A_216] : memref<16x128x128xbf16, #tpu.memory_space<vmem>>, vector<1x128x128xbf16>
    %get3A_218 = vector.shape_cast %get3A_217 : vector<1x128x128xbf16> to vector<128x128xbf16>
    %dot_general3A_219 = arith.constant dense<0.000000e+00> : vector<800x128xf32>
    %dot_general3A_220 = tpu.matmul %convert_element_type3A_16, %get3A_218, %dot_general3A_219 {dimension_numbers = #tpu.dot_dimension_numbers<[1], [0], [0], [1], [0, 0, 1, 1], [], []>, transpose_lhs_hint = false} : vector<800x128xbf16>, vector<128x128xbf16>, vector<800x128xf32> -> vector<800x128xf32>
    %mul3A_221 = arith.mulf %dot_general3A_213, %dot_general3A_220 : vector<800x128xf32>
    %add3A_222 = arith.addf %add3A_206, %mul3A_221 : vector<800x128xf32>
    %get3A_223 = arith.constant 13 : index
    %get3A_224 = arith.constant 0 : index
    %get3A_225 = arith.constant 0 : index
    %get3A_226 = vector.load %arg6[%get3A_223, %get3A_224, %get3A_225] : memref<16x128x128xbf16, #tpu.memory_space<vmem>>, vector<1x128x128xbf16>
    %get3A_227 = vector.shape_cast %get3A_226 : vector<1x128x128xbf16> to vector<128x128xbf16>
    %dot_general3A_228 = arith.constant dense<0.000000e+00> : vector<800x128xf32>
    %dot_general3A_229 = tpu.matmul %convert_element_type3A_12, %get3A_227, %dot_general3A_228 {dimension_numbers = #tpu.dot_dimension_numbers<[1], [0], [0], [1], [0, 0, 1, 1], [], []>, transpose_lhs_hint = false} : vector<800x128xbf16>, vector<128x128xbf16>, vector<800x128xf32> -> vector<800x128xf32>
    %get3A_230 = arith.constant 13 : index
    %get3A_231 = arith.constant 0 : index
    %get3A_232 = arith.constant 0 : index
    %get3A_233 = vector.load %arg5[%get3A_230, %get3A_231, %get3A_232] : memref<16x128x128xbf16, #tpu.memory_space<vmem>>, vector<1x128x128xbf16>
    %get3A_234 = vector.shape_cast %get3A_233 : vector<1x128x128xbf16> to vector<128x128xbf16>
    %dot_general3A_235 = arith.constant dense<0.000000e+00> : vector<800x128xf32>
    %dot_general3A_236 = tpu.matmul %convert_element_type3A_16, %get3A_234, %dot_general3A_235 {dimension_numbers = #tpu.dot_dimension_numbers<[1], [0], [0], [1], [0, 0, 1, 1], [], []>, transpose_lhs_hint = false} : vector<800x128xbf16>, vector<128x128xbf16>, vector<800x128xf32> -> vector<800x128xf32>
    %mul3A_237 = arith.mulf %dot_general3A_229, %dot_general3A_236 : vector<800x128xf32>
    %add3A_238 = arith.addf %add3A_222, %mul3A_237 : vector<800x128xf32>
    %get3A_239 = arith.constant 14 : index
    %get3A_240 = arith.constant 0 : index
    %get3A_241 = arith.constant 0 : index
    %get3A_242 = vector.load %arg6[%get3A_239, %get3A_240, %get3A_241] : memref<16x128x128xbf16, #tpu.memory_space<vmem>>, vector<1x128x128xbf16>
    %get3A_243 = vector.shape_cast %get3A_242 : vector<1x128x128xbf16> to vector<128x128xbf16>
    %dot_general3A_244 = arith.constant dense<0.000000e+00> : vector<800x128xf32>
    %dot_general3A_245 = tpu.matmul %convert_element_type3A_12, %get3A_243, %dot_general3A_244 {dimension_numbers = #tpu.dot_dimension_numbers<[1], [0], [0], [1], [0, 0, 1, 1], [], []>, transpose_lhs_hint = false} : vector<800x128xbf16>, vector<128x128xbf16>, vector<800x128xf32> -> vector<800x128xf32>
    %get3A_246 = arith.constant 14 : index
    %get3A_247 = arith.constant 0 : index
    %get3A_248 = arith.constant 0 : index
    %get3A_249 = vector.load %arg5[%get3A_246, %get3A_247, %get3A_248] : memref<16x128x128xbf16, #tpu.memory_space<vmem>>, vector<1x128x128xbf16>
    %get3A_250 = vector.shape_cast %get3A_249 : vector<1x128x128xbf16> to vector<128x128xbf16>
    %dot_general3A_251 = arith.constant dense<0.000000e+00> : vector<800x128xf32>
    %dot_general3A_252 = tpu.matmul %convert_element_type3A_16, %get3A_250, %dot_general3A_251 {dimension_numbers = #tpu.dot_dimension_numbers<[1], [0], [0], [1], [0, 0, 1, 1], [], []>, transpose_lhs_hint = false} : vector<800x128xbf16>, vector<128x128xbf16>, vector<800x128xf32> -> vector<800x128xf32>
    %mul3A_253 = arith.mulf %dot_general3A_245, %dot_general3A_252 : vector<800x128xf32>
    %add3A_254 = arith.addf %add3A_238, %mul3A_253 : vector<800x128xf32>
    %get3A_255 = arith.constant 15 : index
    %get3A_256 = arith.constant 0 : index
    %get3A_257 = arith.constant 0 : index
    %get3A_258 = vector.load %arg6[%get3A_255, %get3A_256, %get3A_257] : memref<16x128x128xbf16, #tpu.memory_space<vmem>>, vector<1x128x128xbf16>
    %get3A_259 = vector.shape_cast %get3A_258 : vector<1x128x128xbf16> to vector<128x128xbf16>
    %dot_general3A_260 = arith.constant dense<0.000000e+00> : vector<800x128xf32>
    %dot_general3A_261 = tpu.matmul %convert_element_type3A_12, %get3A_259, %dot_general3A_260 {dimension_numbers = #tpu.dot_dimension_numbers<[1], [0], [0], [1], [0, 0, 1, 1], [], []>, transpose_lhs_hint = false} : vector<800x128xbf16>, vector<128x128xbf16>, vector<800x128xf32> -> vector<800x128xf32>
    %get3A_262 = arith.constant 15 : index
    %get3A_263 = arith.constant 0 : index
    %get3A_264 = arith.constant 0 : index
    %get3A_265 = vector.load %arg5[%get3A_262, %get3A_263, %get3A_264] : memref<16x128x128xbf16, #tpu.memory_space<vmem>>, vector<1x128x128xbf16>
    %get3A_266 = vector.shape_cast %get3A_265 : vector<1x128x128xbf16> to vector<128x128xbf16>
    %dot_general3A_267 = arith.constant dense<0.000000e+00> : vector<800x128xf32>
    %dot_general3A_268 = tpu.matmul %convert_element_type3A_16, %get3A_266, %dot_general3A_267 {dimension_numbers = #tpu.dot_dimension_numbers<[1], [0], [0], [1], [0, 0, 1, 1], [], []>, transpose_lhs_hint = false} : vector<800x128xbf16>, vector<128x128xbf16>, vector<800x128xf32> -> vector<800x128xf32>
    %mul3A_269 = arith.mulf %dot_general3A_261, %dot_general3A_268 : vector<800x128xf32>
    %add3A_270 = arith.addf %add3A_254, %mul3A_269 : vector<800x128xf32>
    %swap3A = arith.constant 0 : index
    %swap3A_271 = arith.constant 0 : index
    %swap3A_272 = vector.load %arg7[%swap3A, %swap3A_271] : memref<800x128xf32, #tpu.memory_space<vmem>>, vector<800x128xf32>
    tpu.vector_store %arg7[%swap3A, %swap3A_271], %add3A_270 {strides = array<i32>} : memref<800x128xf32, #tpu.memory_space<vmem>>, vector<800x128xf32>,
    return
  }
  func.func @transform_0(%arg0: i32) -> (i32, i32) {
    %c0_i32 = arith.constant 0 : i32
    %c0_i32_0 = arith.constant 0 : i32
    return %arg0, %c0_i32 : i32, i32
  }
  func.func @transform_1(%arg0: i32) -> (i32, i32) {
    %c0_i32 = arith.constant 0 : i32
    %c0_i32_0 = arith.constant 0 : i32
    return %arg0, %c0_i32 : i32, i32
  }
  func.func @transform_2(%arg0: i32) -> (i32, i32) {
    %c0_i32 = arith.constant 0 : i32
    %c0_i32_0 = arith.constant 0 : i32
    %c0_i32_1 = arith.constant 0 : i32
    return %c0_i32, %c0_i32_0 : i32, i32
  }
  func.func @transform_3(%arg0: i32) -> (i32, i32) {
    %c0_i32 = arith.constant 0 : i32
    %c0_i32_0 = arith.constant 0 : i32
    %c0_i32_1 = arith.constant 0 : i32
    return %c0_i32, %c0_i32_0 : i32, i32
  }
  func.func @transform_4(%arg0: i32) -> (i32, i32, i32) {
    %c0_i32 = arith.constant 0 : i32
    %c0_i32_0 = arith.constant 0 : i32
    %c0_i32_1 = arith.constant 0 : i32
    %c0_i32_2 = arith.constant 0 : i32
    return %c0_i32, %c0_i32_0, %c0_i32_1 : i32, i32, i32
  }
  func.func @transform_5(%arg0: i32) -> (i32, i32, i32) {
    %c0_i32 = arith.constant 0 : i32
    %c0_i32_0 = arith.constant 0 : i32
    %c0_i32_1 = arith.constant 0 : i32
    %c0_i32_2 = arith.constant 0 : i32
    return %c0_i32, %c0_i32_0, %c0_i32_1 : i32, i32, i32
  }
  func.func @transform_6(%arg0: i32) -> (i32, i32) {
    %c0_i32 = arith.constant 0 : i32
    %c0_i32_0 = arith.constant 0 : i32
    return %arg0, %c0_i32 : i32, i32
  }
}

module attributes {stable_mosaic.version = 14 : i64} {
  func.func @_combine_body(%arg0: memref<2x1250x128xf32, #tpu.memory_space<vmem>>, %arg1: memref<1250x128xf32, #tpu.memory_space<vmem>>) attributes {dimension_semantics = [], scalar_prefetch = 0 : i64, scratch_operands = 0 : i64, tpu.core_type = #tpu.core_type<tc>} {
    %get3A = arith.constant 0 : index
    %get3A_0 = arith.constant 0 : index
    %get3A_1 = arith.constant 0 : index
    %get3A_2 = vector.load %arg0[%get3A, %get3A_0, %get3A_1] : memref<2x1250x128xf32, #tpu.memory_space<vmem>>, vector<1x1250x128xf32>
    %get3A_3 = vector.shape_cast %get3A_2 : vector<1x1250x128xf32> to vector<1250x128xf32>
    %get3A_4 = arith.constant 1 : index
    %get3A_5 = arith.constant 0 : index
    %get3A_6 = arith.constant 0 : index
    %get3A_7 = vector.load %arg0[%get3A_4, %get3A_5, %get3A_6] : memref<2x1250x128xf32, #tpu.memory_space<vmem>>, vector<1x1250x128xf32>
    %get3A_8 = vector.shape_cast %get3A_7 : vector<1x1250x128xf32> to vector<1250x128xf32>
    %add3A = arith.addf %get3A_3, %get3A_8 : vector<1250x128xf32>
    %swap3A = arith.constant 0 : index
    %swap3A_9 = arith.constant 0 : index
    %swap3A_10 = vector.load %arg1[%swap3A, %swap3A_9] : memref<1250x128xf32, #tpu.memory_space<vmem>>, vector<1250x128xf32>
    tpu.vector_store %arg1[%swap3A, %swap3A_9], %add3A {strides = array<i32>} : memref<1250x128xf32, #tpu.memory_space<vmem>>, vector<1250x128xf32>,
    return
  }
}

</mosaic_0001>

<sc_bundles>
// kernel: kernel.6.cloned.1.call-start
scs
__scs_entry_jumppad:
0x0: {  	(pc) =	sbr.rel $0x88, $3  }
0x1: {  	(tag) =	ssettag $0x0;
	lr =	simm.s32 $0x1  }
0x2: {  	[smem:$0x3F9A] =	sst lr;
	_ =	strace $0xD0000000  }
0x3: {  	_ = 	snop  }
0x4: {  	_ = 	snop  }
0x5: {  	_ = 	snop  }
0x6: {  	_ = 	snop  }
0x7: {  	_ = 	snop  }
__scs_overlays_trampoline_lowered:
0x8: {  	[smem:$0x3FA9] =	sst s0  }
0x9: {  	[smem:$0x3FAA] =	sst s1  }
0xa: {  	[smem:$0x3FAB] =	sst s2  }
0xb: {  	[smem:$0x3FAC] =	sst s3  }
0xc: {  	[smem:$0x3FAD] =	sst s4  }
0xd: {  	[smem:$0x3FAE] =	sst s5  }
0xe: {  	[smem:$0x3FAF] =	sst s6  }
0xf: {  	[smem:$0x3FB0] =	sst s7  }
0x10: {  	[smem:$0x3FB1] =	sst s8  }
0x11: {  	[smem:$0x3FB2] =	sst s9;
	s0 =	simm.s32 @!p0 $0x0  }
0x12: {  	s1 =	sld [smem:$0x3F98];
	s0 =	simm.s32 @p0 $0x1  }
0x13: {  	[smem:$0x3FB3] =	sst s0;
	s0 =	simm.s32 @!p1 $0x0  }
0x14: {  	s2 =	sld [smem:$0x3F97];
	s0 =	simm.s32 @p1 $0x1  }
0x15: {  	[smem:$0x3FB4] =	sst s0;
	s0 =	simm.s32 @!p2 $0x0  }
0x16: {  	s3 =	sld [smem:$0x3FDB];
	s0 =	simm.s32 @p2 $0x1  }
0x17: {  	s4 =	simm.s32 $0x1BF5;
	[smem:$0x3FB6] =	sst s0  }
0x18: {  	s0 =	sld [smem:$0x3F99];
	_ =	swait.ge [sflag:s4], $0x0  }
0x19: {  	s7 =	sld [smem:$0x3F9A]  }
0x1a: {  	s8 =	sadd.s32 $0xFFFFE003, lr  }
0x1b: {  	s9 =	sadd.s32 $0xFFFFFEF7, lr;
	s5 =	simm.s32 $0xFFFFFFFF;
	p2 =	slt.u32 s8, $0xFFFFF086  }
0x1c: {  	p1 =	slt.u32 s9, $0xF7A;
	s5 =	simm.s32 @!p2 $0x0  }
0x1d: {  	s5 =	simm.s32 @p1 $0x1;
	p0 =	seq.s32 s7, s2  }
0x1e: {  	s7 =	smul.u32 @!p0 $0xF7A, s2;
	p2 =	seq.s32 @!p0 s5, $0x0  }
0x1f: {  	s9 =	smul.u32 $0xF7A, s1;
	s8 =	simm.s32 @!p0 $0x1BF5;
	p2 =	por !p2, p0  }
0x20: {  	[sflag:s8] =	ssyncset.s32 @!p0 $0xFFFFF086;
	s6 =	sadd.s32 @!p0 s3, s7;
	s7 =	simm.s32 @!p0 $0x108  }
0x21: {  	s3 =	sadd.s32 s3, s9;
	s6 =	sadd.s32 @!p0 $0x88, s6;
	s7 =	simm.s32 @p2 $0x1082  }
0x22: {  	[simem:s7], [sflag:s8] =	dma.local @!p0 [hbm:s6], $0xF7A  }
0x23: {  	s9 =	sor.u32 $0xD0000000, s2;
	s6 =	simm.s32 $0x108;
	_ =	swait.ge @!p0 [sflag:s8], $0x0  }
0x24: {  	s3 =	sadd.s32 $0x88, s3;
	s6 =	simm.s32 @!p1 $0x1082;
	[sflag:s4] =	ssyncset.s32 $0xFFFFF086  }
0x25: {  	[simem:s6], [sflag:s4] =	dma.local [hbm:s3], $0xF7A  }
0x26: {  	[smem:$0x3F9A] =	sst s1;
	(tag) =	ssettag s2;
	_ =	strace s9  }
0x27: {  	s1 =	sld [smem:$0x3FAA]  }
0x28: {  	s2 =	sld [smem:$0x3FAB]  }
0x29: {  	s4 =	sld [smem:$0x3FAD]  }
0x2a: {  	p0 =	seq.s32 s5, $0x0;
	s5 =	sld [smem:$0x3FAE]  }
0x2b: {  	s6 =	sld [smem:$0x3FAF]  }
0x2c: {  	s7 =	sld [smem:$0x3FB0]  }
0x2d: {  	s3 =	simm.s32 $0x108;
	s8 =	sld [smem:$0x3FB1]  }
0x2e: {  	s3 =	simm.s32 @!p0 $0x1082;
	s9 =	sld [smem:$0x3FB2]  }
0x2f: {  	lr =	sadd.s32 s0, s3;
	s0 =	sld [smem:$0x3FA9]  }
0x30: {  	s3 =	sld [smem:$0x3FAC]  }
0x31: {  	[smem:$0x3FB5] =	sst s10  }
0x32: {  	s10 =	sld [smem:$0x3FB3];
	_ =	sdelay $0x3  }
0x33: {  	p0 =	seq.s32 s10, $0x1;
	s10 =	sld [smem:$0x3FB5];
	_ =	sdelay $0x3  }
0x34: {  	[smem:$0x3FB5] =	sst s10  }
0x35: {  	s10 =	sld [smem:$0x3FB4];
	_ =	sdelay $0x3  }
0x36: {  	p1 =	seq.s32 s10, $0x1;
	s10 =	sld [smem:$0x3FB5];
	_ =	sdelay $0x3  }
0x37: {  	[smem:$0x3FB5] =	sst s10  }
0x38: {  	s10 =	sld [smem:$0x3FB6]  }
0x39: {  	_ = 	snop;
	(pc) =	sbr.ind lr, $3  }
0x3a: {  	_ = 	snop  }
0x3b: {  	_ = 	snop  }
0x3c: {  	p2 =	seq.s32 s10, $0x1;
	s10 =	sld [smem:$0x3FB5]  }
0x3d: {  	_ =	shalt  }
0x3e: {  	_ =	shalt  }
0x3f: {  	_ =	shalt  }
0x40: {  	_ =	shalt  }
0x41: {  	_ =	shalt  }
0x42: {  	_ =	shalt  }
0x43: {  	_ =	shalt  }
0x44: {  	_ =	shalt  }
0x45: {  	_ =	shalt  }
0x46: {  	_ =	shalt  }
0x47: {  	_ =	shalt  }
0x48: {  	_ =	shalt  }
0x49: {  	_ =	shalt  }
0x4a: {  	_ =	shalt  }
0x4b: {  	_ =	shalt  }
0x4c: {  	_ =	shalt  }
0x4d: {  	_ =	shalt  }
0x4e: {  	_ =	shalt  }
0x4f: {  	_ =	shalt  }
0x50: {  	_ =	shalt  }
0x51: {  	_ =	shalt  }
0x52: {  	_ =	shalt  }
0x53: {  	_ =	shalt  }
0x54: {  	_ =	shalt  }
0x55: {  	_ =	shalt  }
0x56: {  	_ =	shalt  }
0x57: {  	_ =	shalt  }
0x58: {  	_ =	shalt  }
0x59: {  	_ =	shalt  }
0x5a: {  	_ =	shalt  }
0x5b: {  	_ =	shalt  }
0x5c: {  	_ =	shalt  }
0x5d: {  	_ =	shalt  }
0x5e: {  	_ =	shalt  }
0x5f: {  	_ =	shalt  }
0x60: {  	_ =	shalt  }
0x61: {  	_ =	shalt  }
0x62: {  	_ =	shalt  }
0x63: {  	_ =	shalt  }
0x64: {  	_ =	shalt  }
0x65: {  	_ =	shalt  }
0x66: {  	_ =	shalt  }
0x67: {  	_ =	shalt  }
0x68: {  	_ =	shalt  }
0x69: {  	_ =	shalt  }
0x6a: {  	_ =	shalt  }
0x6b: {  	_ =	shalt  }
0x6c: {  	_ =	shalt  }
0x6d: {  	_ =	shalt  }
0x6e: {  	_ =	shalt  }
0x6f: {  	_ =	shalt  }
0x70: {  	_ =	shalt  }
0x71: {  	_ =	shalt  }
0x72: {  	_ =	shalt  }
0x73: {  	_ =	shalt  }
0x74: {  	_ =	shalt  }
0x75: {  	_ =	shalt  }
0x76: {  	_ =	shalt  }
0x77: {  	_ =	shalt  }
0x78: {  	_ =	shalt  }
0x79: {  	_ =	shalt  }
0x7a: {  	_ =	shalt  }
0x7b: {  	_ =	shalt  }
0x7c: {  	_ =	shalt  }
0x7d: {  	_ =	shalt  }
0x7e: {  	_ =	shalt  }
0x7f: {  	_ =	shalt  }
0x80: {  	_ =	shalt  }
0x81: {  	_ =	shalt  }
0x82: {  	_ =	shalt  }
0x83: {  	_ =	shalt  }
0x84: {  	_ =	shalt  }
0x85: {  	_ =	shalt  }
0x86: {  	_ =	shalt  }
0x87: {  	_ =	shalt  }
.Lfunc_end0:
.L_simem_size_0:
called_computation_lowered:
.L_overlay_start_0:
0x88: {  	s2 =	sld [smem:$0x3FD9]  }
0x89: {  	s3 =	sld [smem:$0x3FFE];
	_ =	sdelay $0x1  }
0x8a: {  	s1 =	srdreg.scid  }
0x8b: {  	s0 =	sand.u32 $0x1, s1  }
0x8c: {  	s17 =	sshll.u32 s0, $0xA;
	s2 =	sadd.s32 s3, s2  }
0x8d: {  	s2 =	sadd.s32 s2, s17  }
0x8e: {  	[smem:$0x3FC1] =	sst s2  }
0x8f: {  	_ = 	snop  }
0x90: {  	s2 =	sld [smem:$0x3FC6]  }
0x91: {  	s18 =	sld [smem:$0x3FD0];
	(tm) =	ssettm $0x1  }
0x92: {  	s4 =	sld [smem:$0x3FFB];
	_ =	sdelay $0x3  }
0x93: {  	_ =	strace s4  }
0x94: {  	s4 =	sld [smem:$0x3FFC];
	_ =	sdelay $0x3  }
0x95: {  	_ =	strace s4  }
0x96: {  	s4 =	sld [smem:$0x3FFD];
	_ =	sdelay $0x3  }
0x97: {  	_ =	strace s4  }
0x98: {  	_ =	strace $0x8FFFFFFF  }
0x99: {  	s19 =	sld [smem:$0x3FDB];
	_ =	sdelay $0x1  }
0x9a: {  	s5 =	simm.s32 $_scs_section_size  }
0x9b: {  	s6 =	simm.s32 $_size__tile_overlayer_lowered;
	s7 =	simm.s32 $_tile_overlayer_lowered  }
0x9c: {  	s22 =	simm.s32 $0x1BFF;
	s21 =	sshll.u32 s7, $0x1;
	s4 =	sadd.s32 s5, s19  }
0x9d: {  	s8 =	simm.s32 $0x0;
	s20 =	sshll.u32 s6, $0x1;
	s6 =	sadd.s32 s21, s4  }
0x9e: {  	[timem:s8], [sflag:s22] =	dma.local [hbm:s6], s20  }
0x9f: {  	_ =	swait.ge [sflag:s22], s20  }
0xa0: {  	s5 =	ssub.s32 $0x0, s20;
	[sflag:s22] =	ssyncset.done $0x0  }
0xa1: {  	[sflag:s22] =	ssyncadd.s32 s5;
	_ =	sdelay $0x1  }
0xa2: {  	s23 =	simm.s32 $0x1B8B  }
0xa3: {  	_ =	swait.ge [sflag:s23], $0x1  }
0xa4: {  	[sflag:s23] =	ssyncset.done $0x0  }
0xa5: {  	s25 =	simm.s32 $0x1B8E;
	s24 =	sld [smem:$0x3FFE];
	[sflag:s23] =	ssyncadd.s32 $0xFFFFFFFF  }
0xa6: {  	s26 =	simm.s32 $execute0_lowered;
	[smem:$0x3FD2] =	sst s25  }
0xa7: {  	s6 =	sshll.u32 s26, $0x1;
	_ =	strace $0x80000046;
	[dreg:$0x1] =	wrdreg $0xFFFFFFFF  }
0xa8: {  	s28 =	simm.s32 $_size_execute0_lowered;
	s4 =	sadd.s32 s4, s6;
	[dreg:$0x0] =	wrdreg $0x0  }
0xa9: {  	s6 =	sshll.u32 s28, $0x1;
	[dreg:$0x2] =	wrdreg s4  }
0xaa: {  	[dreg:$0x3] =	wrdreg s6  }
0xab: {  	[dreg:$0x4] =	wrdreg $0xC0  }
0xac: {  	_ =	task [dreg:s8], $0x5FFFF  }
0xad: {  	[dreg:$0x1] =	wrdreg $0xFFFFFFFF  }
0xae: {  	[dreg:$0x0] =	wrdreg $0x60  }
0xaf: {  	[dreg:$0x2] =	wrdreg s18  }
0xb0: {  	[dreg:$0x3] =	wrdreg s2  }
0xb1: {  	[dreg:$0x4] =	wrdreg s24  }
0xb2: {  	[dreg:$0x5] =	wrdreg $0x9  }
0xb3: {  	_ =	task.clear_ibuf [dreg:s8], $0x6FFFF;
	_ =	strace $0x90000046  }
0xb4: {  	s29 =	simm.s32 $0x9;
	_ =	strace $0x80000048  }
0xb5: {  	_ =	swait.ge [sflag:s29], $0x1  }
0xb6: {  	[sflag:s29] =	ssyncadd.s32 $0xFFFFFFFF  }
0xb7: {  	_ =	strace $0x90000048  }
0xb8: {  	_ =	sfence  }
0xb9: {  	s30 =	sld [smem:$0x0];
	_ =	sdelay $0x2  }
0xba: {  	s31 =	sshll.u32 s1, $0xD;
	s1 =	sshrl.u32 s1, $0x2  }
0xbb: {  	s3 =	sand.u32 $0x4000, s31;
	s1 =	sadd.s32 s1, s30  }
0xbc: {  	s0 =	sor.u32 s3, s0;
	s1 =	sshll.u32 s1, $0x11  }
0xbd: {  	s0 =	sor.u32 s1, s0  }
0xbe: {  	s0 =	sadd.s32 $0x8F2B, s0  }
0xbf: {  	[sflag:s0] =	ssyncadd.remote.s32 $0x1  }
0xc0: {  	_ =	sfence.sel $0xFFFF  }
0xc1: {  	[dreg:$0x0] =	wrdreg $0xFFFFFFFF;
	(pc) =	sbr.abs _section_cstart, $3  }
0xc2: {  	[dreg:$0x1] =	wrdreg $0xFFFFFFFF  }
0xc3: {  	_ =	task.clear_ibuf [dreg:s8], $0x2FFFF;
	_ =	strace $0x9FFFFFFF  }
0xc4: {  	(tm) =	ssettm $0x7FFFFFFF  }
0xc5: {  	_ =	shalt  }
tec
execute0_lowered:
.L_overlay_start_1:
0x0: {  	(tag) =	ssettag $0x1  }
0x1: {  	s1 =	rddreg [dreg:$0x0]  }
0x2: {  	s0 =	rddreg [dreg:$0x1]  }
0x3: {  	s2 =	rddreg [dreg:$0x2];
	s3 =	simm.s32 $0x0;
	s4 =	srdreg.scid  }
0x4: {  	s26 =	stileid.u32;
	s10 =	simm.s32 $0x2;
	s11 =	simm.s32 $0x80  }
0x5: {  	s12 =	simm.s32 $0x2780;
	s13 =	simm.s32 $0x2F80;
	s14 =	simm.s32 $0x3780  }
0x6: {  	s15 =	simm.s32 $0x3F80;
	s16 =	simm.s32 $0x4780;
	s17 =	simm.s32 $0x4F80  }
0x7: {  	s18 =	simm.s32 $0x5780;
	s19 =	simm.s32 $0x5F80;
	s20 =	simm.s32 $0x6780  }
0x8: {  	s21 =	simm.s32 $0x6F80;
	s22 =	simm.s32 $0x7780;
	s23 =	simm.s32 $0x7F80  }
0x9: {  	s24 =	simm.s32 $0x8780;
	s25 =	simm.s32 $0x1;
	s28 =	simm.s32 $0x2700  }
0xa: {  	s29 =	simm.s32 $0x0;
	[smem:$0x7FF] =	sst s3;
	s5 =	sand.u32 $0x1, s4  }
0xb: {  	s6 =	sshll.u32 s26, $0x1;
	s4 =	sadd.s32 $0x4800, s2;
	p0 =	sgt.u32 s26, $0x1  }
.Ltmp0:
0xc: {  	s30 =	ssub.s32 $0x2, s5;
	s6 =	sor.u32 s5, s6;
	(pc) =	sbr.rel .LBB2_1-.Ltmp0, $4  }
0xd: {  	s26 =	simm.s32 $0x8F80;
	s7 =	sshrl.u32 s30, $0x1;
	s5 =	smul.u32 $0x4E0, s6  }
0xe: {  	_ =	strace $0x80000047;
	s6 =	sor.u32 $0x9C0, s6;
	s2 =	ssub.s32 s30, s7  }
0xf: {  	s31 =	sshll.u32 s6, $0x4;
	s8 =	sshll.u32 s6, $0x8;
	s6 =	sadd.s32 s0, s5  }
0x10: {  	s7 =	sadd.s32 s0, s31;
	s8 =	sadd.s32 s4, s8;
	s9 =	smax.u32 s2, $0x1  }
.LBB2_9:
0x11: {  	s29 =	sadd.s32 $0x1, s29  }
0x12: {  	p1 =	sne.s32 s29, s9  }
.Ltmp1:
0x13: {  	_ = 	snop;
	(pc) =	sbr.rel @!p1 .LBB2_10-.Ltmp1, $1  }
0x14: {  	_ =	sdelay $0x3  }
.LBB2_1:
0x15: {  	[tilespmem:s3], [sflag:$0x2] =	stream.linear.gather [hbm4b:s6+s3], $0x2700, $0x38;
	[tilespmem:$0xF780] =	vst v63  }
0x16: {  	_ =	swait.ge [sflag:s10], $0x2700  }
0x17: {  	[sflag:s10] =	ssyncset.done $0x0  }
0x18: {  	s30 =	simm.s32 $0x0;
	[sflag:s10] =	ssyncadd.s32 $0xFFFFD900  }
.LBB2_2:
0x19: {  	s0 =	smul.u32 $0x1A00, s30;
	_ =	sdelay $0x1  }
0x1a: {  	s0 =	sshra.s32 s0, $0x2  }
0x1b: {  	[tilespmem:s12], [sflag:$0x1] =	stream.indirect.gather [hbm4b:s1+s11], $0x10, s0, s11, $0xb8;
	[tilespmem:$0xF780] =	vst v63  }
0x1c: {  	s2 =	sadd.s32 $0x80, s0  }
0x1d: {  	[tilespmem:s13], [sflag:$0x1] =	stream.indirect.gather [hbm4b:s1+s11], $0x10, s2, s11, $0xb8;
	[tilespmem:$0xF780] =	vst v63  }
0x1e: {  	s2 =	sadd.s32 $0x100, s0  }
0x1f: {  	[tilespmem:s14], [sflag:$0x1] =	stream.indirect.gather [hbm4b:s1+s11], $0x10, s2, s11, $0xb8;
	[tilespmem:$0xF780] =	vst v63  }
0x20: {  	s2 =	sadd.s32 $0x180, s0  }
0x21: {  	[tilespmem:s15], [sflag:$0x1] =	stream.indirect.gather [hbm4b:s1+s11], $0x10, s2, s11, $0xb8;
	[tilespmem:$0xF780] =	vst v63  }
0x22: {  	s2 =	sadd.s32 $0x200, s0  }
0x23: {  	[tilespmem:s16], [sflag:$0x1] =	stream.indirect.gather [hbm4b:s1+s11], $0x10, s2, s11, $0xb8;
	[tilespmem:$0xF780] =	vst v63  }
0x24: {  	s2 =	sadd.s32 $0x280, s0  }
0x25: {  	[tilespmem:s17], [sflag:$0x1] =	stream.indirect.gather [hbm4b:s1+s11], $0x10, s2, s11, $0xb8;
	[tilespmem:$0xF780] =	vst v63  }
0x26: {  	s2 =	sadd.s32 $0x300, s0  }
0x27: {  	[tilespmem:s18], [sflag:$0x1] =	stream.indirect.gather [hbm4b:s1+s11], $0x10, s2, s11, $0xb8;
	[tilespmem:$0xF780] =	vst v63  }
0x28: {  	s2 =	sadd.s32 $0x380, s0  }
0x29: {  	[tilespmem:s19], [sflag:$0x1] =	stream.indirect.gather [hbm4b:s1+s11], $0x10, s2, s11, $0xb8;
	[tilespmem:$0xF780] =	vst v63  }
0x2a: {  	s2 =	sadd.s32 $0x400, s0  }
0x2b: {  	[tilespmem:s20], [sflag:$0x1] =	stream.indirect.gather [hbm4b:s1+s11], $0x10, s2, s11, $0xb8;
	[tilespmem:$0xF780] =	vst v63  }
0x2c: {  	s2 =	sadd.s32 $0x480, s0  }
0x2d: {  	[tilespmem:s21], [sflag:$0x1] =	stream.indirect.gather [hbm4b:s1+s11], $0x10, s2, s11, $0xb8;
	[tilespmem:$0xF780] =	vst v63  }
0x2e: {  	s2 =	sadd.s32 $0x500, s0  }
0x2f: {  	[tilespmem:s22], [sflag:$0x1] =	stream.indirect.gather [hbm4b:s1+s11], $0x10, s2, s11, $0xb8;
	[tilespmem:$0xF780] =	vst v63  }
0x30: {  	s2 =	sadd.s32 $0x580, s0  }
0x31: {  	[tilespmem:s23], [sflag:$0x1] =	stream.indirect.gather [hbm4b:s1+s11], $0x10, s2, s11, $0xb8;
	[tilespmem:$0xF780] =	vst v63  }
0x32: {  	s0 =	sadd.s32 $0x600, s0  }
0x33: {  	[tilespmem:s24], [sflag:$0x1] =	stream.indirect.gather [hbm4b:s1+s11], $0x10, s0, s11, $0xb8;
	[tilespmem:$0xF780] =	vst v63  }
0x34: {  	_ =	swait.ge [sflag:s25], $0x800  }
0x35: {  	[sflag:s25] =	ssyncset.done $0x0  }
0x36: {  	[sflag:s25] =	ssyncadd.s32 $0xFFFFF800  }
0x37: {  	_ =	swait.ge [sflag:s25], $0x800  }
0x38: {  	[sflag:s25] =	ssyncset.done $0x0  }
0x39: {  	[sflag:s25] =	ssyncadd.s32 $0xFFFFF800  }
0x3a: {  	_ =	swait.ge [sflag:s25], $0x800  }
0x3b: {  	[sflag:s25] =	ssyncset.done $0x0  }
0x3c: {  	[sflag:s25] =	ssyncadd.s32 $0xFFFFF800  }
0x3d: {  	_ =	swait.ge [sflag:s25], $0x800  }
0x3e: {  	[sflag:s25] =	ssyncset.done $0x0  }
0x3f: {  	[sflag:s25] =	ssyncadd.s32 $0xFFFFF800  }
0x40: {  	_ =	swait.ge [sflag:s25], $0x800  }
0x41: {  	[sflag:s25] =	ssyncset.done $0x0  }
0x42: {  	[sflag:s25] =	ssyncadd.s32 $0xFFFFF800  }
0x43: {  	_ =	swait.ge [sflag:s25], $0x800  }
0x44: {  	[sflag:s25] =	ssyncset.done $0x0  }
0x45: {  	[sflag:s25] =	ssyncadd.s32 $0xFFFFF800  }
0x46: {  	_ =	swait.ge [sflag:s25], $0x800  }
0x47: {  	[sflag:s25] =	ssyncset.done $0x0  }
0x48: {  	[sflag:s25] =	ssyncadd.s32 $0xFFFFF800  }
0x49: {  	_ =	swait.ge [sflag:s25], $0x800  }
0x4a: {  	[sflag:s25] =	ssyncset.done $0x0  }
0x4b: {  	[sflag:s25] =	ssyncadd.s32 $0xFFFFF800  }
0x4c: {  	_ =	swait.ge [sflag:s25], $0x800  }
0x4d: {  	[sflag:s25] =	ssyncset.done $0x0  }
0x4e: {  	[sflag:s25] =	ssyncadd.s32 $0xFFFFF800  }
0x4f: {  	_ =	swait.ge [sflag:s25], $0x800  }
0x50: {  	[sflag:s25] =	ssyncset.done $0x0  }
0x51: {  	[sflag:s25] =	ssyncadd.s32 $0xFFFFF800  }
0x52: {  	_ =	swait.ge [sflag:s25], $0x800  }
0x53: {  	[sflag:s25] =	ssyncset.done $0x0  }
0x54: {  	[sflag:s25] =	ssyncadd.s32 $0xFFFFF800  }
0x55: {  	_ =	swait.ge [sflag:s25], $0x800  }
0x56: {  	[sflag:s25] =	ssyncset.done $0x0  }
0x57: {  	[sflag:s25] =	ssyncadd.s32 $0xFFFFF800  }
0x58: {  	_ =	swait.ge [sflag:s25], $0x800  }
0x59: {  	[sflag:s25] =	ssyncset.done $0x0  }
0x5a: {  	s31 =	simm.s32 $0x0;
	[sflag:s25] =	ssyncadd.s32 $0xFFFFF800  }
0x5b: {  	v3 =	vld [tilespmem:s31+$0x27F0]  }
0x5c: {  	v4 =	vld [tilespmem:s31+$0x2780]  }
0x5d: {  	v5 =	vld [tilespmem:s31+$0x2790]  }
0x5e: {  	v2 =	vld [tilespmem:s31+$0x27A0]  }
0x5f: {  	v0 =	vld [tilespmem:s31+$0x27B0]  }
0x60: {  	v1 =	vld [tilespmem:s31+$0x27C0];
	[tilespmem:s31+$0x8FF0] =	vst v3  }
0x61: {  	[tilespmem:s31+$0x8F80] =	vst v4;
	v3 =	vld [tilespmem:s31+$0x27D0]  }
0x62: {  	s2 =	simm.s32 $0x400;
	s0 =	simm.s32 $0x80;
	[tilespmem:s31+$0x8F90] =	vst v5;
	v4 =	vld [tilespmem:s31+$0x27E0]  }
.LBB2_3:
0x63: {  	p1 =	sne.s32 s2, $0x19E00;
	v5 =	vld [tilespmem:s0+$0x27F0];
	[tilespmem:s31+$0x8FA0] =	vst v2  }
0x64: {  	v6 =	vld [tilespmem:s0+$0x2780];
	[tilespmem:s31+$0x8FB0] =	vst v0  }
0x65: {  	v7 =	vld [tilespmem:s0+$0x2790];
	[tilespmem:s31+$0x8FC0] =	vst v1  }
.Ltmp2:
0x66: {  	v2 =	vld [tilespmem:s0+$0x27A0];
	[tilespmem:s31+$0x8FD0] =	vst v3;
	(pc) =	sbr.rel @p1 .LBB2_3-.Ltmp2, $4  }
0x67: {  	v0 =	vld [tilespmem:s0+$0x27B0];
	[tilespmem:s31+$0x8FE0] =	vst v4;
	s31 =	smov.u32 s0  }
0x68: {  	v1 =	vld [tilespmem:s31+$0x27C0];
	[tilespmem:s31+$0x8FF0] =	vst v5  }
0x69: {  	[tilespmem:s31+$0x8F80] =	vst v6;
	v3 =	vld [tilespmem:s31+$0x27D0]  }
0x6a: {  	s0 =	sshra.s32 s2, $0x2;
	s2 =	sadd.s32 $0x200, s2;
	[tilespmem:s31+$0x8F90] =	vst v7;
	v4 =	vld [tilespmem:s31+$0x27E0]  }
0x6b: {  	v5 =	vld [tilespmem:s0+$0x27F0];
	[tilespmem:s31+$0x8FA0] =	vst v2  }
0x6c: {  	v2 =	vld [tilespmem:s0+$0x2780];
	[tilespmem:s31+$0x8FB0] =	vst v0  }
0x6d: {  	v0 =	vld [tilespmem:s0+$0x2790];
	[tilespmem:s31+$0x8FC0] =	vst v1  }
0x6e: {  	v1 =	vld [tilespmem:s0+$0x27A0];
	[tilespmem:s31+$0x8FD0] =	vst v3  }
0x6f: {  	v3 =	vld [tilespmem:s0+$0x27B0];
	[tilespmem:s31+$0x8FE0] =	vst v4  }
0x70: {  	v4 =	vld [tilespmem:s0+$0x27C0];
	[tilespmem:s0+$0x8FF0] =	vst v5  }
0x71: {  	v62 =	vld [tilespmem:s0+$0x27D0];
	[tilespmem:s0+$0x8F80] =	vst v2  }
0x72: {  	v63 =	vld [tilespmem:s0+$0x27E0];
	[tilespmem:s0+$0x8F90] =	vst v0  }
0x73: {  	s2 =	smul.u32 $0xD0, s30;
	[tilespmem:s0+$0x8FA0] =	vst v1  }
0x74: {  	[tilespmem:s0+$0x8FB0] =	vst v3  }
0x75: {  	s30 =	sadd.s32 $0x1, s30;
	s2 =	sadd.s32 s5, s2;
	[tilespmem:s0+$0x8FC0] =	vst v4  }
0x76: {  	p1 =	sne.s32 s30, $0x6;
	s2 =	sshll.u32 s2, $0x4;
	[tilespmem:s0+$0x8FD0] =	vst v62  }
.Ltmp3:
0x77: {  	s31 =	sadd.s32 s4, s2;
	[tilespmem:s0+$0x8FE0] =	vst v63;
	(pc) =	sbr.rel @p1 .LBB2_2-.Ltmp3, $4  }
0x78: {  	[hbm4b:s31+s3] =	stream.linear.scatter [tilespmem:s26], [sflag:$0x2], $0x6800, $0x38;
	[tilespmem:$0xF780] =	vst v63  }
0x79: {  	_ =	swait.ge [sflag:s10], $0x6800  }
0x7a: {  	[sflag:s10] =	ssyncset.done $0x0  }
0x7b: {  	[sflag:s10] =	ssyncadd.s32 $0xFFFF9800  }
.Ltmp4:
0x7c: {  	(pc) =	sbr.rel @p0 .LBB2_9-.Ltmp4, $1  }
0x7d: {  	_ =	sdelay $0x3  }
0x7e: {  	s0 =	simm.s32 $0x0  }
0x7f: {  	[tilespmem:s28], [sflag:$0x2] =	stream.linear.gather [hbm4b:s7+s0], $0x80, $0x38;
	[tilespmem:$0xF780] =	vst v63  }
0x80: {  	_ =	swait.ge [sflag:s10], $0x80  }
0x81: {  	[sflag:s10] =	ssyncset.done $0x0  }
0x82: {  	[sflag:s10] =	ssyncadd.s32 $0xFFFFFF80  }
0x83: {  	[tilespmem:s12], [sflag:$0x1] =	stream.indirect.gather [hbm4b:s1+s11], $0x10, s28, s11, $0xb8;
	[tilespmem:$0xF780] =	vst v63  }
0x84: {  	_ =	swait.ge [sflag:s25], $0x800  }
0x85: {  	[sflag:s25] =	ssyncset.done $0x0  }
0x86: {  	s30 =	simm.s32 $0x0;
	[sflag:s25] =	ssyncadd.s32 $0xFFFFF800  }
0x87: {  	v3 =	vld [tilespmem:s30+$0x27F0]  }
0x88: {  	v4 =	vld [tilespmem:s30+$0x2780]  }
0x89: {  	v5 =	vld [tilespmem:s30+$0x2790]  }
0x8a: {  	v2 =	vld [tilespmem:s30+$0x27A0]  }
0x8b: {  	v0 =	vld [tilespmem:s30+$0x27B0]  }
0x8c: {  	v1 =	vld [tilespmem:s30+$0x27C0];
	[tilespmem:s30+$0x8FF0] =	vst v3  }
0x8d: {  	[tilespmem:s30+$0x8F80] =	vst v4;
	v3 =	vld [tilespmem:s30+$0x27D0]  }
0x8e: {  	s2 =	simm.s32 $0x400;
	s0 =	simm.s32 $0x80;
	[tilespmem:s30+$0x8F90] =	vst v5;
	v4 =	vld [tilespmem:s30+$0x27E0]  }
.LBB2_7:
0x8f: {  	p1 =	sne.s32 s2, $0x1E00;
	v5 =	vld [tilespmem:s0+$0x27F0];
	[tilespmem:s30+$0x8FA0] =	vst v2  }
0x90: {  	v6 =	vld [tilespmem:s0+$0x2780];
	[tilespmem:s30+$0x8FB0] =	vst v0  }
0x91: {  	v7 =	vld [tilespmem:s0+$0x2790];
	[tilespmem:s30+$0x8FC0] =	vst v1  }
.Ltmp5:
0x92: {  	v2 =	vld [tilespmem:s0+$0x27A0];
	[tilespmem:s30+$0x8FD0] =	vst v3;
	(pc) =	sbr.rel @p1 .LBB2_7-.Ltmp5, $4  }
0x93: {  	v0 =	vld [tilespmem:s0+$0x27B0];
	[tilespmem:s30+$0x8FE0] =	vst v4;
	s30 =	smov.u32 s0  }
0x94: {  	v1 =	vld [tilespmem:s30+$0x27C0];
	[tilespmem:s30+$0x8FF0] =	vst v5  }
0x95: {  	[tilespmem:s30+$0x8F80] =	vst v6;
	v3 =	vld [tilespmem:s30+$0x27D0]  }
0x96: {  	s0 =	sshra.s32 s2, $0x2;
	s2 =	sadd.s32 $0x200, s2;
	[tilespmem:s30+$0x8F90] =	vst v7;
	v4 =	vld [tilespmem:s30+$0x27E0]  }
0x97: {  	v5 =	vld [tilespmem:s0+$0x27F0];
	[tilespmem:s30+$0x8FA0] =	vst v2  }
0x98: {  	v2 =	vld [tilespmem:s0+$0x2780];
	[tilespmem:s30+$0x8FB0] =	vst v0  }
0x99: {  	v0 =	vld [tilespmem:s0+$0x2790];
	[tilespmem:s30+$0x8FC0] =	vst v1  }
0x9a: {  	v1 =	vld [tilespmem:s0+$0x27A0];
	[tilespmem:s30+$0x8FD0] =	vst v3  }
0x9b: {  	v3 =	vld [tilespmem:s0+$0x27B0];
	[tilespmem:s30+$0x8FE0] =	vst v4  }
0x9c: {  	v4 =	vld [tilespmem:s0+$0x27C0];
	[tilespmem:s0+$0x8FF0] =	vst v5  }
0x9d: {  	v62 =	vld [tilespmem:s0+$0x27D0];
	[tilespmem:s0+$0x8F80] =	vst v2  }
0x9e: {  	v63 =	vld [tilespmem:s0+$0x27E0];
	[tilespmem:s0+$0x8F90] =	vst v0  }
0x9f: {  	[tilespmem:s0+$0x8FA0] =	vst v1  }
0xa0: {  	[tilespmem:s0+$0x8FB0] =	vst v3  }
0xa1: {  	[tilespmem:s0+$0x8FC0] =	vst v4  }
0xa2: {  	[tilespmem:s0+$0x8FD0] =	vst v62  }
.Ltmp6:
0xa3: {  	[tilespmem:s0+$0x8FE0] =	vst v63;
	(pc) =	sbr.rel .LBB2_9-.Ltmp6, $4  }
0xa4: {  	[hbm4b:s8+s3] =	stream.linear.scatter [tilespmem:s26], [sflag:$0x2], $0x800, $0x38;
	[tilespmem:$0xF780] =	vst v63  }
0xa5: {  	_ =	swait.ge [sflag:s10], $0x800  }
0xa6: {  	[sflag:s10] =	ssyncset.done $0x0  }
0xa7: {  	[sflag:s10] =	ssyncadd.s32 $0xFFFFF800  }
.LBB2_10:
0xa8: {  	_ =	sfence.sel $0x180000  }
0xa9: {  	[bflag:$0x0] =	sbarrier.arrive $0xFFFF  }
0xaa: {  	_ =	strace $0x90000047  }
0xab: {  	s0 =	stileid.u32;
	[bflag:$0x2] =	sbarrier.arrive $0xFFFF  }
0xac: {  	p0 =	sne.s32 s0, $0x0;
	s0 =	rddreg [dreg:$0x3]  }
0xad: {  	s0 =	sadd.s32 @!p0 $0x100000, s0  }
0xae: {  	[sflag:s0] =	ssyncadd.tile.s32 @!p0 $0x1;
	_ =	shalt  }
.Lfunc_end2:
_tile_overlayer_lowered:
.L_overlay_start_2:
0xaf: {  	(tag) =	ssettag $0x2  }
0xb0: {  	s0 =	rddreg [dreg:$0x0];
	s2 =	stileid.u32  }
0xb1: {  	s1 =	rddreg [dreg:$0x1];
	p0 =	sne.s32 s2, $0x0  }
0xb2: {  	s3 =	rddreg [dreg:$0x2];
	[bflag:$0x3] =	sbarrier.arrive $0xFFFF;
	s2 =	simm.s32 @!p0 $0x1C02  }
0xb3: {  	[timem:s3], [sflag:s2] =	dma.local @!p0 [hbm:s0], s1  }
0xb4: {  	s0 =	simm.s32 @!p0 $0x2  }
0xb5: {  	_ =	swait.ge @!p0 [sflag:s0], s1  }
0xb6: {  	s1 =	ssub.s32 @!p0 $0x0, s1;
	[sflag:s0] =	ssyncset.done @!p0 $0x0  }
0xb7: {  	[sflag:s0] =	ssyncadd.s32 @!p0 s1  }
0xb8: {  	[bflag:$0x3] =	sbarrier.arrive $0xFFFF  }
0xb9: {  	_ =	shalt  }

// kernel: kernel.9.cloned.1.call-start
scs
__scs_entry_jumppad:
0x0: {  	(pc) =	sbr.rel $0x88, $3  }
0x1: {  	(tag) =	ssettag $0x0;
	lr =	simm.s32 $0x1  }
0x2: {  	[smem:$0x3F9A] =	sst lr;
	_ =	strace $0xD0000000  }
0x3: {  	_ = 	snop  }
0x4: {  	_ = 	snop  }
0x5: {  	_ = 	snop  }
0x6: {  	_ = 	snop  }
0x7: {  	_ = 	snop  }
__scs_overlays_trampoline_lowered:
0x8: {  	[smem:$0x3FA9] =	sst s0  }
0x9: {  	[smem:$0x3FAA] =	sst s1  }
0xa: {  	[smem:$0x3FAB] =	sst s2  }
0xb: {  	[smem:$0x3FAC] =	sst s3  }
0xc: {  	[smem:$0x3FAD] =	sst s4  }
0xd: {  	[smem:$0x3FAE] =	sst s5  }
0xe: {  	[smem:$0x3FAF] =	sst s6  }
0xf: {  	[smem:$0x3FB0] =	sst s7  }
0x10: {  	[smem:$0x3FB1] =	sst s8  }
0x11: {  	[smem:$0x3FB2] =	sst s9;
	s0 =	simm.s32 @!p0 $0x0  }
0x12: {  	s1 =	sld [smem:$0x3F98];
	s0 =	simm.s32 @p0 $0x1  }
0x13: {  	[smem:$0x3FB3] =	sst s0;
	s0 =	simm.s32 @!p1 $0x0  }
0x14: {  	s2 =	sld [smem:$0x3F97];
	s0 =	simm.s32 @p1 $0x1  }
0x15: {  	[smem:$0x3FB4] =	sst s0;
	s0 =	simm.s32 @!p2 $0x0  }
0x16: {  	s3 =	sld [smem:$0x3FDB];
	s0 =	simm.s32 @p2 $0x1  }
0x17: {  	s4 =	simm.s32 $0x1BF5;
	[smem:$0x3FB6] =	sst s0  }
0x18: {  	s0 =	sld [smem:$0x3F99];
	_ =	swait.ge [sflag:s4], $0x0  }
0x19: {  	s7 =	sld [smem:$0x3F9A]  }
0x1a: {  	s8 =	sadd.s32 $0xFFFFE003, lr  }
0x1b: {  	s9 =	sadd.s32 $0xFFFFFEF7, lr;
	s5 =	simm.s32 $0xFFFFFFFF;
	p2 =	slt.u32 s8, $0xFFFFF086  }
0x1c: {  	p1 =	slt.u32 s9, $0xF7A;
	s5 =	simm.s32 @!p2 $0x0  }
0x1d: {  	s5 =	simm.s32 @p1 $0x1;
	p0 =	seq.s32 s7, s2  }
0x1e: {  	s7 =	smul.u32 @!p0 $0xF7A, s2;
	p2 =	seq.s32 @!p0 s5, $0x0  }
0x1f: {  	s9 =	smul.u32 $0xF7A, s1;
	s8 =	simm.s32 @!p0 $0x1BF5;
	p2 =	por !p2, p0  }
0x20: {  	[sflag:s8] =	ssyncset.s32 @!p0 $0xFFFFF086;
	s6 =	sadd.s32 @!p0 s3, s7;
	s7 =	simm.s32 @!p0 $0x108  }
0x21: {  	s3 =	sadd.s32 s3, s9;
	s6 =	sadd.s32 @!p0 $0x88, s6;
	s7 =	simm.s32 @p2 $0x1082  }
0x22: {  	[simem:s7], [sflag:s8] =	dma.local @!p0 [hbm:s6], $0xF7A  }
0x23: {  	s9 =	sor.u32 $0xD0000000, s2;
	s6 =	simm.s32 $0x108;
	_ =	swait.ge @!p0 [sflag:s8], $0x0  }
0x24: {  	s3 =	sadd.s32 $0x88, s3;
	s6 =	simm.s32 @!p1 $0x1082;
	[sflag:s4] =	ssyncset.s32 $0xFFFFF086  }
0x25: {  	[simem:s6], [sflag:s4] =	dma.local [hbm:s3], $0xF7A  }
0x26: {  	[smem:$0x3F9A] =	sst s1;
	(tag) =	ssettag s2;
	_ =	strace s9  }
0x27: {  	s1 =	sld [smem:$0x3FAA]  }
0x28: {  	s2 =	sld [smem:$0x3FAB]  }
0x29: {  	s4 =	sld [smem:$0x3FAD]  }
0x2a: {  	p0 =	seq.s32 s5, $0x0;
	s5 =	sld [smem:$0x3FAE]  }
0x2b: {  	s6 =	sld [smem:$0x3FAF]  }
0x2c: {  	s7 =	sld [smem:$0x3FB0]  }
0x2d: {  	s3 =	simm.s32 $0x108;
	s8 =	sld [smem:$0x3FB1]  }
0x2e: {  	s3 =	simm.s32 @!p0 $0x1082;
	s9 =	sld [smem:$0x3FB2]  }
0x2f: {  	lr =	sadd.s32 s0, s3;
	s0 =	sld [smem:$0x3FA9]  }
0x30: {  	s3 =	sld [smem:$0x3FAC]  }
0x31: {  	[smem:$0x3FB5] =	sst s10  }
0x32: {  	s10 =	sld [smem:$0x3FB3];
	_ =	sdelay $0x3  }
0x33: {  	p0 =	seq.s32 s10, $0x1;
	s10 =	sld [smem:$0x3FB5];
	_ =	sdelay $0x3  }
0x34: {  	[smem:$0x3FB5] =	sst s10  }
0x35: {  	s10 =	sld [smem:$0x3FB4];
	_ =	sdelay $0x3  }
0x36: {  	p1 =	seq.s32 s10, $0x1;
	s10 =	sld [smem:$0x3FB5];
	_ =	sdelay $0x3  }
0x37: {  	[smem:$0x3FB5] =	sst s10  }
0x38: {  	s10 =	sld [smem:$0x3FB6]  }
0x39: {  	_ = 	snop;
	(pc) =	sbr.ind lr, $3  }
0x3a: {  	_ = 	snop  }
0x3b: {  	_ = 	snop  }
0x3c: {  	p2 =	seq.s32 s10, $0x1;
	s10 =	sld [smem:$0x3FB5]  }
0x3d: {  	_ =	shalt  }
0x3e: {  	_ =	shalt  }
0x3f: {  	_ =	shalt  }
0x40: {  	_ =	shalt  }
0x41: {  	_ =	shalt  }
0x42: {  	_ =	shalt  }
0x43: {  	_ =	shalt  }
0x44: {  	_ =	shalt  }
0x45: {  	_ =	shalt  }
0x46: {  	_ =	shalt  }
0x47: {  	_ =	shalt  }
0x48: {  	_ =	shalt  }
0x49: {  	_ =	shalt  }
0x4a: {  	_ =	shalt  }
0x4b: {  	_ =	shalt  }
0x4c: {  	_ =	shalt  }
0x4d: {  	_ =	shalt  }
0x4e: {  	_ =	shalt  }
0x4f: {  	_ =	shalt  }
0x50: {  	_ =	shalt  }
0x51: {  	_ =	shalt  }
0x52: {  	_ =	shalt  }
0x53: {  	_ =	shalt  }
0x54: {  	_ =	shalt  }
0x55: {  	_ =	shalt  }
0x56: {  	_ =	shalt  }
0x57: {  	_ =	shalt  }
0x58: {  	_ =	shalt  }
0x59: {  	_ =	shalt  }
0x5a: {  	_ =	shalt  }
0x5b: {  	_ =	shalt  }
0x5c: {  	_ =	shalt  }
0x5d: {  	_ =	shalt  }
0x5e: {  	_ =	shalt  }
0x5f: {  	_ =	shalt  }
0x60: {  	_ =	shalt  }
0x61: {  	_ =	shalt  }
0x62: {  	_ =	shalt  }
0x63: {  	_ =	shalt  }
0x64: {  	_ =	shalt  }
0x65: {  	_ =	shalt  }
0x66: {  	_ =	shalt  }
0x67: {  	_ =	shalt  }
0x68: {  	_ =	shalt  }
0x69: {  	_ =	shalt  }
0x6a: {  	_ =	shalt  }
0x6b: {  	_ =	shalt  }
0x6c: {  	_ =	shalt  }
0x6d: {  	_ =	shalt  }
0x6e: {  	_ =	shalt  }
0x6f: {  	_ =	shalt  }
0x70: {  	_ =	shalt  }
0x71: {  	_ =	shalt  }
0x72: {  	_ =	shalt  }
0x73: {  	_ =	shalt  }
0x74: {  	_ =	shalt  }
0x75: {  	_ =	shalt  }
0x76: {  	_ =	shalt  }
0x77: {  	_ =	shalt  }
0x78: {  	_ =	shalt  }
0x79: {  	_ =	shalt  }
0x7a: {  	_ =	shalt  }
0x7b: {  	_ =	shalt  }
0x7c: {  	_ =	shalt  }
0x7d: {  	_ =	shalt  }
0x7e: {  	_ =	shalt  }
0x7f: {  	_ =	shalt  }
0x80: {  	_ =	shalt  }
0x81: {  	_ =	shalt  }
0x82: {  	_ =	shalt  }
0x83: {  	_ =	shalt  }
0x84: {  	_ =	shalt  }
0x85: {  	_ =	shalt  }
0x86: {  	_ =	shalt  }
0x87: {  	_ =	shalt  }
.Lfunc_end0:
.L_simem_size_0:
called_computation.1_lowered:
.L_overlay_start_0:
0x88: {  	s2 =	sld [smem:$0x3FD9]  }
0x89: {  	s3 =	sld [smem:$0x3FFE];
	_ =	sdelay $0x1  }
0x8a: {  	s1 =	srdreg.scid  }
0x8b: {  	s0 =	sand.u32 $0x1, s1  }
0x8c: {  	s17 =	sshll.u32 s0, $0xA;
	s2 =	sadd.s32 s3, s2  }
0x8d: {  	s2 =	sadd.s32 s2, s17  }
0x8e: {  	[smem:$0x3FC1] =	sst s2  }
0x8f: {  	_ = 	snop  }
0x90: {  	s2 =	sld [smem:$0x3FC7];
	(tm) =	ssettm $0x1  }
0x91: {  	s18 =	sld [smem:$0x3FFB];
	_ =	sdelay $0x3  }
0x92: {  	_ =	strace s18  }
0x93: {  	s3 =	sld [smem:$0x3FFC];
	_ =	sdelay $0x3  }
0x94: {  	_ =	strace s3  }
0x95: {  	s3 =	sld [smem:$0x3FFD];
	_ =	sdelay $0x3  }
0x96: {  	_ =	strace s3  }
0x97: {  	_ =	strace $0x8FFFFFFF  }
0x98: {  	s19 =	sld [smem:$0x3FDB];
	_ =	sdelay $0x1  }
0x99: {  	s4 =	simm.s32 $_scs_section_size  }
0x9a: {  	s5 =	simm.s32 $_size__tile_overlayer_lowered;
	s6 =	simm.s32 $_tile_overlayer_lowered  }
0x9b: {  	s22 =	simm.s32 $0x1BFF;
	s21 =	sshll.u32 s6, $0x1;
	s3 =	sadd.s32 s4, s19  }
0x9c: {  	s7 =	simm.s32 $0x0;
	s20 =	sshll.u32 s5, $0x1;
	s5 =	sadd.s32 s21, s3  }
0x9d: {  	[timem:s7], [sflag:s22] =	dma.local [hbm:s5], s20  }
0x9e: {  	_ =	swait.ge [sflag:s22], s20  }
0x9f: {  	s4 =	ssub.s32 $0x0, s20;
	[sflag:s22] =	ssyncset.done $0x0  }
0xa0: {  	[sflag:s22] =	ssyncadd.s32 s4;
	_ =	sdelay $0x1  }
0xa1: {  	s23 =	simm.s32 $0x1B8B  }
0xa2: {  	_ =	swait.ge [sflag:s23], $0x1  }
0xa3: {  	[sflag:s23] =	ssyncset.done $0x0  }
0xa4: {  	s25 =	simm.s32 $0x1B8E;
	s24 =	sld [smem:$0x3FFE];
	[sflag:s23] =	ssyncadd.s32 $0xFFFFFFFF  }
0xa5: {  	s26 =	simm.s32 $execute0_lowered;
	[smem:$0x3FD2] =	sst s25  }
0xa6: {  	s5 =	sshll.u32 s26, $0x1;
	_ =	strace $0x80000049;
	[dreg:$0x1] =	wrdreg $0xFFFFFFFF  }
0xa7: {  	s28 =	simm.s32 $_size_execute0_lowered;
	s3 =	sadd.s32 s3, s5;
	[dreg:$0x0] =	wrdreg $0x0  }
0xa8: {  	s5 =	sshll.u32 s28, $0x1;
	[dreg:$0x2] =	wrdreg s3  }
0xa9: {  	[dreg:$0x3] =	wrdreg s5  }
0xaa: {  	[dreg:$0x4] =	wrdreg $0xC0  }
0xab: {  	_ =	task [dreg:s7], $0x5FFFF  }
0xac: {  	[dreg:$0x1] =	wrdreg $0xFFFFFFFF  }
0xad: {  	[dreg:$0x0] =	wrdreg $0x60  }
0xae: {  	[dreg:$0x2] =	wrdreg s24  }
0xaf: {  	[dreg:$0x3] =	wrdreg s2  }
0xb0: {  	[dreg:$0x4] =	wrdreg $0x0  }
0xb1: {  	[dreg:$0x5] =	wrdreg $0x9  }
0xb2: {  	_ =	task.clear_ibuf [dreg:s7], $0x6FFFF;
	_ =	strace $0x90000049  }
0xb3: {  	s29 =	simm.s32 $0x9;
	_ =	strace $0x8000004B  }
0xb4: {  	_ =	swait.ge [sflag:s29], $0x1  }
0xb5: {  	[sflag:s29] =	ssyncadd.s32 $0xFFFFFFFF  }
0xb6: {  	_ =	strace $0x9000004B  }
0xb7: {  	_ =	sfence  }
0xb8: {  	s30 =	sld [smem:$0x0];
	_ =	sdelay $0x2  }
0xb9: {  	s31 =	sshll.u32 s1, $0xD;
	s1 =	sshrl.u32 s1, $0x2  }
0xba: {  	s3 =	sand.u32 $0x4000, s31;
	s1 =	sadd.s32 s1, s30  }
0xbb: {  	s0 =	sor.u32 s3, s0;
	s1 =	sshll.u32 s1, $0x11  }
0xbc: {  	s0 =	sor.u32 s1, s0  }
0xbd: {  	s0 =	sadd.s32 $0x8F2B, s0  }
0xbe: {  	[sflag:s0] =	ssyncadd.remote.s32 $0x1  }
0xbf: {  	_ =	sfence.sel $0xFFFF  }
0xc0: {  	[dreg:$0x0] =	wrdreg $0xFFFFFFFF;
	(pc) =	sbr.abs _section_cstart, $3  }
0xc1: {  	[dreg:$0x1] =	wrdreg $0xFFFFFFFF  }
0xc2: {  	_ =	task.clear_ibuf [dreg:s7], $0x2FFFF;
	_ =	strace $0x9FFFFFFF  }
0xc3: {  	(tm) =	ssettm $0x7FFFFFFF  }
tec
execute0_lowered:
.L_overlay_start_1:
0x0: {  	(tag) =	ssettag $0x1  }
0x1: {  	s0 =	rddreg [dreg:$0x0]  }
0x2: {  	s1 =	srdreg.scid;
	s3 =	rddreg [dreg:$0x1]  }
0x3: {  	s12 =	stileid.u32;
	s2 =	rddreg [dreg:$0x2];
	s6 =	simm.s32 $0x0  }
0x4: {  	s13 =	simm.s32 $0x1;
	s14 =	simm.s32 $0xB690;
	s15 =	simm.s32 $0x80  }
0x5: {  	s16 =	simm.s32 $0x4E90;
	s17 =	simm.s32 $0x5690;
	s18 =	simm.s32 $0x5E90  }
0x6: {  	s19 =	simm.s32 $0x6690;
	s20 =	simm.s32 $0x6E90;
	s21 =	simm.s32 $0x7690  }
0x7: {  	s22 =	simm.s32 $0x7E90;
	s28 =	simm.s32 $0xA690;
	s29 =	simm.s32 $0xAE90  }
0x8: {  	s30 =	simm.s32 $0x4E10;
	s31 =	simm.s32 $0x0;
	s1 =	sand.u32 $0x1, s1  }
0x9: {  	s5 =	smul.u32 $0x3E80, s12;
	[smem:$0x7FF] =	sst s6;
	s7 =	sshll.u32 s12, $0x1  }
0xa: {  	s8 =	smul.u32 $0xFA00, s12;
	p0 =	sgt.u32 s12, $0x9;
	p1 =	sgt.u32 s12, $0x1  }
0xb: {  	s4 =	smul.u32 $0x27100, s1;
	_ =	strace $0x8000004A;
	s23 =	ssub.s32 $0x2, s1  }
0xc: {  	s1 =	sor.u32 s1, s7;
	s9 =	sshrl.u32 s23, $0x1;
	s24 =	sshrl.u32 s8, $0x2  }
0xd: {  	s5 =	sadd.s32 s5, s4;
	s4 =	sadd.s32 $0x4800, s0;
	s25 =	ssub.s32 s23, s9  }
0xe: {  	s6 =	sadd.s32 s24, s2;
	s23 =	simm.s32 $0x8690;
	s24 =	simm.s32 $0x8E90  }
.Ltmp0:
0xf: {  	s5 =	sshrl.u32 s5, $0x3;
	s11 =	smax.u32 s25, $0x1;
	(pc) =	sbr.rel .LBB2_1-.Ltmp0, $4  }
0x10: {  	s0 =	sadd.s32 s5, s0;
	s5 =	smul.u32 $0x4E0, s1;
	s1 =	sor.u32 $0x9C0, s1  }
0x11: {  	s25 =	simm.s32 $0x9690;
	s26 =	sshll.u32 s1, $0x4;
	s1 =	sshll.u32 s1, $0x8  }
0x12: {  	s10 =	sadd.s32 $0xA0C00, s0;
	s7 =	sadd.s32 s3, s5;
	s3 =	sadd.s32 s3, s26  }
0x13: {  	v0 =	vimm.f32 $0.0e+00;
	s9 =	sadd.s32 s4, s1;
	s26 =	simm.s32 $0x9E90;
	[dreg:$0x4] =	wrdreg s3  }
.LBB2_15:
0x14: {  	s31 =	sadd.s32 $0x1, s31  }
0x15: {  	p2 =	sne.s32 s31, s11  }
.Ltmp1:
0x16: {  	_ = 	snop;
	(pc) =	sbr.rel @!p2 .LBB2_16-.Ltmp1, $1  }
0x17: {  	_ =	sdelay $0x3  }
.LBB2_1:
0x18: {  	s0 =	simm.s32 $0x40;
	s1 =	simm.s32 $0x0  }
.LBB2_2:
0x19: {  	p2 =	sne.s32 s0, $0xF9C0;
	[tilespmem:s1+$0x4E90] =	vst v0;
	s1 =	smov.u32 s0;
	s0 =	sadd.s32 $0x40, s0  }
.Ltmp2:
0x1a: {  	(pc) =	sbr.rel @p2 .LBB2_2-.Ltmp2, $2  }
0x1b: {  	_ =	sdelay $0x2  }
0x1c: {  	s1 =	sshra.s32 s1, $0x2  }
0x1d: {  	[tilespmem:s1+$0x4E90] =	vst v0;
	s0 =	simm.s32 @!p0 $0x4E90  }
0x1e: {  	[spmem:s6] =	stream.linear.scatter @!p0 [tilespmem:s0], [sflag:$0x1], $0x3E80, $0x38;
	[tilespmem:$0x11E90] =	vst v63  }
0x1f: {  	s0 =	simm.s32 @!p0 $0x1  }
0x20: {  	_ =	swait.ge @!p0 [sflag:s0], $0x3E80  }
0x21: {  	[sflag:s0] =	ssyncset.done @!p0 $0x0  }
0x22: {  	[sflag:s0] =	ssyncadd.s32 @!p0 $0xFFFFC180  }
0x23: {  	s1 =	simm.s32 $0x0;
	s12 =	simm.s32 $0x2710;
	[bflag:$0x0] =	sbarrier.arrive $0xFFFF  }
0x24: {  	[tilespmem:s12], [sflag:$0x1] =	stream.linear.gather [hbm4b:s7+s1], $0x2700, $0x38;
	[tilespmem:$0x11E90] =	vst v63  }
0x25: {  	_ =	swait.ge [sflag:s13], $0x2700  }
0x26: {  	[sflag:s13] =	ssyncset.done $0x0  }
0x27: {  	s0 =	simm.s32 $0x0;
	[sflag:s13] =	ssyncadd.s32 $0xFFFFD900  }
.LBB2_4:
0x28: {  	s3 =	smul.u32 $0xD0, s0;
	_ =	sdelay $0x1  }
0x29: {  	s3 =	sadd.s32 s5, s3  }
0x2a: {  	s3 =	sshll.u32 s3, $0x4  }
0x2b: {  	s3 =	sadd.s32 s4, s3  }
0x2c: {  	[tilespmem:s14], [sflag:$0x1] =	stream.linear.gather [hbm4b:s3+s1], $0x6800, $0x38;
	[tilespmem:$0x11E90] =	vst v63  }
0x2d: {  	_ =	swait.ge [sflag:s13], $0x6800  }
0x2e: {  	[sflag:s13] =	ssyncset.done $0x0  }
0x2f: {  	s3 =	simm.s32 $0x0;
	[sflag:s13] =	ssyncadd.s32 $0xFFFF9800  }
0x30: {  	v4 =	vld [tilespmem:s3+$0xB700]  }
0x31: {  	v5 =	vld [tilespmem:s3+$0xB690]  }
0x32: {  	v6 =	vld [tilespmem:s3+$0xB6A0]  }
0x33: {  	v3 =	vld [tilespmem:s3+$0xB6B0]  }
0x34: {  	v1 =	vld [tilespmem:s3+$0xB6C0]  }
0x35: {  	v2 =	vld [tilespmem:s3+$0xB6D0];
	[tilespmem:s3+$0x4F00] =	vst v4  }
0x36: {  	[tilespmem:s3+$0x4E90] =	vst v5;
	v4 =	vld [tilespmem:s3+$0xB6E0]  }
0x37: {  	s12 =	simm.s32 $0x80;
	s8 =	simm.s32 $0x400;
	[tilespmem:s3+$0x4EA0] =	vst v6;
	v5 =	vld [tilespmem:s3+$0xB6F0]  }
.LBB2_5:
0x38: {  	p2 =	sne.s32 s8, $0x19E00;
	v6 =	vld [tilespmem:s12+$0xB700];
	[tilespmem:s3+$0x4EB0] =	vst v3  }
0x39: {  	v7 =	vld [tilespmem:s12+$0xB690];
	[tilespmem:s3+$0x4EC0] =	vst v1  }
0x3a: {  	v8 =	vld [tilespmem:s12+$0xB6A0];
	[tilespmem:s3+$0x4ED0] =	vst v2  }
.Ltmp3:
0x3b: {  	v3 =	vld [tilespmem:s12+$0xB6B0];
	[tilespmem:s3+$0x4EE0] =	vst v4;
	(pc) =	sbr.rel @p2 .LBB2_5-.Ltmp3, $4  }
0x3c: {  	v1 =	vld [tilespmem:s12+$0xB6C0];
	[tilespmem:s3+$0x4EF0] =	vst v5;
	s3 =	smov.u32 s12  }
0x3d: {  	v2 =	vld [tilespmem:s3+$0xB6D0];
	[tilespmem:s3+$0x4F00] =	vst v6  }
0x3e: {  	[tilespmem:s3+$0x4E90] =	vst v7;
	v4 =	vld [tilespmem:s3+$0xB6E0]  }
0x3f: {  	s12 =	sshra.s32 s8, $0x2;
	s8 =	sadd.s32 $0x200, s8;
	[tilespmem:s3+$0x4EA0] =	vst v8;
	v5 =	vld [tilespmem:s3+$0xB6F0]  }
0x40: {  	v6 =	vld [tilespmem:s12+$0xB700];
	[tilespmem:s3+$0x4EB0] =	vst v3  }
0x41: {  	v3 =	vld [tilespmem:s12+$0xB690];
	[tilespmem:s3+$0x4EC0] =	vst v1  }
0x42: {  	v1 =	vld [tilespmem:s12+$0xB6A0];
	[tilespmem:s3+$0x4ED0] =	vst v2  }
0x43: {  	v2 =	vld [tilespmem:s12+$0xB6B0];
	[tilespmem:s3+$0x4EE0] =	vst v4  }
0x44: {  	v4 =	vld [tilespmem:s12+$0xB6C0];
	[tilespmem:s3+$0x4EF0] =	vst v5  }
0x45: {  	v5 =	vld [tilespmem:s12+$0xB6D0];
	[tilespmem:s12+$0x4F00] =	vst v6  }
0x46: {  	[tilespmem:s12+$0x4E90] =	vst v3;
	v3 =	vld [tilespmem:s12+$0xB6E0]  }
0x47: {  	[tilespmem:s12+$0x4EA0] =	vst v1;
	v1 =	vld [tilespmem:s12+$0xB6F0]  }
0x48: {  	[tilespmem:s12+$0x4EB0] =	vst v2  }
0x49: {  	s8 =	smul.u32 $0x1A00, s0;
	[tilespmem:s12+$0x4EC0] =	vst v4  }
0x4a: {  	[tilespmem:s12+$0x4ED0] =	vst v5  }
0x4b: {  	s3 =	sshra.s32 s8, $0x2;
	[tilespmem:s12+$0x4EE0] =	vst v3  }
0x4c: {  	s8 =	sadd.s32 $0x2710, s3;
	[tilespmem:s12+$0x4EF0] =	vst v1  }
0x4d: {  	[spmem:s2] =	stream.indirect.scatter.add.f32 [tilespmem:s16], [sflag:$0x1], $0x10, s8, s15, $0xb8;
	[tilespmem:$0x11E90] =	vst v63  }
0x4e: {  	_ =	swait.ge [sflag:s13], $0x800  }
0x4f: {  	[sflag:s13] =	ssyncset.done $0x0  }
0x50: {  	s12 =	sadd.s32 $0x2790, s3;
	[sflag:s13] =	ssyncadd.s32 $0xFFFFF800  }
0x51: {  	[spmem:s2] =	stream.indirect.scatter.add.f32 [tilespmem:s17], [sflag:$0x1], $0x10, s12, s15, $0xb8;
	[tilespmem:$0x11E90] =	vst v63  }
0x52: {  	_ =	swait.ge [sflag:s13], $0x800  }
0x53: {  	[sflag:s13] =	ssyncset.done $0x0  }
0x54: {  	s12 =	sadd.s32 $0x2810, s3;
	[sflag:s13] =	ssyncadd.s32 $0xFFFFF800  }
0x55: {  	[spmem:s2] =	stream.indirect.scatter.add.f32 [tilespmem:s18], [sflag:$0x1], $0x10, s12, s15, $0xb8;
	[tilespmem:$0x11E90] =	vst v63  }
0x56: {  	_ =	swait.ge [sflag:s13], $0x800  }
0x57: {  	[sflag:s13] =	ssyncset.done $0x0  }
0x58: {  	s12 =	sadd.s32 $0x2890, s3;
	[sflag:s13] =	ssyncadd.s32 $0xFFFFF800  }
0x59: {  	[spmem:s2] =	stream.indirect.scatter.add.f32 [tilespmem:s19], [sflag:$0x1], $0x10, s12, s15, $0xb8;
	[tilespmem:$0x11E90] =	vst v63  }
0x5a: {  	_ =	swait.ge [sflag:s13], $0x800  }
0x5b: {  	[sflag:s13] =	ssyncset.done $0x0  }
0x5c: {  	s12 =	sadd.s32 $0x2910, s3;
	[sflag:s13] =	ssyncadd.s32 $0xFFFFF800  }
0x5d: {  	[spmem:s2] =	stream.indirect.scatter.add.f32 [tilespmem:s20], [sflag:$0x1], $0x10, s12, s15, $0xb8;
	[tilespmem:$0x11E90] =	vst v63  }
0x5e: {  	_ =	swait.ge [sflag:s13], $0x800  }
0x5f: {  	[sflag:s13] =	ssyncset.done $0x0  }
0x60: {  	s12 =	sadd.s32 $0x2990, s3;
	[sflag:s13] =	ssyncadd.s32 $0xFFFFF800  }
0x61: {  	[spmem:s2] =	stream.indirect.scatter.add.f32 [tilespmem:s21], [sflag:$0x1], $0x10, s12, s15, $0xb8;
	[tilespmem:$0x11E90] =	vst v63  }
0x62: {  	_ =	swait.ge [sflag:s13], $0x800  }
0x63: {  	[sflag:s13] =	ssyncset.done $0x0  }
0x64: {  	s12 =	sadd.s32 $0x2A10, s3;
	[sflag:s13] =	ssyncadd.s32 $0xFFFFF800  }
0x65: {  	[spmem:s2] =	stream.indirect.scatter.add.f32 [tilespmem:s22], [sflag:$0x1], $0x10, s12, s15, $0xb8;
	[tilespmem:$0x11E90] =	vst v63  }
0x66: {  	_ =	swait.ge [sflag:s13], $0x800  }
0x67: {  	[sflag:s13] =	ssyncset.done $0x0  }
0x68: {  	s12 =	sadd.s32 $0x2A90, s3;
	[sflag:s13] =	ssyncadd.s32 $0xFFFFF800  }
0x69: {  	[spmem:s2] =	stream.indirect.scatter.add.f32 [tilespmem:s23], [sflag:$0x1], $0x10, s12, s15, $0xb8;
	[tilespmem:$0x11E90] =	vst v63  }
0x6a: {  	_ =	swait.ge [sflag:s13], $0x800  }
0x6b: {  	[sflag:s13] =	ssyncset.done $0x0  }
0x6c: {  	s12 =	sadd.s32 $0x2B10, s3;
	[sflag:s13] =	ssyncadd.s32 $0xFFFFF800  }
0x6d: {  	[spmem:s2] =	stream.indirect.scatter.add.f32 [tilespmem:s24], [sflag:$0x1], $0x10, s12, s15, $0xb8;
	[tilespmem:$0x11E90] =	vst v63  }
0x6e: {  	_ =	swait.ge [sflag:s13], $0x800  }
0x6f: {  	[sflag:s13] =	ssyncset.done $0x0  }
0x70: {  	s12 =	sadd.s32 $0x2B90, s3;
	[sflag:s13] =	ssyncadd.s32 $0xFFFFF800  }
0x71: {  	[spmem:s2] =	stream.indirect.scatter.add.f32 [tilespmem:s25], [sflag:$0x1], $0x10, s12, s15, $0xb8;
	[tilespmem:$0x11E90] =	vst v63  }
0x72: {  	_ =	swait.ge [sflag:s13], $0x800  }
0x73: {  	[sflag:s13] =	ssyncset.done $0x0  }
0x74: {  	s12 =	sadd.s32 $0x2C10, s3;
	[sflag:s13] =	ssyncadd.s32 $0xFFFFF800  }
0x75: {  	[spmem:s2] =	stream.indirect.scatter.add.f32 [tilespmem:s26], [sflag:$0x1], $0x10, s12, s15, $0xb8;
	[tilespmem:$0x11E90] =	vst v63  }
0x76: {  	_ =	swait.ge [sflag:s13], $0x800  }
0x77: {  	[sflag:s13] =	ssyncset.done $0x0  }
0x78: {  	s12 =	sadd.s32 $0x2C90, s3;
	[sflag:s13] =	ssyncadd.s32 $0xFFFFF800  }
0x79: {  	[spmem:s2] =	stream.indirect.scatter.add.f32 [tilespmem:s28], [sflag:$0x1], $0x10, s12, s15, $0xb8;
	[tilespmem:$0x11E90] =	vst v63  }
0x7a: {  	s0 =	sadd.s32 $0x1, s0;
	_ =	swait.ge [sflag:s13], $0x800  }
0x7b: {  	p2 =	sne.s32 s0, $0x6;
	[sflag:s13] =	ssyncset.done $0x0  }
.Ltmp4:
0x7c: {  	s3 =	sadd.s32 $0x2D10, s3;
	[sflag:s13] =	ssyncadd.s32 $0xFFFFF800;
	(pc) =	sbr.rel @p2 .LBB2_4-.Ltmp4, $4  }
0x7d: {  	[spmem:s2] =	stream.indirect.scatter.add.f32 [tilespmem:s29], [sflag:$0x1], $0x10, s3, s15, $0xb8;
	[tilespmem:$0x11E90] =	vst v63  }
0x7e: {  	_ =	swait.ge [sflag:s13], $0x800  }
0x7f: {  	[sflag:s13] =	ssyncset.done $0x0  }
0x80: {  	[sflag:s13] =	ssyncadd.s32 $0xFFFFF800  }
.Ltmp5:
0x81: {  	(pc) =	sbr.rel @p1 .LBB2_11-.Ltmp5, $1  }
0x82: {  	_ =	sdelay $0x3  }
0x83: {  	s0 =	simm.s32 $0x0;
	s1 =	rddreg [dreg:$0x4]  }
0x84: {  	[tilespmem:s30], [sflag:$0x1] =	stream.linear.gather [hbm4b:s1+s0], $0x80, $0x38;
	[tilespmem:$0x11E90] =	vst v63  }
0x85: {  	_ =	swait.ge [sflag:s13], $0x80  }
0x86: {  	[sflag:s13] =	ssyncset.done $0x0  }
0x87: {  	[sflag:s13] =	ssyncadd.s32 $0xFFFFFF80  }
0x88: {  	[tilespmem:s14], [sflag:$0x1] =	stream.linear.gather [hbm4b:s9+s0], $0x800, $0x38;
	[tilespmem:$0x11E90] =	vst v63  }
0x89: {  	_ =	swait.ge [sflag:s13], $0x800  }
0x8a: {  	[sflag:s13] =	ssyncset.done $0x0  }
0x8b: {  	s0 =	simm.s32 $0x0;
	[sflag:s13] =	ssyncadd.s32 $0xFFFFF800  }
0x8c: {  	v4 =	vld [tilespmem:s0+$0xB700]  }
0x8d: {  	v5 =	vld [tilespmem:s0+$0xB690]  }
0x8e: {  	v6 =	vld [tilespmem:s0+$0xB6A0]  }
0x8f: {  	v3 =	vld [tilespmem:s0+$0xB6B0]  }
0x90: {  	v1 =	vld [tilespmem:s0+$0xB6C0]  }
0x91: {  	v2 =	vld [tilespmem:s0+$0xB6D0];
	[tilespmem:s0+$0x4F00] =	vst v4  }
0x92: {  	[tilespmem:s0+$0x4E90] =	vst v5;
	v4 =	vld [tilespmem:s0+$0xB6E0]  }
0x93: {  	s3 =	simm.s32 $0x400;
	s1 =	simm.s32 $0x80;
	[tilespmem:s0+$0x4EA0] =	vst v6;
	v5 =	vld [tilespmem:s0+$0xB6F0]  }
.LBB2_9:
0x94: {  	p2 =	sne.s32 s3, $0x1E00;
	v6 =	vld [tilespmem:s1+$0xB700];
	[tilespmem:s0+$0x4EB0] =	vst v3  }
0x95: {  	v7 =	vld [tilespmem:s1+$0xB690];
	[tilespmem:s0+$0x4EC0] =	vst v1  }
0x96: {  	v8 =	vld [tilespmem:s1+$0xB6A0];
	[tilespmem:s0+$0x4ED0] =	vst v2  }
.Ltmp6:
0x97: {  	v3 =	vld [tilespmem:s1+$0xB6B0];
	[tilespmem:s0+$0x4EE0] =	vst v4;
	(pc) =	sbr.rel @p2 .LBB2_9-.Ltmp6, $4  }
0x98: {  	v1 =	vld [tilespmem:s1+$0xB6C0];
	[tilespmem:s0+$0x4EF0] =	vst v5;
	s0 =	smov.u32 s1  }
0x99: {  	v2 =	vld [tilespmem:s0+$0xB6D0];
	[tilespmem:s0+$0x4F00] =	vst v6  }
0x9a: {  	[tilespmem:s0+$0x4E90] =	vst v7;
	v4 =	vld [tilespmem:s0+$0xB6E0]  }
0x9b: {  	s1 =	sshra.s32 s3, $0x2;
	s3 =	sadd.s32 $0x200, s3;
	[tilespmem:s0+$0x4EA0] =	vst v8;
	v5 =	vld [tilespmem:s0+$0xB6F0]  }
0x9c: {  	v6 =	vld [tilespmem:s1+$0xB700];
	[tilespmem:s0+$0x4EB0] =	vst v3  }
0x9d: {  	v3 =	vld [tilespmem:s1+$0xB690];
	[tilespmem:s0+$0x4EC0] =	vst v1  }
0x9e: {  	v1 =	vld [tilespmem:s1+$0xB6A0];
	[tilespmem:s0+$0x4ED0] =	vst v2  }
0x9f: {  	v2 =	vld [tilespmem:s1+$0xB6B0];
	[tilespmem:s0+$0x4EE0] =	vst v4  }
0xa0: {  	v4 =	vld [tilespmem:s1+$0xB6C0];
	[tilespmem:s0+$0x4EF0] =	vst v5  }
0xa1: {  	v5 =	vld [tilespmem:s1+$0xB6D0];
	[tilespmem:s1+$0x4F00] =	vst v6  }
0xa2: {  	[tilespmem:s1+$0x4E90] =	vst v3;
	v3 =	vld [tilespmem:s1+$0xB6E0]  }
0xa3: {  	[tilespmem:s1+$0x4EA0] =	vst v1;
	v1 =	vld [tilespmem:s1+$0xB6F0]  }
0xa4: {  	[tilespmem:s1+$0x4EB0] =	vst v2  }
0xa5: {  	[tilespmem:s1+$0x4EC0] =	vst v4  }
0xa6: {  	[tilespmem:s1+$0x4ED0] =	vst v5  }
0xa7: {  	[tilespmem:s1+$0x4EE0] =	vst v3  }
0xa8: {  	[tilespmem:s1+$0x4EF0] =	vst v1  }
0xa9: {  	[spmem:s2] =	stream.indirect.scatter.add.f32 [tilespmem:s16], [sflag:$0x1], $0x10, s30, s15, $0xb8;
	[tilespmem:$0x11E90] =	vst v63  }
.Ltmp7:
0xaa: {  	_ =	swait.ge [sflag:s13], $0x800;
	(pc) =	sbr.rel .LBB2_12-.Ltmp7, $3  }
0xab: {  	[sflag:s13] =	ssyncset.done $0x0  }
0xac: {  	[sflag:s13] =	ssyncadd.s32 $0xFFFFF800  }
0xad: {  	[bflag:$0x0] =	sbarrier.arrive $0xFFFF;
	_ =	sdelay $0x1  }
.LBB2_11:
.Ltmp8:
0xae: {  	(pc) =	sbr.rel @p0 .LBB2_15-.Ltmp8, $2  }
0xaf: {  	_ =	sdelay $0x1  }
0xb0: {  	[bflag:$0x0] =	sbarrier.arrive $0xFFFF;
	_ =	sdelay $0x1  }
.LBB2_12:
0xb1: {  	[tilespmem:s16], [sflag:$0x1] =	stream.linear.gather [spmem:s6], $0x3E80, $0x38;
	[tilespmem:$0x11E90] =	vst v63  }
0xb2: {  	_ =	swait.ge [sflag:s13], $0x3E80  }
0xb3: {  	[sflag:s13] =	ssyncset.done $0x0  }
0xb4: {  	s0 =	simm.s32 $0x0;
	[sflag:s13] =	ssyncadd.s32 $0xFFFFC180  }
0xb5: {  	v4 =	vld [tilespmem:s0+$0x4F00]  }
0xb6: {  	v5 =	vld [tilespmem:s0+$0x4E90]  }
0xb7: {  	v6 =	vld [tilespmem:s0+$0x4EA0]  }
0xb8: {  	v3 =	vld [tilespmem:s0+$0x4EB0]  }
0xb9: {  	v1 =	vld [tilespmem:s0+$0x4EC0]  }
0xba: {  	v2 =	vld [tilespmem:s0+$0x4ED0];
	[tilespmem:s0+$0xB700] =	vst v4  }
0xbb: {  	[tilespmem:s0+$0xB690] =	vst v5;
	v4 =	vld [tilespmem:s0+$0x4EE0]  }
0xbc: {  	s1 =	simm.s32 $0x80;
	s3 =	simm.s32 $0x400;
	[tilespmem:s0+$0xB6A0] =	vst v6;
	v5 =	vld [tilespmem:s0+$0x4EF0]  }
.LBB2_13:
0xbd: {  	p2 =	sne.s32 s3, $0xF800;
	v6 =	vld [tilespmem:s1+$0x4F00];
	[tilespmem:s0+$0xB6B0] =	vst v3  }
0xbe: {  	v7 =	vld [tilespmem:s1+$0x4E90];
	[tilespmem:s0+$0xB6C0] =	vst v1  }
0xbf: {  	v8 =	vld [tilespmem:s1+$0x4EA0];
	[tilespmem:s0+$0xB6D0] =	vst v2  }
.Ltmp9:
0xc0: {  	v3 =	vld [tilespmem:s1+$0x4EB0];
	[tilespmem:s0+$0xB6E0] =	vst v4;
	(pc) =	sbr.rel @p2 .LBB2_13-.Ltmp9, $4  }
0xc1: {  	v1 =	vld [tilespmem:s1+$0x4EC0];
	[tilespmem:s0+$0xB6F0] =	vst v5;
	s0 =	smov.u32 s1  }
0xc2: {  	v2 =	vld [tilespmem:s0+$0x4ED0];
	[tilespmem:s0+$0xB700] =	vst v6  }
0xc3: {  	[tilespmem:s0+$0xB690] =	vst v7;
	v4 =	vld [tilespmem:s0+$0x4EE0]  }
0xc4: {  	s1 =	sshra.s32 s3, $0x2;
	s3 =	sadd.s32 $0x200, s3;
	[tilespmem:s0+$0xB6A0] =	vst v8;
	v5 =	vld [tilespmem:s0+$0x4EF0]  }
0xc5: {  	v6 =	vld [tilespmem:s1+$0x4F00];
	[tilespmem:s0+$0xB6B0] =	vst v3  }
0xc6: {  	v3 =	vld [tilespmem:s1+$0x4E90];
	[tilespmem:s0+$0xB6C0] =	vst v1  }
0xc7: {  	v1 =	vld [tilespmem:s1+$0x4EA0];
	[tilespmem:s0+$0xB6D0] =	vst v2  }
0xc8: {  	v2 =	vld [tilespmem:s1+$0x4EB0];
	[tilespmem:s0+$0xB6E0] =	vst v4  }
0xc9: {  	v4 =	vld [tilespmem:s1+$0x4EC0];
	[tilespmem:s0+$0xB6F0] =	vst v5  }
0xca: {  	v5 =	vld [tilespmem:s1+$0x4ED0];
	[tilespmem:s1+$0xB700] =	vst v6  }
0xcb: {  	[tilespmem:s1+$0xB690] =	vst v3;
	v3 =	vld [tilespmem:s1+$0x4EE0]  }
0xcc: {  	[tilespmem:s1+$0xB6A0] =	vst v1;
	v1 =	vld [tilespmem:s1+$0x4EF0]  }
0xcd: {  	[tilespmem:s1+$0xB6B0] =	vst v2  }
0xce: {  	[tilespmem:s1+$0xB6C0] =	vst v4  }
0xcf: {  	[tilespmem:s1+$0xB6D0] =	vst v5  }
0xd0: {  	[tilespmem:s1+$0xB6E0] =	vst v3  }
.Ltmp10:
0xd1: {  	s12 =	simm.s32 $0x0;
	[tilespmem:s1+$0xB6F0] =	vst v1;
	(pc) =	sbr.rel .LBB2_15-.Ltmp10, $4  }
0xd2: {  	[hbm4b:s10+s12] =	stream.linear.scatter [tilespmem:s14], [sflag:$0x1], $0x3E80, $0x38;
	[tilespmem:$0x11E90] =	vst v63  }
0xd3: {  	_ =	swait.ge [sflag:s13], $0x3E80  }
0xd4: {  	[sflag:s13] =	ssyncset.done $0x0  }
0xd5: {  	[sflag:s13] =	ssyncadd.s32 $0xFFFFC180  }
.LBB2_16:
0xd6: {  	_ =	sfence.sel $0x180000  }
0xd7: {  	[bflag:$0x0] =	sbarrier.arrive $0xFFFF  }
0xd8: {  	_ =	strace $0x9000004A  }
0xd9: {  	s0 =	stileid.u32;
	[bflag:$0x2] =	sbarrier.arrive $0xFFFF  }
0xda: {  	p0 =	sne.s32 s0, $0x0;
	s0 =	rddreg [dreg:$0x3]  }
0xdb: {  	s0 =	sadd.s32 @!p0 $0x100000, s0  }
0xdc: {  	[sflag:s0] =	ssyncadd.tile.s32 @!p0 $0x1;
	_ =	shalt  }
.Lfunc_end2:
_tile_overlayer_lowered:
.L_overlay_start_2:
0xdd: {  	(tag) =	ssettag $0x2  }
0xde: {  	s0 =	rddreg [dreg:$0x0];
	s2 =	stileid.u32  }
0xdf: {  	s1 =	rddreg [dreg:$0x1];
	p0 =	sne.s32 s2, $0x0  }
0xe0: {  	s3 =	rddreg [dreg:$0x2];
	[bflag:$0x3] =	sbarrier.arrive $0xFFFF;
	s2 =	simm.s32 @!p0 $0x1C01  }
0xe1: {  	[timem:s3], [sflag:s2] =	dma.local @!p0 [hbm:s0], s1  }
0xe2: {  	s0 =	simm.s32 @!p0 $0x1  }
0xe3: {  	_ =	swait.ge @!p0 [sflag:s0], s1  }
0xe4: {  	s1 =	ssub.s32 @!p0 $0x0, s1;
	[sflag:s0] =	ssyncset.done @!p0 $0x0  }
0xe5: {  	[sflag:s0] =	ssyncadd.s32 @!p0 s1  }
0xe6: {  	[bflag:$0x3] =	sbarrier.arrive $0xFFFF  }
0xe7: {  	_ =	shalt  }

</sc_bundles>
